<compile_context>
chip_gen: v7x
topology: tpu7x:2x2x1
jax: 0.10.2.dev20260603
libtpu: 0.0.44.dev20260713+nightly
codegen_flags: <defaults>
</compile_context>

<pallas_src>
import functools

import jax
import jax.numpy as jnp
from jax import lax
from jax.experimental import pallas as pl
from jax.experimental.pallas import tpu as pltpu
from jax.experimental.pallas import tpu_sc as plsc

B = 16384
D = 16
NUM_CORES = 2
NUM_SUBCORES = 16
NW = NUM_CORES * NUM_SUBCORES
BPW = B // NW
G = 16
NGRP = BPW // G
WPAD = 129

_mesh = plsc.VectorSubcoreMesh(core_axis_name="c", subcore_axis_name="s")


@functools.partial(
    pl.kernel,
    mesh=_mesh,
    out_type=jax.ShapeDtypeStruct((B,), jnp.float32),
    scratch_types=[
        pltpu.VMEM((BPW,), jnp.int32),
        pltpu.VMEM((BPW,), jnp.int32),
        pltpu.VMEM((8, D, WPAD), jnp.float32),
        pltpu.VMEM((8, D, WPAD), jnp.float32),
        pltpu.VMEM((16 * 17,), jnp.float32),
        pltpu.VMEM((BPW,), jnp.float32),
        pltpu.SemaphoreType.DMA,
        pltpu.SemaphoreType.DMA,
    ],
    compiler_params=pltpu.CompilerParams(needs_layout_passes=False),
)
def _mf_kernel(uidx_hbm, iidx_hbm, utab_hbm, itab_hbm, out_hbm,
               uidx_v, iidx_v, uw_v, iw_v, pt_v, res_v, sem_u, sem_i):
    wid = lax.axis_index("s") * NUM_CORES + lax.axis_index("c")
    base = wid * BPW
    pltpu.sync_copy(uidx_hbm.at[pl.ds(base, BPW)], uidx_v)
    pltpu.sync_copy(iidx_hbm.at[pl.ds(base, BPW)], iidx_v)

    lane = lax.iota(jnp.int32, 16)

    def issue(ru, ri, j, slot):
        cu = pl.multiple_of(lax.shift_right_logical(ru[j], 7) * 128, 128)
        ci = pl.multiple_of(lax.shift_right_logical(ri[j], 7) * 128, 128)
        pltpu.async_copy(utab_hbm.at[:, pl.ds(cu, 128)],
                         uw_v.at[slot, :, pl.ds(0, 128)], sem_u)
        pltpu.async_copy(itab_hbm.at[:, pl.ds(ci, 128)],
                         iw_v.at[slot, :, pl.ds(0, 128)], sem_i)

    ru0 = uidx_v[pl.ds(0, G)]
    ri0 = iidx_v[pl.ds(0, G)]
    for _j in range(8):
        issue(ru0, ri0, _j, _j)

    def body(g, carry):
        ru = uidx_v[pl.ds(g * G, G)]
        ri = iidx_v[pl.ds(g * G, G)]
        for j in range(G):
            slot = j % 8
            pltpu.make_async_copy(utab_hbm.at[:, pl.ds(0, 128)],
                                  uw_v.at[slot, :, pl.ds(0, 128)], sem_u).wait()
            pltpu.make_async_copy(itab_hbm.at[:, pl.ds(0, 128)],
                                  iw_v.at[slot, :, pl.ds(0, 128)], sem_i).wait()
            svec = jnp.full((16,), slot, dtype=jnp.int32)
            lu = jnp.full((16,), 0, dtype=jnp.int32) + lax.bitwise_and(ru[j], 127)
            li = jnp.full((16,), 0, dtype=jnp.int32) + lax.bitwise_and(ri[j], 127)
            uvec = plsc.load_gather(uw_v, [svec, lane, lu])
            ivec = plsc.load_gather(iw_v, [svec, lane, li])
            pt_v[pl.ds(j * 17, 16)] = uvec * ivec
            if j + 8 < G:
                issue(ru, ri, j + 8, slot)

        @pl.when(g + 1 < NGRP)
        def _prefetch_next():
            g2 = g + 1
            run = uidx_v[pl.ds(g2 * G, G)]
            rin = iidx_v[pl.ds(g2 * G, G)]
            for j in range(8):
                issue(run, rin, j, j)

        row_addr = lane * 17
        acc = jnp.zeros((16,), jnp.float32)
        for d in range(16):
            acc = acc + plsc.load_gather(pt_v, [row_addr + d])
        res_v[pl.ds(g * G, G)] = acc
        return carry

    lax.fori_loop(0, NGRP, body, 0)

    pltpu.sync_copy(res_v, out_hbm.at[pl.ds(base, BPW)])


def kernel(user_input, item_input, user_table, item_table):
    out = _mf_kernel(user_input.astype(jnp.int32),
                     item_input.astype(jnp.int32),
                     user_table.T, item_table.T)
    return out.reshape(B, 1)

# --- scband reference (transcript-rebuilt; emitter-appended) ---
"""Pipeline reference for scband-deep-mf-335007449956 (READ-ONLY COPY).

The authoritative reference and input builder live on the scoring server;
editing this copy changes nothing except your own understanding.
"""

import jax, jax.numpy as jnp
import numpy as np

NUM_USERS = 1000000
NUM_ITEMS = 1000000
LATENT_DIM = 16
BATCH = 16384


def setup_inputs(seed: int = 0) -> dict:
    key = jax.random.key(seed)
    k1, k2, k3, k4 = jax.random.split(key, 4)
    user_input = jax.random.randint(k1, (BATCH,), 0, NUM_USERS, dtype=jnp.int64) if jax.config.jax_enable_x64 else jax.random.randint(k1, (BATCH,), 0, NUM_USERS).astype(jnp.int32)
    item_input = jax.random.randint(k2, (BATCH,), 0, NUM_ITEMS).astype(user_input.dtype)
    # Keras Embedding default init: uniform(-0.05, 0.05)
    user_table = jax.random.uniform(k3, (NUM_USERS + 1, LATENT_DIM), dtype=jnp.float32, minval=-0.05, maxval=0.05)
    item_table = jax.random.uniform(k4, (NUM_ITEMS + 1, LATENT_DIM), dtype=jnp.float32, minval=-0.05, maxval=0.05)
    return {"user_input": user_input, "item_input": item_input, "user_table": user_table, "item_table": item_table}


def reference(user_input, item_input, user_table, item_table):
    # user/item embedding lookups (gather)
    user_embedded = jnp.take(user_table, user_input, axis=0)  # [B, D]
    item_embedded = jnp.take(item_table, item_input, axis=0)  # [B, D]
    # Flatten is identity for [B, D] (inputs are rank-1 index vectors -> [B, 1, D] in keras; flatten -> [B, D])
    user_flattened = user_embedded.reshape(user_embedded.shape[0], -1)
    item_flattened = item_embedded.reshape(item_embedded.shape[0], -1)
    # Dot(axes=1): batched inner product -> [B, 1]
    rating_vec = jnp.sum(user_flattened * item_flattened, axis=1, keepdims=True)
    return rating_vec

if __name__ == "__main__":
    import jax
    _d = setup_inputs()
    print(jax.jit(kernel)(*tuple(_d.values())))

</pallas_src>

<mosaic_0001>
#map = affine_map<(d0, d1) -> (0)>
#map1 = affine_map<(d0, d1) -> (0, 0)>
module attributes {stable_mosaic.version = 14 : i64} {
  func.func @_mf_kernel(%arg0: i32, %arg1: i32, %arg2: memref<16384xi32, #tpu.memory_space<hbm>>, %arg3: memref<16384xi32, #tpu.memory_space<hbm>>, %arg4: memref<16x1000001xf32, #tpu.memory_space<hbm>>, %arg5: memref<16x1000001xf32, #tpu.memory_space<hbm>>, %arg6: memref<16384xf32, #tpu.memory_space<hbm>>, %arg7: memref<512xi32, #tpu.memory_space<vmem>>, %arg8: memref<512xi32, #tpu.memory_space<vmem>>, %arg9: memref<8x16x129xf32, #tpu.memory_space<vmem>>, %arg10: memref<8x16x129xf32, #tpu.memory_space<vmem>>, %arg11: memref<272xf32, #tpu.memory_space<vmem>>, %arg12: memref<512xf32, #tpu.memory_space<vmem>>, %arg13: memref<!tpu.dma_semaphore, #tpu.memory_space<semaphore_mem>>, %arg14: memref<!tpu.dma_semaphore, #tpu.memory_space<semaphore_mem>>) attributes {dimension_semantics = [#tpu.dimension_semantics<core_parallel>, #tpu.dimension_semantics<subcore_parallel>], iteration_bounds = array<i64: 2, 16>, scalar_prefetch = 0 : i64, scratch_operands = 8 : i64, tpu.core_type = #tpu.core_type<sc_vector_subcore>, window_params = [{transform_indices = #map}, {transform_indices = #map}, {transform_indices = #map1}, {transform_indices = #map1}, {transform_indices = #map}]} {
    %mul3A = arith.constant 2 : i32
    %mul3A_0 = arith.muli %arg1, %mul3A : i32
    %add3A = arith.addi %mul3A_0, %arg0 : i32
    %mul3A_1 = arith.constant 512 : i32
    %mul3A_2 = arith.muli %add3A, %mul3A_1 : i32
    "tpu.region"() ({
      %run_scoped3A = tpu.sem_alloc : memref<!tpu.dma_semaphore, #tpu.memory_space<semaphore_mem>>
      %dma_start3A_326 = tpu.memref_slice %arg2[%mul3A_2] : memref<16384xi32, #tpu.memory_space<hbm>> -> memref<512xi32, #tpu.memory_space<hbm>>
      %dma_start3A_327 = tpu.memref_slice %arg2[%mul3A_2] : memref<16384xi32, #tpu.memory_space<hbm>> -> memref<512xi32, #tpu.memory_space<hbm>>
      tpu.enqueue_dma source(%dma_start3A_327 : memref<512xi32, #tpu.memory_space<hbm>>) target(%arg7 : memref<512xi32, #tpu.memory_space<vmem>>) target_semaphore(%run_scoped3A : memref<!tpu.dma_semaphore, #tpu.memory_space<semaphore_mem>>)
      %dma_wait3A = tpu.memref_slice %arg2[%mul3A_2] : memref<16384xi32, #tpu.memory_space<hbm>> -> memref<512xi32, #tpu.memory_space<hbm>>
      %dma_wait3A_328 = tpu.memref_slice %arg2[%mul3A_2] : memref<16384xi32, #tpu.memory_space<hbm>> -> memref<512xi32, #tpu.memory_space<hbm>>
      tpu.wait_dma2 semaphore(%run_scoped3A : memref<!tpu.dma_semaphore, #tpu.memory_space<semaphore_mem>>) src(%dma_wait3A_328 : memref<512xi32, #tpu.memory_space<hbm>>) dst(%arg7 : memref<512xi32, #tpu.memory_space<vmem>>)
      tpu.yield
    }) : () -> ()
    "tpu.region"() ({
      %run_scoped3A = tpu.sem_alloc : memref<!tpu.dma_semaphore, #tpu.memory_space<semaphore_mem>>
      %dma_start3A_326 = tpu.memref_slice %arg3[%mul3A_2] : memref<16384xi32, #tpu.memory_space<hbm>> -> memref<512xi32, #tpu.memory_space<hbm>>
      %dma_start3A_327 = tpu.memref_slice %arg3[%mul3A_2] : memref<16384xi32, #tpu.memory_space<hbm>> -> memref<512xi32, #tpu.memory_space<hbm>>
      tpu.enqueue_dma source(%dma_start3A_327 : memref<512xi32, #tpu.memory_space<hbm>>) target(%arg8 : memref<512xi32, #tpu.memory_space<vmem>>) target_semaphore(%run_scoped3A : memref<!tpu.dma_semaphore, #tpu.memory_space<semaphore_mem>>)
      %dma_wait3A = tpu.memref_slice %arg3[%mul3A_2] : memref<16384xi32, #tpu.memory_space<hbm>> -> memref<512xi32, #tpu.memory_space<hbm>>
      %dma_wait3A_328 = tpu.memref_slice %arg3[%mul3A_2] : memref<16384xi32, #tpu.memory_space<hbm>> -> memref<512xi32, #tpu.memory_space<hbm>>
      tpu.wait_dma2 semaphore(%run_scoped3A : memref<!tpu.dma_semaphore, #tpu.memory_space<semaphore_mem>>) src(%dma_wait3A_328 : memref<512xi32, #tpu.memory_space<hbm>>) dst(%arg8 : memref<512xi32, #tpu.memory_space<vmem>>)
      tpu.yield
    }) : () -> ()
    %iota3A = tpu.iota {dimensions = array<i32: 0>} : vector<16xi32>
    %get3A = arith.constant 0 : index
    %get3A_3 = tpu.vector_load %arg7[%get3A] {strides = array<i32>} : memref<512xi32, #tpu.memory_space<vmem>>, vector<16xi32>,
    %get3A_4 = arith.constant 0 : index
    %get3A_5 = tpu.vector_load %arg8[%get3A_4] {strides = array<i32>} : memref<512xi32, #tpu.memory_space<vmem>>, vector<16xi32>,
    %slice3A = vector.extract_strided_slice %get3A_3 {offsets = [0], sizes = [1], strides = [1]} : vector<16xi32> to vector<1xi32>
    %squeeze3A = vector.extract %slice3A[0] : i32 from vector<1xi32>
    %shift_right_logical3A = arith.constant 7 : i32
    %shift_right_logical3A_6 = arith.shrui %squeeze3A, %shift_right_logical3A : i32
    %mul3A_7 = arith.constant 128 : i32
    %mul3A_8 = arith.muli %shift_right_logical3A_6, %mul3A_7 : i32
    %multiple_of3A = tpu.assume_multiple %mul3A_8, 128 : i32
    %slice3A_9 = vector.extract_strided_slice %get3A_5 {offsets = [0], sizes = [1], strides = [1]} : vector<16xi32> to vector<1xi32>
    %squeeze3A_10 = vector.extract %slice3A_9[0] : i32 from vector<1xi32>
    %shift_right_logical3A_11 = arith.constant 7 : i32
    %shift_right_logical3A_12 = arith.shrui %squeeze3A_10, %shift_right_logical3A_11 : i32
    %mul3A_13 = arith.constant 128 : i32
    %mul3A_14 = arith.muli %shift_right_logical3A_12, %mul3A_13 : i32
    %multiple_of3A_15 = tpu.assume_multiple %mul3A_14, 128 : i32
    %dma_start3A = arith.constant 0 : i32
    %dma_start3A_16 = arith.constant 0 : i32
    %dma_start3A_17 = arith.constant 0 : i32
    %dma_start3A_18 = tpu.memref_slice %arg9[%dma_start3A, %dma_start3A_16, %dma_start3A_17] : memref<8x16x129xf32, #tpu.memory_space<vmem>> -> memref<1x16x128xf32, #tpu.memory_space<vmem>>
    %dma_start3A_19 = tpu.memref_squeeze %dma_start3A_18 : memref<1x16x128xf32, #tpu.memory_space<vmem>> -> memref<16x128xf32, #tpu.memory_space<vmem>>
    %dma_start3A_20 = arith.constant 0 : i32
    %dma_start3A_21 = tpu.memref_slice %arg4[%dma_start3A_20, %multiple_of3A] : memref<16x1000001xf32, #tpu.memory_space<hbm>> -> memref<16x128xf32, #tpu.memory_space<hbm>>
    %dma_start3A_22 = arith.constant 0 : i32
    %dma_start3A_23 = arith.constant 0 : i32
    %dma_start3A_24 = tpu.memref_slice %arg9[%dma_start3A, %dma_start3A_22, %dma_start3A_23] : memref<8x16x129xf32, #tpu.memory_space<vmem>> -> memref<1x16x128xf32, #tpu.memory_space<vmem>>
    %dma_start3A_25 = tpu.memref_squeeze %dma_start3A_24 : memref<1x16x128xf32, #tpu.memory_space<vmem>> -> memref<16x128xf32, #tpu.memory_space<vmem>>
    %dma_start3A_26 = arith.constant 0 : i32
    %dma_start3A_27 = tpu.memref_slice %arg4[%dma_start3A_26, %multiple_of3A] : memref<16x1000001xf32, #tpu.memory_space<hbm>> -> memref<16x128xf32, #tpu.memory_space<hbm>>
    tpu.enqueue_dma source(%dma_start3A_27 : memref<16x128xf32, #tpu.memory_space<hbm>>) target(%dma_start3A_25 : memref<16x128xf32, #tpu.memory_space<vmem>>) target_semaphore(%arg13 : memref<!tpu.dma_semaphore, #tpu.memory_space<semaphore_mem>>)
    %dma_start3A_28 = arith.constant 0 : i32
    %dma_start3A_29 = arith.constant 0 : i32
    %dma_start3A_30 = arith.constant 0 : i32
    %dma_start3A_31 = tpu.memref_slice %arg10[%dma_start3A_28, %dma_start3A_29, %dma_start3A_30] : memref<8x16x129xf32, #tpu.memory_space<vmem>> -> memref<1x16x128xf32, #tpu.memory_space<vmem>>
    %dma_start3A_32 = tpu.memref_squeeze %dma_start3A_31 : memref<1x16x128xf32, #tpu.memory_space<vmem>> -> memref<16x128xf32, #tpu.memory_space<vmem>>
    %dma_start3A_33 = arith.constant 0 : i32
    %dma_start3A_34 = tpu.memref_slice %arg5[%dma_start3A_33, %multiple_of3A_15] : memref<16x1000001xf32, #tpu.memory_space<hbm>> -> memref<16x128xf32, #tpu.memory_space<hbm>>
    %dma_start3A_35 = arith.constant 0 : i32
    %dma_start3A_36 = arith.constant 0 : i32
    %dma_start3A_37 = tpu.memref_slice %arg10[%dma_start3A_28, %dma_start3A_35, %dma_start3A_36] : memref<8x16x129xf32, #tpu.memory_space<vmem>> -> memref<1x16x128xf32, #tpu.memory_space<vmem>>
    %dma_start3A_38 = tpu.memref_squeeze %dma_start3A_37 : memref<1x16x128xf32, #tpu.memory_space<vmem>> -> memref<16x128xf32, #tpu.memory_space<vmem>>
    %dma_start3A_39 = arith.constant 0 : i32
    %dma_start3A_40 = tpu.memref_slice %arg5[%dma_start3A_39, %multiple_of3A_15] : memref<16x1000001xf32, #tpu.memory_space<hbm>> -> memref<16x128xf32, #tpu.memory_space<hbm>>
    tpu.enqueue_dma source(%dma_start3A_40 : memref<16x128xf32, #tpu.memory_space<hbm>>) target(%dma_start3A_38 : memref<16x128xf32, #tpu.memory_space<vmem>>) target_semaphore(%arg14 : memref<!tpu.dma_semaphore, #tpu.memory_space<semaphore_mem>>)
    %slice3A_41 = vector.extract_strided_slice %get3A_3 {offsets = [1], sizes = [1], strides = [1]} : vector<16xi32> to vector<1xi32>
    %squeeze3A_42 = vector.extract %slice3A_41[0] : i32 from vector<1xi32>
    %shift_right_logical3A_43 = arith.constant 7 : i32
    %shift_right_logical3A_44 = arith.shrui %squeeze3A_42, %shift_right_logical3A_43 : i32
    %mul3A_45 = arith.constant 128 : i32
    %mul3A_46 = arith.muli %shift_right_logical3A_44, %mul3A_45 : i32
    %multiple_of3A_47 = tpu.assume_multiple %mul3A_46, 128 : i32
    %slice3A_48 = vector.extract_strided_slice %get3A_5 {offsets = [1], sizes = [1], strides = [1]} : vector<16xi32> to vector<1xi32>
    %squeeze3A_49 = vector.extract %slice3A_48[0] : i32 from vector<1xi32>
    %shift_right_logical3A_50 = arith.constant 7 : i32
    %shift_right_logical3A_51 = arith.shrui %squeeze3A_49, %shift_right_logical3A_50 : i32
    %mul3A_52 = arith.constant 128 : i32
    %mul3A_53 = arith.muli %shift_right_logical3A_51, %mul3A_52 : i32
    %multiple_of3A_54 = tpu.assume_multiple %mul3A_53, 128 : i32
    %dma_start3A_55 = arith.constant 1 : i32
    %dma_start3A_56 = arith.constant 0 : i32
    %dma_start3A_57 = arith.constant 0 : i32
    %dma_start3A_58 = tpu.memref_slice %arg9[%dma_start3A_55, %dma_start3A_56, %dma_start3A_57] : memref<8x16x129xf32, #tpu.memory_space<vmem>> -> memref<1x16x128xf32, #tpu.memory_space<vmem>>
    %dma_start3A_59 = tpu.memref_squeeze %dma_start3A_58 : memref<1x16x128xf32, #tpu.memory_space<vmem>> -> memref<16x128xf32, #tpu.memory_space<vmem>>
    %dma_start3A_60 = arith.constant 0 : i32
    %dma_start3A_61 = tpu.memref_slice %arg4[%dma_start3A_60, %multiple_of3A_47] : memref<16x1000001xf32, #tpu.memory_space<hbm>> -> memref<16x128xf32, #tpu.memory_space<hbm>>
    %dma_start3A_62 = arith.constant 0 : i32
    %dma_start3A_63 = arith.constant 0 : i32
    %dma_start3A_64 = tpu.memref_slice %arg9[%dma_start3A_55, %dma_start3A_62, %dma_start3A_63] : memref<8x16x129xf32, #tpu.memory_space<vmem>> -> memref<1x16x128xf32, #tpu.memory_space<vmem>>
    %dma_start3A_65 = tpu.memref_squeeze %dma_start3A_64 : memref<1x16x128xf32, #tpu.memory_space<vmem>> -> memref<16x128xf32, #tpu.memory_space<vmem>>
    %dma_start3A_66 = arith.constant 0 : i32
    %dma_start3A_67 = tpu.memref_slice %arg4[%dma_start3A_66, %multiple_of3A_47] : memref<16x1000001xf32, #tpu.memory_space<hbm>> -> memref<16x128xf32, #tpu.memory_space<hbm>>
    tpu.enqueue_dma source(%dma_start3A_67 : memref<16x128xf32, #tpu.memory_space<hbm>>) target(%dma_start3A_65 : memref<16x128xf32, #tpu.memory_space<vmem>>) target_semaphore(%arg13 : memref<!tpu.dma_semaphore, #tpu.memory_space<semaphore_mem>>)
    %dma_start3A_68 = arith.constant 1 : i32
    %dma_start3A_69 = arith.constant 0 : i32
    %dma_start3A_70 = arith.constant 0 : i32
    %dma_start3A_71 = tpu.memref_slice %arg10[%dma_start3A_68, %dma_start3A_69, %dma_start3A_70] : memref<8x16x129xf32, #tpu.memory_space<vmem>> -> memref<1x16x128xf32, #tpu.memory_space<vmem>>
    %dma_start3A_72 = tpu.memref_squeeze %dma_start3A_71 : memref<1x16x128xf32, #tpu.memory_space<vmem>> -> memref<16x128xf32, #tpu.memory_space<vmem>>
    %dma_start3A_73 = arith.constant 0 : i32
    %dma_start3A_74 = tpu.memref_slice %arg5[%dma_start3A_73, %multiple_of3A_54] : memref<16x1000001xf32, #tpu.memory_space<hbm>> -> memref<16x128xf32, #tpu.memory_space<hbm>>
    %dma_start3A_75 = arith.constant 0 : i32
    %dma_start3A_76 = arith.constant 0 : i32
    %dma_start3A_77 = tpu.memref_slice %arg10[%dma_start3A_68, %dma_start3A_75, %dma_start3A_76] : memref<8x16x129xf32, #tpu.memory_space<vmem>> -> memref<1x16x128xf32, #tpu.memory_space<vmem>>
    %dma_start3A_78 = tpu.memref_squeeze %dma_start3A_77 : memref<1x16x128xf32, #tpu.memory_space<vmem>> -> memref<16x128xf32, #tpu.memory_space<vmem>>
    %dma_start3A_79 = arith.constant 0 : i32
    %dma_start3A_80 = tpu.memref_slice %arg5[%dma_start3A_79, %multiple_of3A_54] : memref<16x1000001xf32, #tpu.memory_space<hbm>> -> memref<16x128xf32, #tpu.memory_space<hbm>>
    tpu.enqueue_dma source(%dma_start3A_80 : memref<16x128xf32, #tpu.memory_space<hbm>>) target(%dma_start3A_78 : memref<16x128xf32, #tpu.memory_space<vmem>>) target_semaphore(%arg14 : memref<!tpu.dma_semaphore, #tpu.memory_space<semaphore_mem>>)
    %slice3A_81 = vector.extract_strided_slice %get3A_3 {offsets = [2], sizes = [1], strides = [1]} : vector<16xi32> to vector<1xi32>
    %squeeze3A_82 = vector.extract %slice3A_81[0] : i32 from vector<1xi32>
    %shift_right_logical3A_83 = arith.constant 7 : i32
    %shift_right_logical3A_84 = arith.shrui %squeeze3A_82, %shift_right_logical3A_83 : i32
    %mul3A_85 = arith.constant 128 : i32
    %mul3A_86 = arith.muli %shift_right_logical3A_84, %mul3A_85 : i32
    %multiple_of3A_87 = tpu.assume_multiple %mul3A_86, 128 : i32
    %slice3A_88 = vector.extract_strided_slice %get3A_5 {offsets = [2], sizes = [1], strides = [1]} : vector<16xi32> to vector<1xi32>
    %squeeze3A_89 = vector.extract %slice3A_88[0] : i32 from vector<1xi32>
    %shift_right_logical3A_90 = arith.constant 7 : i32
    %shift_right_logical3A_91 = arith.shrui %squeeze3A_89, %shift_right_logical3A_90 : i32
    %mul3A_92 = arith.constant 128 : i32
    %mul3A_93 = arith.muli %shift_right_logical3A_91, %mul3A_92 : i32
    %multiple_of3A_94 = tpu.assume_multiple %mul3A_93, 128 : i32
    %dma_start3A_95 = arith.constant 2 : i32
    %dma_start3A_96 = arith.constant 0 : i32
    %dma_start3A_97 = arith.constant 0 : i32
    %dma_start3A_98 = tpu.memref_slice %arg9[%dma_start3A_95, %dma_start3A_96, %dma_start3A_97] : memref<8x16x129xf32, #tpu.memory_space<vmem>> -> memref<1x16x128xf32, #tpu.memory_space<vmem>>
    %dma_start3A_99 = tpu.memref_squeeze %dma_start3A_98 : memref<1x16x128xf32, #tpu.memory_space<vmem>> -> memref<16x128xf32, #tpu.memory_space<vmem>>
    %dma_start3A_100 = arith.constant 0 : i32
    %dma_start3A_101 = tpu.memref_slice %arg4[%dma_start3A_100, %multiple_of3A_87] : memref<16x1000001xf32, #tpu.memory_space<hbm>> -> memref<16x128xf32, #tpu.memory_space<hbm>>
    %dma_start3A_102 = arith.constant 0 : i32
    %dma_start3A_103 = arith.constant 0 : i32
    %dma_start3A_104 = tpu.memref_slice %arg9[%dma_start3A_95, %dma_start3A_102, %dma_start3A_103] : memref<8x16x129xf32, #tpu.memory_space<vmem>> -> memref<1x16x128xf32, #tpu.memory_space<vmem>>
    %dma_start3A_105 = tpu.memref_squeeze %dma_start3A_104 : memref<1x16x128xf32, #tpu.memory_space<vmem>> -> memref<16x128xf32, #tpu.memory_space<vmem>>
    %dma_start3A_106 = arith.constant 0 : i32
    %dma_start3A_107 = tpu.memref_slice %arg4[%dma_start3A_106, %multiple_of3A_87] : memref<16x1000001xf32, #tpu.memory_space<hbm>> -> memref<16x128xf32, #tpu.memory_space<hbm>>
    tpu.enqueue_dma source(%dma_start3A_107 : memref<16x128xf32, #tpu.memory_space<hbm>>) target(%dma_start3A_105 : memref<16x128xf32, #tpu.memory_space<vmem>>) target_semaphore(%arg13 : memref<!tpu.dma_semaphore, #tpu.memory_space<semaphore_mem>>)
    %dma_start3A_108 = arith.constant 2 : i32
    %dma_start3A_109 = arith.constant 0 : i32
    %dma_start3A_110 = arith.constant 0 : i32
    %dma_start3A_111 = tpu.memref_slice %arg10[%dma_start3A_108, %dma_start3A_109, %dma_start3A_110] : memref<8x16x129xf32, #tpu.memory_space<vmem>> -> memref<1x16x128xf32, #tpu.memory_space<vmem>>
    %dma_start3A_112 = tpu.memref_squeeze %dma_start3A_111 : memref<1x16x128xf32, #tpu.memory_space<vmem>> -> memref<16x128xf32, #tpu.memory_space<vmem>>
    %dma_start3A_113 = arith.constant 0 : i32
    %dma_start3A_114 = tpu.memref_slice %arg5[%dma_start3A_113, %multiple_of3A_94] : memref<16x1000001xf32, #tpu.memory_space<hbm>> -> memref<16x128xf32, #tpu.memory_space<hbm>>
    %dma_start3A_115 = arith.constant 0 : i32
    %dma_start3A_116 = arith.constant 0 : i32
    %dma_start3A_117 = tpu.memref_slice %arg10[%dma_start3A_108, %dma_start3A_115, %dma_start3A_116] : memref<8x16x129xf32, #tpu.memory_space<vmem>> -> memref<1x16x128xf32, #tpu.memory_space<vmem>>
    %dma_start3A_118 = tpu.memref_squeeze %dma_start3A_117 : memref<1x16x128xf32, #tpu.memory_space<vmem>> -> memref<16x128xf32, #tpu.memory_space<vmem>>
    %dma_start3A_119 = arith.constant 0 : i32
    %dma_start3A_120 = tpu.memref_slice %arg5[%dma_start3A_119, %multiple_of3A_94] : memref<16x1000001xf32, #tpu.memory_space<hbm>> -> memref<16x128xf32, #tpu.memory_space<hbm>>
    tpu.enqueue_dma source(%dma_start3A_120 : memref<16x128xf32, #tpu.memory_space<hbm>>) target(%dma_start3A_118 : memref<16x128xf32, #tpu.memory_space<vmem>>) target_semaphore(%arg14 : memref<!tpu.dma_semaphore, #tpu.memory_space<semaphore_mem>>)
    %slice3A_121 = vector.extract_strided_slice %get3A_3 {offsets = [3], sizes = [1], strides = [1]} : vector<16xi32> to vector<1xi32>
    %squeeze3A_122 = vector.extract %slice3A_121[0] : i32 from vector<1xi32>
    %shift_right_logical3A_123 = arith.constant 7 : i32
    %shift_right_logical3A_124 = arith.shrui %squeeze3A_122, %shift_right_logical3A_123 : i32
    %mul3A_125 = arith.constant 128 : i32
    %mul3A_126 = arith.muli %shift_right_logical3A_124, %mul3A_125 : i32
    %multiple_of3A_127 = tpu.assume_multiple %mul3A_126, 128 : i32
    %slice3A_128 = vector.extract_strided_slice %get3A_5 {offsets = [3], sizes = [1], strides = [1]} : vector<16xi32> to vector<1xi32>
    %squeeze3A_129 = vector.extract %slice3A_128[0] : i32 from vector<1xi32>
    %shift_right_logical3A_130 = arith.constant 7 : i32
    %shift_right_logical3A_131 = arith.shrui %squeeze3A_129, %shift_right_logical3A_130 : i32
    %mul3A_132 = arith.constant 128 : i32
    %mul3A_133 = arith.muli %shift_right_logical3A_131, %mul3A_132 : i32
    %multiple_of3A_134 = tpu.assume_multiple %mul3A_133, 128 : i32
    %dma_start3A_135 = arith.constant 3 : i32
    %dma_start3A_136 = arith.constant 0 : i32
    %dma_start3A_137 = arith.constant 0 : i32
    %dma_start3A_138 = tpu.memref_slice %arg9[%dma_start3A_135, %dma_start3A_136, %dma_start3A_137] : memref<8x16x129xf32, #tpu.memory_space<vmem>> -> memref<1x16x128xf32, #tpu.memory_space<vmem>>
    %dma_start3A_139 = tpu.memref_squeeze %dma_start3A_138 : memref<1x16x128xf32, #tpu.memory_space<vmem>> -> memref<16x128xf32, #tpu.memory_space<vmem>>
    %dma_start3A_140 = arith.constant 0 : i32
    %dma_start3A_141 = tpu.memref_slice %arg4[%dma_start3A_140, %multiple_of3A_127] : memref<16x1000001xf32, #tpu.memory_space<hbm>> -> memref<16x128xf32, #tpu.memory_space<hbm>>
    %dma_start3A_142 = arith.constant 0 : i32
    %dma_start3A_143 = arith.constant 0 : i32
    %dma_start3A_144 = tpu.memref_slice %arg9[%dma_start3A_135, %dma_start3A_142, %dma_start3A_143] : memref<8x16x129xf32, #tpu.memory_space<vmem>> -> memref<1x16x128xf32, #tpu.memory_space<vmem>>
    %dma_start3A_145 = tpu.memref_squeeze %dma_start3A_144 : memref<1x16x128xf32, #tpu.memory_space<vmem>> -> memref<16x128xf32, #tpu.memory_space<vmem>>
    %dma_start3A_146 = arith.constant 0 : i32
    %dma_start3A_147 = tpu.memref_slice %arg4[%dma_start3A_146, %multiple_of3A_127] : memref<16x1000001xf32, #tpu.memory_space<hbm>> -> memref<16x128xf32, #tpu.memory_space<hbm>>
    tpu.enqueue_dma source(%dma_start3A_147 : memref<16x128xf32, #tpu.memory_space<hbm>>) target(%dma_start3A_145 : memref<16x128xf32, #tpu.memory_space<vmem>>) target_semaphore(%arg13 : memref<!tpu.dma_semaphore, #tpu.memory_space<semaphore_mem>>)
    %dma_start3A_148 = arith.constant 3 : i32
    %dma_start3A_149 = arith.constant 0 : i32
    %dma_start3A_150 = arith.constant 0 : i32
    %dma_start3A_151 = tpu.memref_slice %arg10[%dma_start3A_148, %dma_start3A_149, %dma_start3A_150] : memref<8x16x129xf32, #tpu.memory_space<vmem>> -> memref<1x16x128xf32, #tpu.memory_space<vmem>>
    %dma_start3A_152 = tpu.memref_squeeze %dma_start3A_151 : memref<1x16x128xf32, #tpu.memory_space<vmem>> -> memref<16x128xf32, #tpu.memory_space<vmem>>
    %dma_start3A_153 = arith.constant 0 : i32
    %dma_start3A_154 = tpu.memref_slice %arg5[%dma_start3A_153, %multiple_of3A_134] : memref<16x1000001xf32, #tpu.memory_space<hbm>> -> memref<16x128xf32, #tpu.memory_space<hbm>>
    %dma_start3A_155 = arith.constant 0 : i32
    %dma_start3A_156 = arith.constant 0 : i32
    %dma_start3A_157 = tpu.memref_slice %arg10[%dma_start3A_148, %dma_start3A_155, %dma_start3A_156] : memref<8x16x129xf32, #tpu.memory_space<vmem>> -> memref<1x16x128xf32, #tpu.memory_space<vmem>>
    %dma_start3A_158 = tpu.memref_squeeze %dma_start3A_157 : memref<1x16x128xf32, #tpu.memory_space<vmem>> -> memref<16x128xf32, #tpu.memory_space<vmem>>
    %dma_start3A_159 = arith.constant 0 : i32
    %dma_start3A_160 = tpu.memref_slice %arg5[%dma_start3A_159, %multiple_of3A_134] : memref<16x1000001xf32, #tpu.memory_space<hbm>> -> memref<16x128xf32, #tpu.memory_space<hbm>>
    tpu.enqueue_dma source(%dma_start3A_160 : memref<16x128xf32, #tpu.memory_space<hbm>>) target(%dma_start3A_158 : memref<16x128xf32, #tpu.memory_space<vmem>>) target_semaphore(%arg14 : memref<!tpu.dma_semaphore, #tpu.memory_space<semaphore_mem>>)
    %slice3A_161 = vector.extract_strided_slice %get3A_3 {offsets = [4], sizes = [1], strides = [1]} : vector<16xi32> to vector<1xi32>
    %squeeze3A_162 = vector.extract %slice3A_161[0] : i32 from vector<1xi32>
    %shift_right_logical3A_163 = arith.constant 7 : i32
    %shift_right_logical3A_164 = arith.shrui %squeeze3A_162, %shift_right_logical3A_163 : i32
    %mul3A_165 = arith.constant 128 : i32
    %mul3A_166 = arith.muli %shift_right_logical3A_164, %mul3A_165 : i32
    %multiple_of3A_167 = tpu.assume_multiple %mul3A_166, 128 : i32
    %slice3A_168 = vector.extract_strided_slice %get3A_5 {offsets = [4], sizes = [1], strides = [1]} : vector<16xi32> to vector<1xi32>
    %squeeze3A_169 = vector.extract %slice3A_168[0] : i32 from vector<1xi32>
    %shift_right_logical3A_170 = arith.constant 7 : i32
    %shift_right_logical3A_171 = arith.shrui %squeeze3A_169, %shift_right_logical3A_170 : i32
    %mul3A_172 = arith.constant 128 : i32
    %mul3A_173 = arith.muli %shift_right_logical3A_171, %mul3A_172 : i32
    %multiple_of3A_174 = tpu.assume_multiple %mul3A_173, 128 : i32
    %dma_start3A_175 = arith.constant 4 : i32
    %dma_start3A_176 = arith.constant 0 : i32
    %dma_start3A_177 = arith.constant 0 : i32
    %dma_start3A_178 = tpu.memref_slice %arg9[%dma_start3A_175, %dma_start3A_176, %dma_start3A_177] : memref<8x16x129xf32, #tpu.memory_space<vmem>> -> memref<1x16x128xf32, #tpu.memory_space<vmem>>
    %dma_start3A_179 = tpu.memref_squeeze %dma_start3A_178 : memref<1x16x128xf32, #tpu.memory_space<vmem>> -> memref<16x128xf32, #tpu.memory_space<vmem>>
    %dma_start3A_180 = arith.constant 0 : i32
    %dma_start3A_181 = tpu.memref_slice %arg4[%dma_start3A_180, %multiple_of3A_167] : memref<16x1000001xf32, #tpu.memory_space<hbm>> -> memref<16x128xf32, #tpu.memory_space<hbm>>
    %dma_start3A_182 = arith.constant 0 : i32
    %dma_start3A_183 = arith.constant 0 : i32
    %dma_start3A_184 = tpu.memref_slice %arg9[%dma_start3A_175, %dma_start3A_182, %dma_start3A_183] : memref<8x16x129xf32, #tpu.memory_space<vmem>> -> memref<1x16x128xf32, #tpu.memory_space<vmem>>
    %dma_start3A_185 = tpu.memref_squeeze %dma_start3A_184 : memref<1x16x128xf32, #tpu.memory_space<vmem>> -> memref<16x128xf32, #tpu.memory_space<vmem>>
    %dma_start3A_186 = arith.constant 0 : i32
    %dma_start3A_187 = tpu.memref_slice %arg4[%dma_start3A_186, %multiple_of3A_167] : memref<16x1000001xf32, #tpu.memory_space<hbm>> -> memref<16x128xf32, #tpu.memory_space<hbm>>
    tpu.enqueue_dma source(%dma_start3A_187 : memref<16x128xf32, #tpu.memory_space<hbm>>) target(%dma_start3A_185 : memref<16x128xf32, #tpu.memory_space<vmem>>) target_semaphore(%arg13 : memref<!tpu.dma_semaphore, #tpu.memory_space<semaphore_mem>>)
    %dma_start3A_188 = arith.constant 4 : i32
    %dma_start3A_189 = arith.constant 0 : i32
    %dma_start3A_190 = arith.constant 0 : i32
    %dma_start3A_191 = tpu.memref_slice %arg10[%dma_start3A_188, %dma_start3A_189, %dma_start3A_190] : memref<8x16x129xf32, #tpu.memory_space<vmem>> -> memref<1x16x128xf32, #tpu.memory_space<vmem>>
    %dma_start3A_192 = tpu.memref_squeeze %dma_start3A_191 : memref<1x16x128xf32, #tpu.memory_space<vmem>> -> memref<16x128xf32, #tpu.memory_space<vmem>>
    %dma_start3A_193 = arith.constant 0 : i32
    %dma_start3A_194 = tpu.memref_slice %arg5[%dma_start3A_193, %multiple_of3A_174] : memref<16x1000001xf32, #tpu.memory_space<hbm>> -> memref<16x128xf32, #tpu.memory_space<hbm>>
    %dma_start3A_195 = arith.constant 0 : i32
    %dma_start3A_196 = arith.constant 0 : i32
    %dma_start3A_197 = tpu.memref_slice %arg10[%dma_start3A_188, %dma_start3A_195, %dma_start3A_196] : memref<8x16x129xf32, #tpu.memory_space<vmem>> -> memref<1x16x128xf32, #tpu.memory_space<vmem>>
    %dma_start3A_198 = tpu.memref_squeeze %dma_start3A_197 : memref<1x16x128xf32, #tpu.memory_space<vmem>> -> memref<16x128xf32, #tpu.memory_space<vmem>>
    %dma_start3A_199 = arith.constant 0 : i32
    %dma_start3A_200 = tpu.memref_slice %arg5[%dma_start3A_199, %multiple_of3A_174] : memref<16x1000001xf32, #tpu.memory_space<hbm>> -> memref<16x128xf32, #tpu.memory_space<hbm>>
    tpu.enqueue_dma source(%dma_start3A_200 : memref<16x128xf32, #tpu.memory_space<hbm>>) target(%dma_start3A_198 : memref<16x128xf32, #tpu.memory_space<vmem>>) target_semaphore(%arg14 : memref<!tpu.dma_semaphore, #tpu.memory_space<semaphore_mem>>)
    %slice3A_201 = vector.extract_strided_slice %get3A_3 {offsets = [5], sizes = [1], strides = [1]} : vector<16xi32> to vector<1xi32>
    %squeeze3A_202 = vector.extract %slice3A_201[0] : i32 from vector<1xi32>
    %shift_right_logical3A_203 = arith.constant 7 : i32
    %shift_right_logical3A_204 = arith.shrui %squeeze3A_202, %shift_right_logical3A_203 : i32
    %mul3A_205 = arith.constant 128 : i32
    %mul3A_206 = arith.muli %shift_right_logical3A_204, %mul3A_205 : i32
    %multiple_of3A_207 = tpu.assume_multiple %mul3A_206, 128 : i32
    %slice3A_208 = vector.extract_strided_slice %get3A_5 {offsets = [5], sizes = [1], strides = [1]} : vector<16xi32> to vector<1xi32>
    %squeeze3A_209 = vector.extract %slice3A_208[0] : i32 from vector<1xi32>
    %shift_right_logical3A_210 = arith.constant 7 : i32
    %shift_right_logical3A_211 = arith.shrui %squeeze3A_209, %shift_right_logical3A_210 : i32
    %mul3A_212 = arith.constant 128 : i32
    %mul3A_213 = arith.muli %shift_right_logical3A_211, %mul3A_212 : i32
    %multiple_of3A_214 = tpu.assume_multiple %mul3A_213, 128 : i32
    %dma_start3A_215 = arith.constant 5 : i32
    %dma_start3A_216 = arith.constant 0 : i32
    %dma_start3A_217 = arith.constant 0 : i32
    %dma_start3A_218 = tpu.memref_slice %arg9[%dma_start3A_215, %dma_start3A_216, %dma_start3A_217] : memref<8x16x129xf32, #tpu.memory_space<vmem>> -> memref<1x16x128xf32, #tpu.memory_space<vmem>>
    %dma_start3A_219 = tpu.memref_squeeze %dma_start3A_218 : memref<1x16x128xf32, #tpu.memory_space<vmem>> -> memref<16x128xf32, #tpu.memory_space<vmem>>
    %dma_start3A_220 = arith.constant 0 : i32
    %dma_start3A_221 = tpu.memref_slice %arg4[%dma_start3A_220, %multiple_of3A_207] : memref<16x1000001xf32, #tpu.memory_space<hbm>> -> memref<16x128xf32, #tpu.memory_space<hbm>>
    %dma_start3A_222 = arith.constant 0 : i32
    %dma_start3A_223 = arith.constant 0 : i32
    %dma_start3A_224 = tpu.memref_slice %arg9[%dma_start3A_215, %dma_start3A_222, %dma_start3A_223] : memref<8x16x129xf32, #tpu.memory_space<vmem>> -> memref<1x16x128xf32, #tpu.memory_space<vmem>>
    %dma_start3A_225 = tpu.memref_squeeze %dma_start3A_224 : memref<1x16x128xf32, #tpu.memory_space<vmem>> -> memref<16x128xf32, #tpu.memory_space<vmem>>
    %dma_start3A_226 = arith.constant 0 : i32
    %dma_start3A_227 = tpu.memref_slice %arg4[%dma_start3A_226, %multiple_of3A_207] : memref<16x1000001xf32, #tpu.memory_space<hbm>> -> memref<16x128xf32, #tpu.memory_space<hbm>>
    tpu.enqueue_dma source(%dma_start3A_227 : memref<16x128xf32, #tpu.memory_space<hbm>>) target(%dma_start3A_225 : memref<16x128xf32, #tpu.memory_space<vmem>>) target_semaphore(%arg13 : memref<!tpu.dma_semaphore, #tpu.memory_space<semaphore_mem>>)
    %dma_start3A_228 = arith.constant 5 : i32
    %dma_start3A_229 = arith.constant 0 : i32
    %dma_start3A_230 = arith.constant 0 : i32
    %dma_start3A_231 = tpu.memref_slice %arg10[%dma_start3A_228, %dma_start3A_229, %dma_start3A_230] : memref<8x16x129xf32, #tpu.memory_space<vmem>> -> memref<1x16x128xf32, #tpu.memory_space<vmem>>
    %dma_start3A_232 = tpu.memref_squeeze %dma_start3A_231 : memref<1x16x128xf32, #tpu.memory_space<vmem>> -> memref<16x128xf32, #tpu.memory_space<vmem>>
    %dma_start3A_233 = arith.constant 0 : i32
    %dma_start3A_234 = tpu.memref_slice %arg5[%dma_start3A_233, %multiple_of3A_214] : memref<16x1000001xf32, #tpu.memory_space<hbm>> -> memref<16x128xf32, #tpu.memory_space<hbm>>
    %dma_start3A_235 = arith.constant 0 : i32
    %dma_start3A_236 = arith.constant 0 : i32
    %dma_start3A_237 = tpu.memref_slice %arg10[%dma_start3A_228, %dma_start3A_235, %dma_start3A_236] : memref<8x16x129xf32, #tpu.memory_space<vmem>> -> memref<1x16x128xf32, #tpu.memory_space<vmem>>
    %dma_start3A_238 = tpu.memref_squeeze %dma_start3A_237 : memref<1x16x128xf32, #tpu.memory_space<vmem>> -> memref<16x128xf32, #tpu.memory_space<vmem>>
    %dma_start3A_239 = arith.constant 0 : i32
    %dma_start3A_240 = tpu.memref_slice %arg5[%dma_start3A_239, %multiple_of3A_214] : memref<16x1000001xf32, #tpu.memory_space<hbm>> -> memref<16x128xf32, #tpu.memory_space<hbm>>
    tpu.enqueue_dma source(%dma_start3A_240 : memref<16x128xf32, #tpu.memory_space<hbm>>) target(%dma_start3A_238 : memref<16x128xf32, #tpu.memory_space<vmem>>) target_semaphore(%arg14 : memref<!tpu.dma_semaphore, #tpu.memory_space<semaphore_mem>>)
    %slice3A_241 = vector.extract_strided_slice %get3A_3 {offsets = [6], sizes = [1], strides = [1]} : vector<16xi32> to vector<1xi32>
    %squeeze3A_242 = vector.extract %slice3A_241[0] : i32 from vector<1xi32>
    %shift_right_logical3A_243 = arith.constant 7 : i32
    %shift_right_logical3A_244 = arith.shrui %squeeze3A_242, %shift_right_logical3A_243 : i32
    %mul3A_245 = arith.constant 128 : i32
    %mul3A_246 = arith.muli %shift_right_logical3A_244, %mul3A_245 : i32
    %multiple_of3A_247 = tpu.assume_multiple %mul3A_246, 128 : i32
    %slice3A_248 = vector.extract_strided_slice %get3A_5 {offsets = [6], sizes = [1], strides = [1]} : vector<16xi32> to vector<1xi32>
    %squeeze3A_249 = vector.extract %slice3A_248[0] : i32 from vector<1xi32>
    %shift_right_logical3A_250 = arith.constant 7 : i32
    %shift_right_logical3A_251 = arith.shrui %squeeze3A_249, %shift_right_logical3A_250 : i32
    %mul3A_252 = arith.constant 128 : i32
    %mul3A_253 = arith.muli %shift_right_logical3A_251, %mul3A_252 : i32
    %multiple_of3A_254 = tpu.assume_multiple %mul3A_253, 128 : i32
    %dma_start3A_255 = arith.constant 6 : i32
    %dma_start3A_256 = arith.constant 0 : i32
    %dma_start3A_257 = arith.constant 0 : i32
    %dma_start3A_258 = tpu.memref_slice %arg9[%dma_start3A_255, %dma_start3A_256, %dma_start3A_257] : memref<8x16x129xf32, #tpu.memory_space<vmem>> -> memref<1x16x128xf32, #tpu.memory_space<vmem>>
    %dma_start3A_259 = tpu.memref_squeeze %dma_start3A_258 : memref<1x16x128xf32, #tpu.memory_space<vmem>> -> memref<16x128xf32, #tpu.memory_space<vmem>>
    %dma_start3A_260 = arith.constant 0 : i32
    %dma_start3A_261 = tpu.memref_slice %arg4[%dma_start3A_260, %multiple_of3A_247] : memref<16x1000001xf32, #tpu.memory_space<hbm>> -> memref<16x128xf32, #tpu.memory_space<hbm>>
    %dma_start3A_262 = arith.constant 0 : i32
    %dma_start3A_263 = arith.constant 0 : i32
    %dma_start3A_264 = tpu.memref_slice %arg9[%dma_start3A_255, %dma_start3A_262, %dma_start3A_263] : memref<8x16x129xf32, #tpu.memory_space<vmem>> -> memref<1x16x128xf32, #tpu.memory_space<vmem>>
    %dma_start3A_265 = tpu.memref_squeeze %dma_start3A_264 : memref<1x16x128xf32, #tpu.memory_space<vmem>> -> memref<16x128xf32, #tpu.memory_space<vmem>>
    %dma_start3A_266 = arith.constant 0 : i32
    %dma_start3A_267 = tpu.memref_slice %arg4[%dma_start3A_266, %multiple_of3A_247] : memref<16x1000001xf32, #tpu.memory_space<hbm>> -> memref<16x128xf32, #tpu.memory_space<hbm>>
    tpu.enqueue_dma source(%dma_start3A_267 : memref<16x128xf32, #tpu.memory_space<hbm>>) target(%dma_start3A_265 : memref<16x128xf32, #tpu.memory_space<vmem>>) target_semaphore(%arg13 : memref<!tpu.dma_semaphore, #tpu.memory_space<semaphore_mem>>)
    %dma_start3A_268 = arith.constant 6 : i32
    %dma_start3A_269 = arith.constant 0 : i32
    %dma_start3A_270 = arith.constant 0 : i32
    %dma_start3A_271 = tpu.memref_slice %arg10[%dma_start3A_268, %dma_start3A_269, %dma_start3A_270] : memref<8x16x129xf32, #tpu.memory_space<vmem>> -> memref<1x16x128xf32, #tpu.memory_space<vmem>>
    %dma_start3A_272 = tpu.memref_squeeze %dma_start3A_271 : memref<1x16x128xf32, #tpu.memory_space<vmem>> -> memref<16x128xf32, #tpu.memory_space<vmem>>
    %dma_start3A_273 = arith.constant 0 : i32
    %dma_start3A_274 = tpu.memref_slice %arg5[%dma_start3A_273, %multiple_of3A_254] : memref<16x1000001xf32, #tpu.memory_space<hbm>> -> memref<16x128xf32, #tpu.memory_space<hbm>>
    %dma_start3A_275 = arith.constant 0 : i32
    %dma_start3A_276 = arith.constant 0 : i32
    %dma_start3A_277 = tpu.memref_slice %arg10[%dma_start3A_268, %dma_start3A_275, %dma_start3A_276] : memref<8x16x129xf32, #tpu.memory_space<vmem>> -> memref<1x16x128xf32, #tpu.memory_space<vmem>>
    %dma_start3A_278 = tpu.memref_squeeze %dma_start3A_277 : memref<1x16x128xf32, #tpu.memory_space<vmem>> -> memref<16x128xf32, #tpu.memory_space<vmem>>
    %dma_start3A_279 = arith.constant 0 : i32
    %dma_start3A_280 = tpu.memref_slice %arg5[%dma_start3A_279, %multiple_of3A_254] : memref<16x1000001xf32, #tpu.memory_space<hbm>> -> memref<16x128xf32, #tpu.memory_space<hbm>>
    tpu.enqueue_dma source(%dma_start3A_280 : memref<16x128xf32, #tpu.memory_space<hbm>>) target(%dma_start3A_278 : memref<16x128xf32, #tpu.memory_space<vmem>>) target_semaphore(%arg14 : memref<!tpu.dma_semaphore, #tpu.memory_space<semaphore_mem>>)
    %slice3A_281 = vector.extract_strided_slice %get3A_3 {offsets = [7], sizes = [1], strides = [1]} : vector<16xi32> to vector<1xi32>
    %squeeze3A_282 = vector.extract %slice3A_281[0] : i32 from vector<1xi32>
    %shift_right_logical3A_283 = arith.constant 7 : i32
    %shift_right_logical3A_284 = arith.shrui %squeeze3A_282, %shift_right_logical3A_283 : i32
    %mul3A_285 = arith.constant 128 : i32
    %mul3A_286 = arith.muli %shift_right_logical3A_284, %mul3A_285 : i32
    %multiple_of3A_287 = tpu.assume_multiple %mul3A_286, 128 : i32
    %slice3A_288 = vector.extract_strided_slice %get3A_5 {offsets = [7], sizes = [1], strides = [1]} : vector<16xi32> to vector<1xi32>
    %squeeze3A_289 = vector.extract %slice3A_288[0] : i32 from vector<1xi32>
    %shift_right_logical3A_290 = arith.constant 7 : i32
    %shift_right_logical3A_291 = arith.shrui %squeeze3A_289, %shift_right_logical3A_290 : i32
    %mul3A_292 = arith.constant 128 : i32
    %mul3A_293 = arith.muli %shift_right_logical3A_291, %mul3A_292 : i32
    %multiple_of3A_294 = tpu.assume_multiple %mul3A_293, 128 : i32
    %dma_start3A_295 = arith.constant 7 : i32
    %dma_start3A_296 = arith.constant 0 : i32
    %dma_start3A_297 = arith.constant 0 : i32
    %dma_start3A_298 = tpu.memref_slice %arg9[%dma_start3A_295, %dma_start3A_296, %dma_start3A_297] : memref<8x16x129xf32, #tpu.memory_space<vmem>> -> memref<1x16x128xf32, #tpu.memory_space<vmem>>
    %dma_start3A_299 = tpu.memref_squeeze %dma_start3A_298 : memref<1x16x128xf32, #tpu.memory_space<vmem>> -> memref<16x128xf32, #tpu.memory_space<vmem>>
    %dma_start3A_300 = arith.constant 0 : i32
    %dma_start3A_301 = tpu.memref_slice %arg4[%dma_start3A_300, %multiple_of3A_287] : memref<16x1000001xf32, #tpu.memory_space<hbm>> -> memref<16x128xf32, #tpu.memory_space<hbm>>
    %dma_start3A_302 = arith.constant 0 : i32
    %dma_start3A_303 = arith.constant 0 : i32
    %dma_start3A_304 = tpu.memref_slice %arg9[%dma_start3A_295, %dma_start3A_302, %dma_start3A_303] : memref<8x16x129xf32, #tpu.memory_space<vmem>> -> memref<1x16x128xf32, #tpu.memory_space<vmem>>
    %dma_start3A_305 = tpu.memref_squeeze %dma_start3A_304 : memref<1x16x128xf32, #tpu.memory_space<vmem>> -> memref<16x128xf32, #tpu.memory_space<vmem>>
    %dma_start3A_306 = arith.constant 0 : i32
    %dma_start3A_307 = tpu.memref_slice %arg4[%dma_start3A_306, %multiple_of3A_287] : memref<16x1000001xf32, #tpu.memory_space<hbm>> -> memref<16x128xf32, #tpu.memory_space<hbm>>
    tpu.enqueue_dma source(%dma_start3A_307 : memref<16x128xf32, #tpu.memory_space<hbm>>) target(%dma_start3A_305 : memref<16x128xf32, #tpu.memory_space<vmem>>) target_semaphore(%arg13 : memref<!tpu.dma_semaphore, #tpu.memory_space<semaphore_mem>>)
    %dma_start3A_308 = arith.constant 7 : i32
    %dma_start3A_309 = arith.constant 0 : i32
    %dma_start3A_310 = arith.constant 0 : i32
    %dma_start3A_311 = tpu.memref_slice %arg10[%dma_start3A_308, %dma_start3A_309, %dma_start3A_310] : memref<8x16x129xf32, #tpu.memory_space<vmem>> -> memref<1x16x128xf32, #tpu.memory_space<vmem>>
    %dma_start3A_312 = tpu.memref_squeeze %dma_start3A_311 : memref<1x16x128xf32, #tpu.memory_space<vmem>> -> memref<16x128xf32, #tpu.memory_space<vmem>>
    %dma_start3A_313 = arith.constant 0 : i32
    %dma_start3A_314 = tpu.memref_slice %arg5[%dma_start3A_313, %multiple_of3A_294] : memref<16x1000001xf32, #tpu.memory_space<hbm>> -> memref<16x128xf32, #tpu.memory_space<hbm>>
    %dma_start3A_315 = arith.constant 0 : i32
    %dma_start3A_316 = arith.constant 0 : i32
    %dma_start3A_317 = tpu.memref_slice %arg10[%dma_start3A_308, %dma_start3A_315, %dma_start3A_316] : memref<8x16x129xf32, #tpu.memory_space<vmem>> -> memref<1x16x128xf32, #tpu.memory_space<vmem>>
    %dma_start3A_318 = tpu.memref_squeeze %dma_start3A_317 : memref<1x16x128xf32, #tpu.memory_space<vmem>> -> memref<16x128xf32, #tpu.memory_space<vmem>>
    %dma_start3A_319 = arith.constant 0 : i32
    %dma_start3A_320 = tpu.memref_slice %arg5[%dma_start3A_319, %multiple_of3A_294] : memref<16x1000001xf32, #tpu.memory_space<hbm>> -> memref<16x128xf32, #tpu.memory_space<hbm>>
    tpu.enqueue_dma source(%dma_start3A_320 : memref<16x128xf32, #tpu.memory_space<hbm>>) target(%dma_start3A_318 : memref<16x128xf32, #tpu.memory_space<vmem>>) target_semaphore(%arg14 : memref<!tpu.dma_semaphore, #tpu.memory_space<semaphore_mem>>)
    %scan3A = arith.constant 0 : i32
    %scan3A_321 = arith.constant 0 : i32
    %scan3A_322 = arith.constant 32 : i32
    %scan3A_323 = arith.addi %scan3A_321, %scan3A_322 : i32
    %scan3A_324 = arith.constant 1 : i32
    scf.for %scan3A_326 = %scan3A_321 to %scan3A_323 step %scan3A_324  : i32 {
      %mul3A_327 = arith.constant 16 : i32
      %mul3A_328 = arith.muli %scan3A_326, %mul3A_327 : i32
      %get3A_329 = arith.index_cast %mul3A_328 : i32 to index
      %get3A_330 = tpu.vector_load %arg7[%get3A_329] {strides = array<i32>} : memref<512xi32, #tpu.memory_space<vmem>>, vector<16xi32>,
      %mul3A_331 = arith.constant 16 : i32
      %mul3A_332 = arith.muli %scan3A_326, %mul3A_331 : i32
      %get3A_333 = arith.index_cast %mul3A_332 : i32 to index
      %get3A_334 = tpu.vector_load %arg8[%get3A_333] {strides = array<i32>} : memref<512xi32, #tpu.memory_space<vmem>>, vector<16xi32>,
      %dma_wait3A = arith.constant 0 : i32
      %dma_wait3A_335 = arith.constant 0 : i32
      %dma_wait3A_336 = arith.constant 0 : i32
      %dma_wait3A_337 = tpu.memref_slice %arg9[%dma_wait3A, %dma_wait3A_335, %dma_wait3A_336] : memref<8x16x129xf32, #tpu.memory_space<vmem>> -> memref<1x16x128xf32, #tpu.memory_space<vmem>>
      %dma_wait3A_338 = tpu.memref_squeeze %dma_wait3A_337 : memref<1x16x128xf32, #tpu.memory_space<vmem>> -> memref<16x128xf32, #tpu.memory_space<vmem>>
      %dma_wait3A_339 = arith.constant 0 : i32
      %dma_wait3A_340 = arith.constant 0 : i32
      %dma_wait3A_341 = tpu.memref_slice %arg4[%dma_wait3A_339, %dma_wait3A_340] : memref<16x1000001xf32, #tpu.memory_space<hbm>> -> memref<16x128xf32, #tpu.memory_space<hbm>>
      %dma_wait3A_342 = arith.constant 0 : i32
      %dma_wait3A_343 = arith.constant 0 : i32
      %dma_wait3A_344 = tpu.memref_slice %arg9[%dma_wait3A, %dma_wait3A_342, %dma_wait3A_343] : memref<8x16x129xf32, #tpu.memory_space<vmem>> -> memref<1x16x128xf32, #tpu.memory_space<vmem>>
      %dma_wait3A_345 = tpu.memref_squeeze %dma_wait3A_344 : memref<1x16x128xf32, #tpu.memory_space<vmem>> -> memref<16x128xf32, #tpu.memory_space<vmem>>
      %dma_wait3A_346 = arith.constant 0 : i32
      %dma_wait3A_347 = arith.constant 0 : i32
      %dma_wait3A_348 = tpu.memref_slice %arg4[%dma_wait3A_346, %dma_wait3A_347] : memref<16x1000001xf32, #tpu.memory_space<hbm>> -> memref<16x128xf32, #tpu.memory_space<hbm>>
      tpu.wait_dma2 semaphore(%arg13 : memref<!tpu.dma_semaphore, #tpu.memory_space<semaphore_mem>>) src(%dma_wait3A_348 : memref<16x128xf32, #tpu.memory_space<hbm>>) dst(%dma_wait3A_345 : memref<16x128xf32, #tpu.memory_space<vmem>>)
      %dma_wait3A_349 = arith.constant 0 : i32
      %dma_wait3A_350 = arith.constant 0 : i32
      %dma_wait3A_351 = arith.constant 0 : i32
      %dma_wait3A_352 = tpu.memref_slice %arg10[%dma_wait3A_349, %dma_wait3A_350, %dma_wait3A_351] : memref<8x16x129xf32, #tpu.memory_space<vmem>> -> memref<1x16x128xf32, #tpu.memory_space<vmem>>
      %dma_wait3A_353 = tpu.memref_squeeze %dma_wait3A_352 : memref<1x16x128xf32, #tpu.memory_space<vmem>> -> memref<16x128xf32, #tpu.memory_space<vmem>>
      %dma_wait3A_354 = arith.constant 0 : i32
      %dma_wait3A_355 = arith.constant 0 : i32
      %dma_wait3A_356 = tpu.memref_slice %arg5[%dma_wait3A_354, %dma_wait3A_355] : memref<16x1000001xf32, #tpu.memory_space<hbm>> -> memref<16x128xf32, #tpu.memory_space<hbm>>
      %dma_wait3A_357 = arith.constant 0 : i32
      %dma_wait3A_358 = arith.constant 0 : i32
      %dma_wait3A_359 = tpu.memref_slice %arg10[%dma_wait3A_349, %dma_wait3A_357, %dma_wait3A_358] : memref<8x16x129xf32, #tpu.memory_space<vmem>> -> memref<1x16x128xf32, #tpu.memory_space<vmem>>
      %dma_wait3A_360 = tpu.memref_squeeze %dma_wait3A_359 : memref<1x16x128xf32, #tpu.memory_space<vmem>> -> memref<16x128xf32, #tpu.memory_space<vmem>>
      %dma_wait3A_361 = arith.constant 0 : i32
      %dma_wait3A_362 = arith.constant 0 : i32
      %dma_wait3A_363 = tpu.memref_slice %arg5[%dma_wait3A_361, %dma_wait3A_362] : memref<16x1000001xf32, #tpu.memory_space<hbm>> -> memref<16x128xf32, #tpu.memory_space<hbm>>
      tpu.wait_dma2 semaphore(%arg14 : memref<!tpu.dma_semaphore, #tpu.memory_space<semaphore_mem>>) src(%dma_wait3A_363 : memref<16x128xf32, #tpu.memory_space<hbm>>) dst(%dma_wait3A_360 : memref<16x128xf32, #tpu.memory_space<vmem>>)
      %broadcast_in_dim3A = arith.constant 0 : i32
      %broadcast_in_dim3A_364 = vector.broadcast %broadcast_in_dim3A : i32 to vector<16xi32>
      %broadcast_in_dim3A_365 = arith.constant 0 : i32
      %broadcast_in_dim3A_366 = vector.broadcast %broadcast_in_dim3A_365 : i32 to vector<16xi32>
      %slice3A_367 = vector.extract_strided_slice %get3A_330 {offsets = [0], sizes = [1], strides = [1]} : vector<16xi32> to vector<1xi32>
      %squeeze3A_368 = vector.extract %slice3A_367[0] : i32 from vector<1xi32>
      %and3A = arith.constant 127 : i32
      %and3A_369 = arith.andi %squeeze3A_368, %and3A : i32
      %add3A_370 = vector.broadcast %and3A_369 : i32 to vector<16xi32>
      %add3A_371 = arith.addi %broadcast_in_dim3A_366, %add3A_370 : vector<16xi32>
      %broadcast_in_dim3A_372 = arith.constant 0 : i32
      %broadcast_in_dim3A_373 = vector.broadcast %broadcast_in_dim3A_372 : i32 to vector<16xi32>
      %slice3A_374 = vector.extract_strided_slice %get3A_334 {offsets = [0], sizes = [1], strides = [1]} : vector<16xi32> to vector<1xi32>
      %squeeze3A_375 = vector.extract %slice3A_374[0] : i32 from vector<1xi32>
      %and3A_376 = arith.constant 127 : i32
      %and3A_377 = arith.andi %squeeze3A_375, %and3A_376 : i32
      %add3A_378 = vector.broadcast %and3A_377 : i32 to vector<16xi32>
      %add3A_379 = arith.addi %broadcast_in_dim3A_373, %add3A_378 : vector<16xi32>
      %gather3A = tpu.vector_load_idx %arg9[%broadcast_in_dim3A_364, %iota3A, %add3A_371] : memref<8x16x129xf32, #tpu.memory_space<vmem>>[vector<16xi32>, vector<16xi32>, vector<16xi32>], vector<16xf32>,
      %gather3A_380 = tpu.vector_load_idx %arg10[%broadcast_in_dim3A_364, %iota3A, %add3A_379] : memref<8x16x129xf32, #tpu.memory_space<vmem>>[vector<16xi32>, vector<16xi32>, vector<16xi32>], vector<16xf32>,
      %mul3A_381 = arith.mulf %gather3A, %gather3A_380 : vector<16xf32>
      %swap3A = arith.constant 0 : index
      %swap3A_382 = tpu.vector_load %arg11[%swap3A] {strides = array<i32>} : memref<272xf32, #tpu.memory_space<vmem>>, vector<16xf32>,
      tpu.vector_store %arg11[%swap3A], %mul3A_381 {strides = array<i32>} : memref<272xf32, #tpu.memory_space<vmem>>, vector<16xf32>,
      %slice3A_383 = vector.extract_strided_slice %get3A_330 {offsets = [8], sizes = [1], strides = [1]} : vector<16xi32> to vector<1xi32>
      %squeeze3A_384 = vector.extract %slice3A_383[0] : i32 from vector<1xi32>
      %shift_right_logical3A_385 = arith.constant 7 : i32
      %shift_right_logical3A_386 = arith.shrui %squeeze3A_384, %shift_right_logical3A_385 : i32
      %mul3A_387 = arith.constant 128 : i32
      %mul3A_388 = arith.muli %shift_right_logical3A_386, %mul3A_387 : i32
      %multiple_of3A_389 = tpu.assume_multiple %mul3A_388, 128 : i32
      %slice3A_390 = vector.extract_strided_slice %get3A_334 {offsets = [8], sizes = [1], strides = [1]} : vector<16xi32> to vector<1xi32>
      %squeeze3A_391 = vector.extract %slice3A_390[0] : i32 from vector<1xi32>
      %shift_right_logical3A_392 = arith.constant 7 : i32
      %shift_right_logical3A_393 = arith.shrui %squeeze3A_391, %shift_right_logical3A_392 : i32
      %mul3A_394 = arith.constant 128 : i32
      %mul3A_395 = arith.muli %shift_right_logical3A_393, %mul3A_394 : i32
      %multiple_of3A_396 = tpu.assume_multiple %mul3A_395, 128 : i32
      %dma_start3A_397 = arith.constant 0 : i32
      %dma_start3A_398 = arith.constant 0 : i32
      %dma_start3A_399 = arith.constant 0 : i32
      %dma_start3A_400 = tpu.memref_slice %arg9[%dma_start3A_397, %dma_start3A_398, %dma_start3A_399] : memref<8x16x129xf32, #tpu.memory_space<vmem>> -> memref<1x16x128xf32, #tpu.memory_space<vmem>>
      %dma_start3A_401 = tpu.memref_squeeze %dma_start3A_400 : memref<1x16x128xf32, #tpu.memory_space<vmem>> -> memref<16x128xf32, #tpu.memory_space<vmem>>
      %dma_start3A_402 = arith.constant 0 : i32
      %dma_start3A_403 = tpu.memref_slice %arg4[%dma_start3A_402, %multiple_of3A_389] : memref<16x1000001xf32, #tpu.memory_space<hbm>> -> memref<16x128xf32, #tpu.memory_space<hbm>>
      %dma_start3A_404 = arith.constant 0 : i32
      %dma_start3A_405 = arith.constant 0 : i32
      %dma_start3A_406 = tpu.memref_slice %arg9[%dma_start3A_397, %dma_start3A_404, %dma_start3A_405] : memref<8x16x129xf32, #tpu.memory_space<vmem>> -> memref<1x16x128xf32, #tpu.memory_space<vmem>>
      %dma_start3A_407 = tpu.memref_squeeze %dma_start3A_406 : memref<1x16x128xf32, #tpu.memory_space<vmem>> -> memref<16x128xf32, #tpu.memory_space<vmem>>
      %dma_start3A_408 = arith.constant 0 : i32
      %dma_start3A_409 = tpu.memref_slice %arg4[%dma_start3A_408, %multiple_of3A_389] : memref<16x1000001xf32, #tpu.memory_space<hbm>> -> memref<16x128xf32, #tpu.memory_space<hbm>>
      tpu.enqueue_dma source(%dma_start3A_409 : memref<16x128xf32, #tpu.memory_space<hbm>>) target(%dma_start3A_407 : memref<16x128xf32, #tpu.memory_space<vmem>>) target_semaphore(%arg13 : memref<!tpu.dma_semaphore, #tpu.memory_space<semaphore_mem>>)
      %dma_start3A_410 = arith.constant 0 : i32
      %dma_start3A_411 = arith.constant 0 : i32
      %dma_start3A_412 = arith.constant 0 : i32
      %dma_start3A_413 = tpu.memref_slice %arg10[%dma_start3A_410, %dma_start3A_411, %dma_start3A_412] : memref<8x16x129xf32, #tpu.memory_space<vmem>> -> memref<1x16x128xf32, #tpu.memory_space<vmem>>
      %dma_start3A_414 = tpu.memref_squeeze %dma_start3A_413 : memref<1x16x128xf32, #tpu.memory_space<vmem>> -> memref<16x128xf32, #tpu.memory_space<vmem>>
      %dma_start3A_415 = arith.constant 0 : i32
      %dma_start3A_416 = tpu.memref_slice %arg5[%dma_start3A_415, %multiple_of3A_396] : memref<16x1000001xf32, #tpu.memory_space<hbm>> -> memref<16x128xf32, #tpu.memory_space<hbm>>
      %dma_start3A_417 = arith.constant 0 : i32
      %dma_start3A_418 = arith.constant 0 : i32
      %dma_start3A_419 = tpu.memref_slice %arg10[%dma_start3A_410, %dma_start3A_417, %dma_start3A_418] : memref<8x16x129xf32, #tpu.memory_space<vmem>> -> memref<1x16x128xf32, #tpu.memory_space<vmem>>
      %dma_start3A_420 = tpu.memref_squeeze %dma_start3A_419 : memref<1x16x128xf32, #tpu.memory_space<vmem>> -> memref<16x128xf32, #tpu.memory_space<vmem>>
      %dma_start3A_421 = arith.constant 0 : i32
      %dma_start3A_422 = tpu.memref_slice %arg5[%dma_start3A_421, %multiple_of3A_396] : memref<16x1000001xf32, #tpu.memory_space<hbm>> -> memref<16x128xf32, #tpu.memory_space<hbm>>
      tpu.enqueue_dma source(%dma_start3A_422 : memref<16x128xf32, #tpu.memory_space<hbm>>) target(%dma_start3A_420 : memref<16x128xf32, #tpu.memory_space<vmem>>) target_semaphore(%arg14 : memref<!tpu.dma_semaphore, #tpu.memory_space<semaphore_mem>>)
      %dma_wait3A_423 = arith.constant 1 : i32
      %dma_wait3A_424 = arith.constant 0 : i32
      %dma_wait3A_425 = arith.constant 0 : i32
      %dma_wait3A_426 = tpu.memref_slice %arg9[%dma_wait3A_423, %dma_wait3A_424, %dma_wait3A_425] : memref<8x16x129xf32, #tpu.memory_space<vmem>> -> memref<1x16x128xf32, #tpu.memory_space<vmem>>
      %dma_wait3A_427 = tpu.memref_squeeze %dma_wait3A_426 : memref<1x16x128xf32, #tpu.memory_space<vmem>> -> memref<16x128xf32, #tpu.memory_space<vmem>>
      %dma_wait3A_428 = arith.constant 0 : i32
      %dma_wait3A_429 = arith.constant 0 : i32
      %dma_wait3A_430 = tpu.memref_slice %arg4[%dma_wait3A_428, %dma_wait3A_429] : memref<16x1000001xf32, #tpu.memory_space<hbm>> -> memref<16x128xf32, #tpu.memory_space<hbm>>
      %dma_wait3A_431 = arith.constant 0 : i32
      %dma_wait3A_432 = arith.constant 0 : i32
      %dma_wait3A_433 = tpu.memref_slice %arg9[%dma_wait3A_423, %dma_wait3A_431, %dma_wait3A_432] : memref<8x16x129xf32, #tpu.memory_space<vmem>> -> memref<1x16x128xf32, #tpu.memory_space<vmem>>
      %dma_wait3A_434 = tpu.memref_squeeze %dma_wait3A_433 : memref<1x16x128xf32, #tpu.memory_space<vmem>> -> memref<16x128xf32, #tpu.memory_space<vmem>>
      %dma_wait3A_435 = arith.constant 0 : i32
      %dma_wait3A_436 = arith.constant 0 : i32
      %dma_wait3A_437 = tpu.memref_slice %arg4[%dma_wait3A_435, %dma_wait3A_436] : memref<16x1000001xf32, #tpu.memory_space<hbm>> -> memref<16x128xf32, #tpu.memory_space<hbm>>
      tpu.wait_dma2 semaphore(%arg13 : memref<!tpu.dma_semaphore, #tpu.memory_space<semaphore_mem>>) src(%dma_wait3A_437 : memref<16x128xf32, #tpu.memory_space<hbm>>) dst(%dma_wait3A_434 : memref<16x128xf32, #tpu.memory_space<vmem>>)
      %dma_wait3A_438 = arith.constant 1 : i32
      %dma_wait3A_439 = arith.constant 0 : i32
      %dma_wait3A_440 = arith.constant 0 : i32
      %dma_wait3A_441 = tpu.memref_slice %arg10[%dma_wait3A_438, %dma_wait3A_439, %dma_wait3A_440] : memref<8x16x129xf32, #tpu.memory_space<vmem>> -> memref<1x16x128xf32, #tpu.memory_space<vmem>>
      %dma_wait3A_442 = tpu.memref_squeeze %dma_wait3A_441 : memref<1x16x128xf32, #tpu.memory_space<vmem>> -> memref<16x128xf32, #tpu.memory_space<vmem>>
      %dma_wait3A_443 = arith.constant 0 : i32
      %dma_wait3A_444 = arith.constant 0 : i32
      %dma_wait3A_445 = tpu.memref_slice %arg5[%dma_wait3A_443, %dma_wait3A_444] : memref<16x1000001xf32, #tpu.memory_space<hbm>> -> memref<16x128xf32, #tpu.memory_space<hbm>>
      %dma_wait3A_446 = arith.constant 0 : i32
      %dma_wait3A_447 = arith.constant 0 : i32
      %dma_wait3A_448 = tpu.memref_slice %arg10[%dma_wait3A_438, %dma_wait3A_446, %dma_wait3A_447] : memref<8x16x129xf32, #tpu.memory_space<vmem>> -> memref<1x16x128xf32, #tpu.memory_space<vmem>>
      %dma_wait3A_449 = tpu.memref_squeeze %dma_wait3A_448 : memref<1x16x128xf32, #tpu.memory_space<vmem>> -> memref<16x128xf32, #tpu.memory_space<vmem>>
      %dma_wait3A_450 = arith.constant 0 : i32
      %dma_wait3A_451 = arith.constant 0 : i32
      %dma_wait3A_452 = tpu.memref_slice %arg5[%dma_wait3A_450, %dma_wait3A_451] : memref<16x1000001xf32, #tpu.memory_space<hbm>> -> memref<16x128xf32, #tpu.memory_space<hbm>>
      tpu.wait_dma2 semaphore(%arg14 : memref<!tpu.dma_semaphore, #tpu.memory_space<semaphore_mem>>) src(%dma_wait3A_452 : memref<16x128xf32, #tpu.memory_space<hbm>>) dst(%dma_wait3A_449 : memref<16x128xf32, #tpu.memory_space<vmem>>)
      %broadcast_in_dim3A_453 = arith.constant 1 : i32
      %broadcast_in_dim3A_454 = vector.broadcast %broadcast_in_dim3A_453 : i32 to vector<16xi32>
      %broadcast_in_dim3A_455 = arith.constant 0 : i32
      %broadcast_in_dim3A_456 = vector.broadcast %broadcast_in_dim3A_455 : i32 to vector<16xi32>
      %slice3A_457 = vector.extract_strided_slice %get3A_330 {offsets = [1], sizes = [1], strides = [1]} : vector<16xi32> to vector<1xi32>
      %squeeze3A_458 = vector.extract %slice3A_457[0] : i32 from vector<1xi32>
      %and3A_459 = arith.constant 127 : i32
      %and3A_460 = arith.andi %squeeze3A_458, %and3A_459 : i32
      %add3A_461 = vector.broadcast %and3A_460 : i32 to vector<16xi32>
      %add3A_462 = arith.addi %broadcast_in_dim3A_456, %add3A_461 : vector<16xi32>
      %broadcast_in_dim3A_463 = arith.constant 0 : i32
      %broadcast_in_dim3A_464 = vector.broadcast %broadcast_in_dim3A_463 : i32 to vector<16xi32>
      %slice3A_465 = vector.extract_strided_slice %get3A_334 {offsets = [1], sizes = [1], strides = [1]} : vector<16xi32> to vector<1xi32>
      %squeeze3A_466 = vector.extract %slice3A_465[0] : i32 from vector<1xi32>
      %and3A_467 = arith.constant 127 : i32
      %and3A_468 = arith.andi %squeeze3A_466, %and3A_467 : i32
      %add3A_469 = vector.broadcast %and3A_468 : i32 to vector<16xi32>
      %add3A_470 = arith.addi %broadcast_in_dim3A_464, %add3A_469 : vector<16xi32>
      %gather3A_471 = tpu.vector_load_idx %arg9[%broadcast_in_dim3A_454, %iota3A, %add3A_462] : memref<8x16x129xf32, #tpu.memory_space<vmem>>[vector<16xi32>, vector<16xi32>, vector<16xi32>], vector<16xf32>,
      %gather3A_472 = tpu.vector_load_idx %arg10[%broadcast_in_dim3A_454, %iota3A, %add3A_470] : memref<8x16x129xf32, #tpu.memory_space<vmem>>[vector<16xi32>, vector<16xi32>, vector<16xi32>], vector<16xf32>,
      %mul3A_473 = arith.mulf %gather3A_471, %gather3A_472 : vector<16xf32>
      %swap3A_474 = arith.constant 17 : index
      %swap3A_475 = tpu.vector_load %arg11[%swap3A_474] {strides = array<i32>} : memref<272xf32, #tpu.memory_space<vmem>>, vector<16xf32>,
      tpu.vector_store %arg11[%swap3A_474], %mul3A_473 {strides = array<i32>} : memref<272xf32, #tpu.memory_space<vmem>>, vector<16xf32>,
      %slice3A_476 = vector.extract_strided_slice %get3A_330 {offsets = [9], sizes = [1], strides = [1]} : vector<16xi32> to vector<1xi32>
      %squeeze3A_477 = vector.extract %slice3A_476[0] : i32 from vector<1xi32>
      %shift_right_logical3A_478 = arith.constant 7 : i32
      %shift_right_logical3A_479 = arith.shrui %squeeze3A_477, %shift_right_logical3A_478 : i32
      %mul3A_480 = arith.constant 128 : i32
      %mul3A_481 = arith.muli %shift_right_logical3A_479, %mul3A_480 : i32
      %multiple_of3A_482 = tpu.assume_multiple %mul3A_481, 128 : i32
      %slice3A_483 = vector.extract_strided_slice %get3A_334 {offsets = [9], sizes = [1], strides = [1]} : vector<16xi32> to vector<1xi32>
      %squeeze3A_484 = vector.extract %slice3A_483[0] : i32 from vector<1xi32>
      %shift_right_logical3A_485 = arith.constant 7 : i32
      %shift_right_logical3A_486 = arith.shrui %squeeze3A_484, %shift_right_logical3A_485 : i32
      %mul3A_487 = arith.constant 128 : i32
      %mul3A_488 = arith.muli %shift_right_logical3A_486, %mul3A_487 : i32
      %multiple_of3A_489 = tpu.assume_multiple %mul3A_488, 128 : i32
      %dma_start3A_490 = arith.constant 1 : i32
      %dma_start3A_491 = arith.constant 0 : i32
      %dma_start3A_492 = arith.constant 0 : i32
      %dma_start3A_493 = tpu.memref_slice %arg9[%dma_start3A_490, %dma_start3A_491, %dma_start3A_492] : memref<8x16x129xf32, #tpu.memory_space<vmem>> -> memref<1x16x128xf32, #tpu.memory_space<vmem>>
      %dma_start3A_494 = tpu.memref_squeeze %dma_start3A_493 : memref<1x16x128xf32, #tpu.memory_space<vmem>> -> memref<16x128xf32, #tpu.memory_space<vmem>>
      %dma_start3A_495 = arith.constant 0 : i32
      %dma_start3A_496 = tpu.memref_slice %arg4[%dma_start3A_495, %multiple_of3A_482] : memref<16x1000001xf32, #tpu.memory_space<hbm>> -> memref<16x128xf32, #tpu.memory_space<hbm>>
      %dma_start3A_497 = arith.constant 0 : i32
      %dma_start3A_498 = arith.constant 0 : i32
      %dma_start3A_499 = tpu.memref_slice %arg9[%dma_start3A_490, %dma_start3A_497, %dma_start3A_498] : memref<8x16x129xf32, #tpu.memory_space<vmem>> -> memref<1x16x128xf32, #tpu.memory_space<vmem>>
      %dma_start3A_500 = tpu.memref_squeeze %dma_start3A_499 : memref<1x16x128xf32, #tpu.memory_space<vmem>> -> memref<16x128xf32, #tpu.memory_space<vmem>>
      %dma_start3A_501 = arith.constant 0 : i32
      %dma_start3A_502 = tpu.memref_slice %arg4[%dma_start3A_501, %multiple_of3A_482] : memref<16x1000001xf32, #tpu.memory_space<hbm>> -> memref<16x128xf32, #tpu.memory_space<hbm>>
      tpu.enqueue_dma source(%dma_start3A_502 : memref<16x128xf32, #tpu.memory_space<hbm>>) target(%dma_start3A_500 : memref<16x128xf32, #tpu.memory_space<vmem>>) target_semaphore(%arg13 : memref<!tpu.dma_semaphore, #tpu.memory_space<semaphore_mem>>)
      %dma_start3A_503 = arith.constant 1 : i32
      %dma_start3A_504 = arith.constant 0 : i32
      %dma_start3A_505 = arith.constant 0 : i32
      %dma_start3A_506 = tpu.memref_slice %arg10[%dma_start3A_503, %dma_start3A_504, %dma_start3A_505] : memref<8x16x129xf32, #tpu.memory_space<vmem>> -> memref<1x16x128xf32, #tpu.memory_space<vmem>>
      %dma_start3A_507 = tpu.memref_squeeze %dma_start3A_506 : memref<1x16x128xf32, #tpu.memory_space<vmem>> -> memref<16x128xf32, #tpu.memory_space<vmem>>
      %dma_start3A_508 = arith.constant 0 : i32
      %dma_start3A_509 = tpu.memref_slice %arg5[%dma_start3A_508, %multiple_of3A_489] : memref<16x1000001xf32, #tpu.memory_space<hbm>> -> memref<16x128xf32, #tpu.memory_space<hbm>>
      %dma_start3A_510 = arith.constant 0 : i32
      %dma_start3A_511 = arith.constant 0 : i32
      %dma_start3A_512 = tpu.memref_slice %arg10[%dma_start3A_503, %dma_start3A_510, %dma_start3A_511] : memref<8x16x129xf32, #tpu.memory_space<vmem>> -> memref<1x16x128xf32, #tpu.memory_space<vmem>>
      %dma_start3A_513 = tpu.memref_squeeze %dma_start3A_512 : memref<1x16x128xf32, #tpu.memory_space<vmem>> -> memref<16x128xf32, #tpu.memory_space<vmem>>
      %dma_start3A_514 = arith.constant 0 : i32
      %dma_start3A_515 = tpu.memref_slice %arg5[%dma_start3A_514, %multiple_of3A_489] : memref<16x1000001xf32, #tpu.memory_space<hbm>> -> memref<16x128xf32, #tpu.memory_space<hbm>>
      tpu.enqueue_dma source(%dma_start3A_515 : memref<16x128xf32, #tpu.memory_space<hbm>>) target(%dma_start3A_513 : memref<16x128xf32, #tpu.memory_space<vmem>>) target_semaphore(%arg14 : memref<!tpu.dma_semaphore, #tpu.memory_space<semaphore_mem>>)
      %dma_wait3A_516 = arith.constant 2 : i32
      %dma_wait3A_517 = arith.constant 0 : i32
      %dma_wait3A_518 = arith.constant 0 : i32
      %dma_wait3A_519 = tpu.memref_slice %arg9[%dma_wait3A_516, %dma_wait3A_517, %dma_wait3A_518] : memref<8x16x129xf32, #tpu.memory_space<vmem>> -> memref<1x16x128xf32, #tpu.memory_space<vmem>>
      %dma_wait3A_520 = tpu.memref_squeeze %dma_wait3A_519 : memref<1x16x128xf32, #tpu.memory_space<vmem>> -> memref<16x128xf32, #tpu.memory_space<vmem>>
      %dma_wait3A_521 = arith.constant 0 : i32
      %dma_wait3A_522 = arith.constant 0 : i32
      %dma_wait3A_523 = tpu.memref_slice %arg4[%dma_wait3A_521, %dma_wait3A_522] : memref<16x1000001xf32, #tpu.memory_space<hbm>> -> memref<16x128xf32, #tpu.memory_space<hbm>>
      %dma_wait3A_524 = arith.constant 0 : i32
      %dma_wait3A_525 = arith.constant 0 : i32
      %dma_wait3A_526 = tpu.memref_slice %arg9[%dma_wait3A_516, %dma_wait3A_524, %dma_wait3A_525] : memref<8x16x129xf32, #tpu.memory_space<vmem>> -> memref<1x16x128xf32, #tpu.memory_space<vmem>>
      %dma_wait3A_527 = tpu.memref_squeeze %dma_wait3A_526 : memref<1x16x128xf32, #tpu.memory_space<vmem>> -> memref<16x128xf32, #tpu.memory_space<vmem>>
      %dma_wait3A_528 = arith.constant 0 : i32
      %dma_wait3A_529 = arith.constant 0 : i32
      %dma_wait3A_530 = tpu.memref_slice %arg4[%dma_wait3A_528, %dma_wait3A_529] : memref<16x1000001xf32, #tpu.memory_space<hbm>> -> memref<16x128xf32, #tpu.memory_space<hbm>>
      tpu.wait_dma2 semaphore(%arg13 : memref<!tpu.dma_semaphore, #tpu.memory_space<semaphore_mem>>) src(%dma_wait3A_530 : memref<16x128xf32, #tpu.memory_space<hbm>>) dst(%dma_wait3A_527 : memref<16x128xf32, #tpu.memory_space<vmem>>)
      %dma_wait3A_531 = arith.constant 2 : i32
      %dma_wait3A_532 = arith.constant 0 : i32
      %dma_wait3A_533 = arith.constant 0 : i32
      %dma_wait3A_534 = tpu.memref_slice %arg10[%dma_wait3A_531, %dma_wait3A_532, %dma_wait3A_533] : memref<8x16x129xf32, #tpu.memory_space<vmem>> -> memref<1x16x128xf32, #tpu.memory_space<vmem>>
      %dma_wait3A_535 = tpu.memref_squeeze %dma_wait3A_534 : memref<1x16x128xf32, #tpu.memory_space<vmem>> -> memref<16x128xf32, #tpu.memory_space<vmem>>
      %dma_wait3A_536 = arith.constant 0 : i32
      %dma_wait3A_537 = arith.constant 0 : i32
      %dma_wait3A_538 = tpu.memref_slice %arg5[%dma_wait3A_536, %dma_wait3A_537] : memref<16x1000001xf32, #tpu.memory_space<hbm>> -> memref<16x128xf32, #tpu.memory_space<hbm>>
      %dma_wait3A_539 = arith.constant 0 : i32
      %dma_wait3A_540 = arith.constant 0 : i32
      %dma_wait3A_541 = tpu.memref_slice %arg10[%dma_wait3A_531, %dma_wait3A_539, %dma_wait3A_540] : memref<8x16x129xf32, #tpu.memory_space<vmem>> -> memref<1x16x128xf32, #tpu.memory_space<vmem>>
      %dma_wait3A_542 = tpu.memref_squeeze %dma_wait3A_541 : memref<1x16x128xf32, #tpu.memory_space<vmem>> -> memref<16x128xf32, #tpu.memory_space<vmem>>
      %dma_wait3A_543 = arith.constant 0 : i32
      %dma_wait3A_544 = arith.constant 0 : i32
      %dma_wait3A_545 = tpu.memref_slice %arg5[%dma_wait3A_543, %dma_wait3A_544] : memref<16x1000001xf32, #tpu.memory_space<hbm>> -> memref<16x128xf32, #tpu.memory_space<hbm>>
      tpu.wait_dma2 semaphore(%arg14 : memref<!tpu.dma_semaphore, #tpu.memory_space<semaphore_mem>>) src(%dma_wait3A_545 : memref<16x128xf32, #tpu.memory_space<hbm>>) dst(%dma_wait3A_542 : memref<16x128xf32, #tpu.memory_space<vmem>>)
      %broadcast_in_dim3A_546 = arith.constant 2 : i32
      %broadcast_in_dim3A_547 = vector.broadcast %broadcast_in_dim3A_546 : i32 to vector<16xi32>
      %broadcast_in_dim3A_548 = arith.constant 0 : i32
      %broadcast_in_dim3A_549 = vector.broadcast %broadcast_in_dim3A_548 : i32 to vector<16xi32>
      %slice3A_550 = vector.extract_strided_slice %get3A_330 {offsets = [2], sizes = [1], strides = [1]} : vector<16xi32> to vector<1xi32>
      %squeeze3A_551 = vector.extract %slice3A_550[0] : i32 from vector<1xi32>
      %and3A_552 = arith.constant 127 : i32
      %and3A_553 = arith.andi %squeeze3A_551, %and3A_552 : i32
      %add3A_554 = vector.broadcast %and3A_553 : i32 to vector<16xi32>
      %add3A_555 = arith.addi %broadcast_in_dim3A_549, %add3A_554 : vector<16xi32>
      %broadcast_in_dim3A_556 = arith.constant 0 : i32
      %broadcast_in_dim3A_557 = vector.broadcast %broadcast_in_dim3A_556 : i32 to vector<16xi32>
      %slice3A_558 = vector.extract_strided_slice %get3A_334 {offsets = [2], sizes = [1], strides = [1]} : vector<16xi32> to vector<1xi32>
      %squeeze3A_559 = vector.extract %slice3A_558[0] : i32 from vector<1xi32>
      %and3A_560 = arith.constant 127 : i32
      %and3A_561 = arith.andi %squeeze3A_559, %and3A_560 : i32
      %add3A_562 = vector.broadcast %and3A_561 : i32 to vector<16xi32>
      %add3A_563 = arith.addi %broadcast_in_dim3A_557, %add3A_562 : vector<16xi32>
      %gather3A_564 = tpu.vector_load_idx %arg9[%broadcast_in_dim3A_547, %iota3A, %add3A_555] : memref<8x16x129xf32, #tpu.memory_space<vmem>>[vector<16xi32>, vector<16xi32>, vector<16xi32>], vector<16xf32>,
      %gather3A_565 = tpu.vector_load_idx %arg10[%broadcast_in_dim3A_547, %iota3A, %add3A_563] : memref<8x16x129xf32, #tpu.memory_space<vmem>>[vector<16xi32>, vector<16xi32>, vector<16xi32>], vector<16xf32>,
      %mul3A_566 = arith.mulf %gather3A_564, %gather3A_565 : vector<16xf32>
      %swap3A_567 = arith.constant 34 : index
      %swap3A_568 = tpu.vector_load %arg11[%swap3A_567] {strides = array<i32>} : memref<272xf32, #tpu.memory_space<vmem>>, vector<16xf32>,
      tpu.vector_store %arg11[%swap3A_567], %mul3A_566 {strides = array<i32>} : memref<272xf32, #tpu.memory_space<vmem>>, vector<16xf32>,
      %slice3A_569 = vector.extract_strided_slice %get3A_330 {offsets = [10], sizes = [1], strides = [1]} : vector<16xi32> to vector<1xi32>
      %squeeze3A_570 = vector.extract %slice3A_569[0] : i32 from vector<1xi32>
      %shift_right_logical3A_571 = arith.constant 7 : i32
      %shift_right_logical3A_572 = arith.shrui %squeeze3A_570, %shift_right_logical3A_571 : i32
      %mul3A_573 = arith.constant 128 : i32
      %mul3A_574 = arith.muli %shift_right_logical3A_572, %mul3A_573 : i32
      %multiple_of3A_575 = tpu.assume_multiple %mul3A_574, 128 : i32
      %slice3A_576 = vector.extract_strided_slice %get3A_334 {offsets = [10], sizes = [1], strides = [1]} : vector<16xi32> to vector<1xi32>
      %squeeze3A_577 = vector.extract %slice3A_576[0] : i32 from vector<1xi32>
      %shift_right_logical3A_578 = arith.constant 7 : i32
      %shift_right_logical3A_579 = arith.shrui %squeeze3A_577, %shift_right_logical3A_578 : i32
      %mul3A_580 = arith.constant 128 : i32
      %mul3A_581 = arith.muli %shift_right_logical3A_579, %mul3A_580 : i32
      %multiple_of3A_582 = tpu.assume_multiple %mul3A_581, 128 : i32
      %dma_start3A_583 = arith.constant 2 : i32
      %dma_start3A_584 = arith.constant 0 : i32
      %dma_start3A_585 = arith.constant 0 : i32
      %dma_start3A_586 = tpu.memref_slice %arg9[%dma_start3A_583, %dma_start3A_584, %dma_start3A_585] : memref<8x16x129xf32, #tpu.memory_space<vmem>> -> memref<1x16x128xf32, #tpu.memory_space<vmem>>
      %dma_start3A_587 = tpu.memref_squeeze %dma_start3A_586 : memref<1x16x128xf32, #tpu.memory_space<vmem>> -> memref<16x128xf32, #tpu.memory_space<vmem>>
      %dma_start3A_588 = arith.constant 0 : i32
      %dma_start3A_589 = tpu.memref_slice %arg4[%dma_start3A_588, %multiple_of3A_575] : memref<16x1000001xf32, #tpu.memory_space<hbm>> -> memref<16x128xf32, #tpu.memory_space<hbm>>
      %dma_start3A_590 = arith.constant 0 : i32
      %dma_start3A_591 = arith.constant 0 : i32
      %dma_start3A_592 = tpu.memref_slice %arg9[%dma_start3A_583, %dma_start3A_590, %dma_start3A_591] : memref<8x16x129xf32, #tpu.memory_space<vmem>> -> memref<1x16x128xf32, #tpu.memory_space<vmem>>
      %dma_start3A_593 = tpu.memref_squeeze %dma_start3A_592 : memref<1x16x128xf32, #tpu.memory_space<vmem>> -> memref<16x128xf32, #tpu.memory_space<vmem>>
      %dma_start3A_594 = arith.constant 0 : i32
      %dma_start3A_595 = tpu.memref_slice %arg4[%dma_start3A_594, %multiple_of3A_575] : memref<16x1000001xf32, #tpu.memory_space<hbm>> -> memref<16x128xf32, #tpu.memory_space<hbm>>
      tpu.enqueue_dma source(%dma_start3A_595 : memref<16x128xf32, #tpu.memory_space<hbm>>) target(%dma_start3A_593 : memref<16x128xf32, #tpu.memory_space<vmem>>) target_semaphore(%arg13 : memref<!tpu.dma_semaphore, #tpu.memory_space<semaphore_mem>>)
      %dma_start3A_596 = arith.constant 2 : i32
      %dma_start3A_597 = arith.constant 0 : i32
      %dma_start3A_598 = arith.constant 0 : i32
      %dma_start3A_599 = tpu.memref_slice %arg10[%dma_start3A_596, %dma_start3A_597, %dma_start3A_598] : memref<8x16x129xf32, #tpu.memory_space<vmem>> -> memref<1x16x128xf32, #tpu.memory_space<vmem>>
      %dma_start3A_600 = tpu.memref_squeeze %dma_start3A_599 : memref<1x16x128xf32, #tpu.memory_space<vmem>> -> memref<16x128xf32, #tpu.memory_space<vmem>>
      %dma_start3A_601 = arith.constant 0 : i32
      %dma_start3A_602 = tpu.memref_slice %arg5[%dma_start3A_601, %multiple_of3A_582] : memref<16x1000001xf32, #tpu.memory_space<hbm>> -> memref<16x128xf32, #tpu.memory_space<hbm>>
      %dma_start3A_603 = arith.constant 0 : i32
      %dma_start3A_604 = arith.constant 0 : i32
      %dma_start3A_605 = tpu.memref_slice %arg10[%dma_start3A_596, %dma_start3A_603, %dma_start3A_604] : memref<8x16x129xf32, #tpu.memory_space<vmem>> -> memref<1x16x128xf32, #tpu.memory_space<vmem>>
      %dma_start3A_606 = tpu.memref_squeeze %dma_start3A_605 : memref<1x16x128xf32, #tpu.memory_space<vmem>> -> memref<16x128xf32, #tpu.memory_space<vmem>>
      %dma_start3A_607 = arith.constant 0 : i32
      %dma_start3A_608 = tpu.memref_slice %arg5[%dma_start3A_607, %multiple_of3A_582] : memref<16x1000001xf32, #tpu.memory_space<hbm>> -> memref<16x128xf32, #tpu.memory_space<hbm>>
      tpu.enqueue_dma source(%dma_start3A_608 : memref<16x128xf32, #tpu.memory_space<hbm>>) target(%dma_start3A_606 : memref<16x128xf32, #tpu.memory_space<vmem>>) target_semaphore(%arg14 : memref<!tpu.dma_semaphore, #tpu.memory_space<semaphore_mem>>)
      %dma_wait3A_609 = arith.constant 3 : i32
      %dma_wait3A_610 = arith.constant 0 : i32
      %dma_wait3A_611 = arith.constant 0 : i32
      %dma_wait3A_612 = tpu.memref_slice %arg9[%dma_wait3A_609, %dma_wait3A_610, %dma_wait3A_611] : memref<8x16x129xf32, #tpu.memory_space<vmem>> -> memref<1x16x128xf32, #tpu.memory_space<vmem>>
      %dma_wait3A_613 = tpu.memref_squeeze %dma_wait3A_612 : memref<1x16x128xf32, #tpu.memory_space<vmem>> -> memref<16x128xf32, #tpu.memory_space<vmem>>
      %dma_wait3A_614 = arith.constant 0 : i32
      %dma_wait3A_615 = arith.constant 0 : i32
      %dma_wait3A_616 = tpu.memref_slice %arg4[%dma_wait3A_614, %dma_wait3A_615] : memref<16x1000001xf32, #tpu.memory_space<hbm>> -> memref<16x128xf32, #tpu.memory_space<hbm>>
      %dma_wait3A_617 = arith.constant 0 : i32
      %dma_wait3A_618 = arith.constant 0 : i32
      %dma_wait3A_619 = tpu.memref_slice %arg9[%dma_wait3A_609, %dma_wait3A_617, %dma_wait3A_618] : memref<8x16x129xf32, #tpu.memory_space<vmem>> -> memref<1x16x128xf32, #tpu.memory_space<vmem>>
      %dma_wait3A_620 = tpu.memref_squeeze %dma_wait3A_619 : memref<1x16x128xf32, #tpu.memory_space<vmem>> -> memref<16x128xf32, #tpu.memory_space<vmem>>
      %dma_wait3A_621 = arith.constant 0 : i32
      %dma_wait3A_622 = arith.constant 0 : i32
      %dma_wait3A_623 = tpu.memref_slice %arg4[%dma_wait3A_621, %dma_wait3A_622] : memref<16x1000001xf32, #tpu.memory_space<hbm>> -> memref<16x128xf32, #tpu.memory_space<hbm>>
      tpu.wait_dma2 semaphore(%arg13 : memref<!tpu.dma_semaphore, #tpu.memory_space<semaphore_mem>>) src(%dma_wait3A_623 : memref<16x128xf32, #tpu.memory_space<hbm>>) dst(%dma_wait3A_620 : memref<16x128xf32, #tpu.memory_space<vmem>>)
      %dma_wait3A_624 = arith.constant 3 : i32
      %dma_wait3A_625 = arith.constant 0 : i32
      %dma_wait3A_626 = arith.constant 0 : i32
      %dma_wait3A_627 = tpu.memref_slice %arg10[%dma_wait3A_624, %dma_wait3A_625, %dma_wait3A_626] : memref<8x16x129xf32, #tpu.memory_space<vmem>> -> memref<1x16x128xf32, #tpu.memory_space<vmem>>
      %dma_wait3A_628 = tpu.memref_squeeze %dma_wait3A_627 : memref<1x16x128xf32, #tpu.memory_space<vmem>> -> memref<16x128xf32, #tpu.memory_space<vmem>>
      %dma_wait3A_629 = arith.constant 0 : i32
      %dma_wait3A_630 = arith.constant 0 : i32
      %dma_wait3A_631 = tpu.memref_slice %arg5[%dma_wait3A_629, %dma_wait3A_630] : memref<16x1000001xf32, #tpu.memory_space<hbm>> -> memref<16x128xf32, #tpu.memory_space<hbm>>
      %dma_wait3A_632 = arith.constant 0 : i32
      %dma_wait3A_633 = arith.constant 0 : i32
      %dma_wait3A_634 = tpu.memref_slice %arg10[%dma_wait3A_624, %dma_wait3A_632, %dma_wait3A_633] : memref<8x16x129xf32, #tpu.memory_space<vmem>> -> memref<1x16x128xf32, #tpu.memory_space<vmem>>
      %dma_wait3A_635 = tpu.memref_squeeze %dma_wait3A_634 : memref<1x16x128xf32, #tpu.memory_space<vmem>> -> memref<16x128xf32, #tpu.memory_space<vmem>>
      %dma_wait3A_636 = arith.constant 0 : i32
      %dma_wait3A_637 = arith.constant 0 : i32
      %dma_wait3A_638 = tpu.memref_slice %arg5[%dma_wait3A_636, %dma_wait3A_637] : memref<16x1000001xf32, #tpu.memory_space<hbm>> -> memref<16x128xf32, #tpu.memory_space<hbm>>
      tpu.wait_dma2 semaphore(%arg14 : memref<!tpu.dma_semaphore, #tpu.memory_space<semaphore_mem>>) src(%dma_wait3A_638 : memref<16x128xf32, #tpu.memory_space<hbm>>) dst(%dma_wait3A_635 : memref<16x128xf32, #tpu.memory_space<vmem>>)
      %broadcast_in_dim3A_639 = arith.constant 3 : i32
      %broadcast_in_dim3A_640 = vector.broadcast %broadcast_in_dim3A_639 : i32 to vector<16xi32>
      %broadcast_in_dim3A_641 = arith.constant 0 : i32
      %broadcast_in_dim3A_642 = vector.broadcast %broadcast_in_dim3A_641 : i32 to vector<16xi32>
      %slice3A_643 = vector.extract_strided_slice %get3A_330 {offsets = [3], sizes = [1], strides = [1]} : vector<16xi32> to vector<1xi32>
      %squeeze3A_644 = vector.extract %slice3A_643[0] : i32 from vector<1xi32>
      %and3A_645 = arith.constant 127 : i32
      %and3A_646 = arith.andi %squeeze3A_644, %and3A_645 : i32
      %add3A_647 = vector.broadcast %and3A_646 : i32 to vector<16xi32>
      %add3A_648 = arith.addi %broadcast_in_dim3A_642, %add3A_647 : vector<16xi32>
      %broadcast_in_dim3A_649 = arith.constant 0 : i32
      %broadcast_in_dim3A_650 = vector.broadcast %broadcast_in_dim3A_649 : i32 to vector<16xi32>
      %slice3A_651 = vector.extract_strided_slice %get3A_334 {offsets = [3], sizes = [1], strides = [1]} : vector<16xi32> to vector<1xi32>
      %squeeze3A_652 = vector.extract %slice3A_651[0] : i32 from vector<1xi32>
      %and3A_653 = arith.constant 127 : i32
      %and3A_654 = arith.andi %squeeze3A_652, %and3A_653 : i32
      %add3A_655 = vector.broadcast %and3A_654 : i32 to vector<16xi32>
      %add3A_656 = arith.addi %broadcast_in_dim3A_650, %add3A_655 : vector<16xi32>
      %gather3A_657 = tpu.vector_load_idx %arg9[%broadcast_in_dim3A_640, %iota3A, %add3A_648] : memref<8x16x129xf32, #tpu.memory_space<vmem>>[vector<16xi32>, vector<16xi32>, vector<16xi32>], vector<16xf32>,
      %gather3A_658 = tpu.vector_load_idx %arg10[%broadcast_in_dim3A_640, %iota3A, %add3A_656] : memref<8x16x129xf32, #tpu.memory_space<vmem>>[vector<16xi32>, vector<16xi32>, vector<16xi32>], vector<16xf32>,
      %mul3A_659 = arith.mulf %gather3A_657, %gather3A_658 : vector<16xf32>
      %swap3A_660 = arith.constant 51 : index
      %swap3A_661 = tpu.vector_load %arg11[%swap3A_660] {strides = array<i32>} : memref<272xf32, #tpu.memory_space<vmem>>, vector<16xf32>,
      tpu.vector_store %arg11[%swap3A_660], %mul3A_659 {strides = array<i32>} : memref<272xf32, #tpu.memory_space<vmem>>, vector<16xf32>,
      %slice3A_662 = vector.extract_strided_slice %get3A_330 {offsets = [11], sizes = [1], strides = [1]} : vector<16xi32> to vector<1xi32>
      %squeeze3A_663 = vector.extract %slice3A_662[0] : i32 from vector<1xi32>
      %shift_right_logical3A_664 = arith.constant 7 : i32
      %shift_right_logical3A_665 = arith.shrui %squeeze3A_663, %shift_right_logical3A_664 : i32
      %mul3A_666 = arith.constant 128 : i32
      %mul3A_667 = arith.muli %shift_right_logical3A_665, %mul3A_666 : i32
      %multiple_of3A_668 = tpu.assume_multiple %mul3A_667, 128 : i32
      %slice3A_669 = vector.extract_strided_slice %get3A_334 {offsets = [11], sizes = [1], strides = [1]} : vector<16xi32> to vector<1xi32>
      %squeeze3A_670 = vector.extract %slice3A_669[0] : i32 from vector<1xi32>
      %shift_right_logical3A_671 = arith.constant 7 : i32
      %shift_right_logical3A_672 = arith.shrui %squeeze3A_670, %shift_right_logical3A_671 : i32
      %mul3A_673 = arith.constant 128 : i32
      %mul3A_674 = arith.muli %shift_right_logical3A_672, %mul3A_673 : i32
      %multiple_of3A_675 = tpu.assume_multiple %mul3A_674, 128 : i32
      %dma_start3A_676 = arith.constant 3 : i32
      %dma_start3A_677 = arith.constant 0 : i32
      %dma_start3A_678 = arith.constant 0 : i32
      %dma_start3A_679 = tpu.memref_slice %arg9[%dma_start3A_676, %dma_start3A_677, %dma_start3A_678] : memref<8x16x129xf32, #tpu.memory_space<vmem>> -> memref<1x16x128xf32, #tpu.memory_space<vmem>>
      %dma_start3A_680 = tpu.memref_squeeze %dma_start3A_679 : memref<1x16x128xf32, #tpu.memory_space<vmem>> -> memref<16x128xf32, #tpu.memory_space<vmem>>
      %dma_start3A_681 = arith.constant 0 : i32
      %dma_start3A_682 = tpu.memref_slice %arg4[%dma_start3A_681, %multiple_of3A_668] : memref<16x1000001xf32, #tpu.memory_space<hbm>> -> memref<16x128xf32, #tpu.memory_space<hbm>>
      %dma_start3A_683 = arith.constant 0 : i32
      %dma_start3A_684 = arith.constant 0 : i32
      %dma_start3A_685 = tpu.memref_slice %arg9[%dma_start3A_676, %dma_start3A_683, %dma_start3A_684] : memref<8x16x129xf32, #tpu.memory_space<vmem>> -> memref<1x16x128xf32, #tpu.memory_space<vmem>>
      %dma_start3A_686 = tpu.memref_squeeze %dma_start3A_685 : memref<1x16x128xf32, #tpu.memory_space<vmem>> -> memref<16x128xf32, #tpu.memory_space<vmem>>
      %dma_start3A_687 = arith.constant 0 : i32
      %dma_start3A_688 = tpu.memref_slice %arg4[%dma_start3A_687, %multiple_of3A_668] : memref<16x1000001xf32, #tpu.memory_space<hbm>> -> memref<16x128xf32, #tpu.memory_space<hbm>>
      tpu.enqueue_dma source(%dma_start3A_688 : memref<16x128xf32, #tpu.memory_space<hbm>>) target(%dma_start3A_686 : memref<16x128xf32, #tpu.memory_space<vmem>>) target_semaphore(%arg13 : memref<!tpu.dma_semaphore, #tpu.memory_space<semaphore_mem>>)
      %dma_start3A_689 = arith.constant 3 : i32
      %dma_start3A_690 = arith.constant 0 : i32
      %dma_start3A_691 = arith.constant 0 : i32
      %dma_start3A_692 = tpu.memref_slice %arg10[%dma_start3A_689, %dma_start3A_690, %dma_start3A_691] : memref<8x16x129xf32, #tpu.memory_space<vmem>> -> memref<1x16x128xf32, #tpu.memory_space<vmem>>
      %dma_start3A_693 = tpu.memref_squeeze %dma_start3A_692 : memref<1x16x128xf32, #tpu.memory_space<vmem>> -> memref<16x128xf32, #tpu.memory_space<vmem>>
      %dma_start3A_694 = arith.constant 0 : i32
      %dma_start3A_695 = tpu.memref_slice %arg5[%dma_start3A_694, %multiple_of3A_675] : memref<16x1000001xf32, #tpu.memory_space<hbm>> -> memref<16x128xf32, #tpu.memory_space<hbm>>
      %dma_start3A_696 = arith.constant 0 : i32
      %dma_start3A_697 = arith.constant 0 : i32
      %dma_start3A_698 = tpu.memref_slice %arg10[%dma_start3A_689, %dma_start3A_696, %dma_start3A_697] : memref<8x16x129xf32, #tpu.memory_space<vmem>> -> memref<1x16x128xf32, #tpu.memory_space<vmem>>
      %dma_start3A_699 = tpu.memref_squeeze %dma_start3A_698 : memref<1x16x128xf32, #tpu.memory_space<vmem>> -> memref<16x128xf32, #tpu.memory_space<vmem>>
      %dma_start3A_700 = arith.constant 0 : i32
      %dma_start3A_701 = tpu.memref_slice %arg5[%dma_start3A_700, %multiple_of3A_675] : memref<16x1000001xf32, #tpu.memory_space<hbm>> -> memref<16x128xf32, #tpu.memory_space<hbm>>
      tpu.enqueue_dma source(%dma_start3A_701 : memref<16x128xf32, #tpu.memory_space<hbm>>) target(%dma_start3A_699 : memref<16x128xf32, #tpu.memory_space<vmem>>) target_semaphore(%arg14 : memref<!tpu.dma_semaphore, #tpu.memory_space<semaphore_mem>>)
      %dma_wait3A_702 = arith.constant 4 : i32
      %dma_wait3A_703 = arith.constant 0 : i32
      %dma_wait3A_704 = arith.constant 0 : i32
      %dma_wait3A_705 = tpu.memref_slice %arg9[%dma_wait3A_702, %dma_wait3A_703, %dma_wait3A_704] : memref<8x16x129xf32, #tpu.memory_space<vmem>> -> memref<1x16x128xf32, #tpu.memory_space<vmem>>
      %dma_wait3A_706 = tpu.memref_squeeze %dma_wait3A_705 : memref<1x16x128xf32, #tpu.memory_space<vmem>> -> memref<16x128xf32, #tpu.memory_space<vmem>>
      %dma_wait3A_707 = arith.constant 0 : i32
      %dma_wait3A_708 = arith.constant 0 : i32
      %dma_wait3A_709 = tpu.memref_slice %arg4[%dma_wait3A_707, %dma_wait3A_708] : memref<16x1000001xf32, #tpu.memory_space<hbm>> -> memref<16x128xf32, #tpu.memory_space<hbm>>
      %dma_wait3A_710 = arith.constant 0 : i32
      %dma_wait3A_711 = arith.constant 0 : i32
      %dma_wait3A_712 = tpu.memref_slice %arg9[%dma_wait3A_702, %dma_wait3A_710, %dma_wait3A_711] : memref<8x16x129xf32, #tpu.memory_space<vmem>> -> memref<1x16x128xf32, #tpu.memory_space<vmem>>
      %dma_wait3A_713 = tpu.memref_squeeze %dma_wait3A_712 : memref<1x16x128xf32, #tpu.memory_space<vmem>> -> memref<16x128xf32, #tpu.memory_space<vmem>>
      %dma_wait3A_714 = arith.constant 0 : i32
      %dma_wait3A_715 = arith.constant 0 : i32
      %dma_wait3A_716 = tpu.memref_slice %arg4[%dma_wait3A_714, %dma_wait3A_715] : memref<16x1000001xf32, #tpu.memory_space<hbm>> -> memref<16x128xf32, #tpu.memory_space<hbm>>
      tpu.wait_dma2 semaphore(%arg13 : memref<!tpu.dma_semaphore, #tpu.memory_space<semaphore_mem>>) src(%dma_wait3A_716 : memref<16x128xf32, #tpu.memory_space<hbm>>) dst(%dma_wait3A_713 : memref<16x128xf32, #tpu.memory_space<vmem>>)
      %dma_wait3A_717 = arith.constant 4 : i32
      %dma_wait3A_718 = arith.constant 0 : i32
      %dma_wait3A_719 = arith.constant 0 : i32
      %dma_wait3A_720 = tpu.memref_slice %arg10[%dma_wait3A_717, %dma_wait3A_718, %dma_wait3A_719] : memref<8x16x129xf32, #tpu.memory_space<vmem>> -> memref<1x16x128xf32, #tpu.memory_space<vmem>>
      %dma_wait3A_721 = tpu.memref_squeeze %dma_wait3A_720 : memref<1x16x128xf32, #tpu.memory_space<vmem>> -> memref<16x128xf32, #tpu.memory_space<vmem>>
      %dma_wait3A_722 = arith.constant 0 : i32
      %dma_wait3A_723 = arith.constant 0 : i32
      %dma_wait3A_724 = tpu.memref_slice %arg5[%dma_wait3A_722, %dma_wait3A_723] : memref<16x1000001xf32, #tpu.memory_space<hbm>> -> memref<16x128xf32, #tpu.memory_space<hbm>>
      %dma_wait3A_725 = arith.constant 0 : i32
      %dma_wait3A_726 = arith.constant 0 : i32
      %dma_wait3A_727 = tpu.memref_slice %arg10[%dma_wait3A_717, %dma_wait3A_725, %dma_wait3A_726] : memref<8x16x129xf32, #tpu.memory_space<vmem>> -> memref<1x16x128xf32, #tpu.memory_space<vmem>>
      %dma_wait3A_728 = tpu.memref_squeeze %dma_wait3A_727 : memref<1x16x128xf32, #tpu.memory_space<vmem>> -> memref<16x128xf32, #tpu.memory_space<vmem>>
      %dma_wait3A_729 = arith.constant 0 : i32
      %dma_wait3A_730 = arith.constant 0 : i32
      %dma_wait3A_731 = tpu.memref_slice %arg5[%dma_wait3A_729, %dma_wait3A_730] : memref<16x1000001xf32, #tpu.memory_space<hbm>> -> memref<16x128xf32, #tpu.memory_space<hbm>>
      tpu.wait_dma2 semaphore(%arg14 : memref<!tpu.dma_semaphore, #tpu.memory_space<semaphore_mem>>) src(%dma_wait3A_731 : memref<16x128xf32, #tpu.memory_space<hbm>>) dst(%dma_wait3A_728 : memref<16x128xf32, #tpu.memory_space<vmem>>)
      %broadcast_in_dim3A_732 = arith.constant 4 : i32
      %broadcast_in_dim3A_733 = vector.broadcast %broadcast_in_dim3A_732 : i32 to vector<16xi32>
      %broadcast_in_dim3A_734 = arith.constant 0 : i32
      %broadcast_in_dim3A_735 = vector.broadcast %broadcast_in_dim3A_734 : i32 to vector<16xi32>
      %slice3A_736 = vector.extract_strided_slice %get3A_330 {offsets = [4], sizes = [1], strides = [1]} : vector<16xi32> to vector<1xi32>
      %squeeze3A_737 = vector.extract %slice3A_736[0] : i32 from vector<1xi32>
      %and3A_738 = arith.constant 127 : i32
      %and3A_739 = arith.andi %squeeze3A_737, %and3A_738 : i32
      %add3A_740 = vector.broadcast %and3A_739 : i32 to vector<16xi32>
      %add3A_741 = arith.addi %broadcast_in_dim3A_735, %add3A_740 : vector<16xi32>
      %broadcast_in_dim3A_742 = arith.constant 0 : i32
      %broadcast_in_dim3A_743 = vector.broadcast %broadcast_in_dim3A_742 : i32 to vector<16xi32>
      %slice3A_744 = vector.extract_strided_slice %get3A_334 {offsets = [4], sizes = [1], strides = [1]} : vector<16xi32> to vector<1xi32>
      %squeeze3A_745 = vector.extract %slice3A_744[0] : i32 from vector<1xi32>
      %and3A_746 = arith.constant 127 : i32
      %and3A_747 = arith.andi %squeeze3A_745, %and3A_746 : i32
      %add3A_748 = vector.broadcast %and3A_747 : i32 to vector<16xi32>
      %add3A_749 = arith.addi %broadcast_in_dim3A_743, %add3A_748 : vector<16xi32>
      %gather3A_750 = tpu.vector_load_idx %arg9[%broadcast_in_dim3A_733, %iota3A, %add3A_741] : memref<8x16x129xf32, #tpu.memory_space<vmem>>[vector<16xi32>, vector<16xi32>, vector<16xi32>], vector<16xf32>,
      %gather3A_751 = tpu.vector_load_idx %arg10[%broadcast_in_dim3A_733, %iota3A, %add3A_749] : memref<8x16x129xf32, #tpu.memory_space<vmem>>[vector<16xi32>, vector<16xi32>, vector<16xi32>], vector<16xf32>,
      %mul3A_752 = arith.mulf %gather3A_750, %gather3A_751 : vector<16xf32>
      %swap3A_753 = arith.constant 68 : index
      %swap3A_754 = tpu.vector_load %arg11[%swap3A_753] {strides = array<i32>} : memref<272xf32, #tpu.memory_space<vmem>>, vector<16xf32>,
      tpu.vector_store %arg11[%swap3A_753], %mul3A_752 {strides = array<i32>} : memref<272xf32, #tpu.memory_space<vmem>>, vector<16xf32>,
      %slice3A_755 = vector.extract_strided_slice %get3A_330 {offsets = [12], sizes = [1], strides = [1]} : vector<16xi32> to vector<1xi32>
      %squeeze3A_756 = vector.extract %slice3A_755[0] : i32 from vector<1xi32>
      %shift_right_logical3A_757 = arith.constant 7 : i32
      %shift_right_logical3A_758 = arith.shrui %squeeze3A_756, %shift_right_logical3A_757 : i32
      %mul3A_759 = arith.constant 128 : i32
      %mul3A_760 = arith.muli %shift_right_logical3A_758, %mul3A_759 : i32
      %multiple_of3A_761 = tpu.assume_multiple %mul3A_760, 128 : i32
      %slice3A_762 = vector.extract_strided_slice %get3A_334 {offsets = [12], sizes = [1], strides = [1]} : vector<16xi32> to vector<1xi32>
      %squeeze3A_763 = vector.extract %slice3A_762[0] : i32 from vector<1xi32>
      %shift_right_logical3A_764 = arith.constant 7 : i32
      %shift_right_logical3A_765 = arith.shrui %squeeze3A_763, %shift_right_logical3A_764 : i32
      %mul3A_766 = arith.constant 128 : i32
      %mul3A_767 = arith.muli %shift_right_logical3A_765, %mul3A_766 : i32
      %multiple_of3A_768 = tpu.assume_multiple %mul3A_767, 128 : i32
      %dma_start3A_769 = arith.constant 4 : i32
      %dma_start3A_770 = arith.constant 0 : i32
      %dma_start3A_771 = arith.constant 0 : i32
      %dma_start3A_772 = tpu.memref_slice %arg9[%dma_start3A_769, %dma_start3A_770, %dma_start3A_771] : memref<8x16x129xf32, #tpu.memory_space<vmem>> -> memref<1x16x128xf32, #tpu.memory_space<vmem>>
      %dma_start3A_773 = tpu.memref_squeeze %dma_start3A_772 : memref<1x16x128xf32, #tpu.memory_space<vmem>> -> memref<16x128xf32, #tpu.memory_space<vmem>>
      %dma_start3A_774 = arith.constant 0 : i32
      %dma_start3A_775 = tpu.memref_slice %arg4[%dma_start3A_774, %multiple_of3A_761] : memref<16x1000001xf32, #tpu.memory_space<hbm>> -> memref<16x128xf32, #tpu.memory_space<hbm>>
      %dma_start3A_776 = arith.constant 0 : i32
      %dma_start3A_777 = arith.constant 0 : i32
      %dma_start3A_778 = tpu.memref_slice %arg9[%dma_start3A_769, %dma_start3A_776, %dma_start3A_777] : memref<8x16x129xf32, #tpu.memory_space<vmem>> -> memref<1x16x128xf32, #tpu.memory_space<vmem>>
      %dma_start3A_779 = tpu.memref_squeeze %dma_start3A_778 : memref<1x16x128xf32, #tpu.memory_space<vmem>> -> memref<16x128xf32, #tpu.memory_space<vmem>>
      %dma_start3A_780 = arith.constant 0 : i32
      %dma_start3A_781 = tpu.memref_slice %arg4[%dma_start3A_780, %multiple_of3A_761] : memref<16x1000001xf32, #tpu.memory_space<hbm>> -> memref<16x128xf32, #tpu.memory_space<hbm>>
      tpu.enqueue_dma source(%dma_start3A_781 : memref<16x128xf32, #tpu.memory_space<hbm>>) target(%dma_start3A_779 : memref<16x128xf32, #tpu.memory_space<vmem>>) target_semaphore(%arg13 : memref<!tpu.dma_semaphore, #tpu.memory_space<semaphore_mem>>)
      %dma_start3A_782 = arith.constant 4 : i32
      %dma_start3A_783 = arith.constant 0 : i32
      %dma_start3A_784 = arith.constant 0 : i32
      %dma_start3A_785 = tpu.memref_slice %arg10[%dma_start3A_782, %dma_start3A_783, %dma_start3A_784] : memref<8x16x129xf32, #tpu.memory_space<vmem>> -> memref<1x16x128xf32, #tpu.memory_space<vmem>>
      %dma_start3A_786 = tpu.memref_squeeze %dma_start3A_785 : memref<1x16x128xf32, #tpu.memory_space<vmem>> -> memref<16x128xf32, #tpu.memory_space<vmem>>
      %dma_start3A_787 = arith.constant 0 : i32
      %dma_start3A_788 = tpu.memref_slice %arg5[%dma_start3A_787, %multiple_of3A_768] : memref<16x1000001xf32, #tpu.memory_space<hbm>> -> memref<16x128xf32, #tpu.memory_space<hbm>>
      %dma_start3A_789 = arith.constant 0 : i32
      %dma_start3A_790 = arith.constant 0 : i32
      %dma_start3A_791 = tpu.memref_slice %arg10[%dma_start3A_782, %dma_start3A_789, %dma_start3A_790] : memref<8x16x129xf32, #tpu.memory_space<vmem>> -> memref<1x16x128xf32, #tpu.memory_space<vmem>>
      %dma_start3A_792 = tpu.memref_squeeze %dma_start3A_791 : memref<1x16x128xf32, #tpu.memory_space<vmem>> -> memref<16x128xf32, #tpu.memory_space<vmem>>
      %dma_start3A_793 = arith.constant 0 : i32
      %dma_start3A_794 = tpu.memref_slice %arg5[%dma_start3A_793, %multiple_of3A_768] : memref<16x1000001xf32, #tpu.memory_space<hbm>> -> memref<16x128xf32, #tpu.memory_space<hbm>>
      tpu.enqueue_dma source(%dma_start3A_794 : memref<16x128xf32, #tpu.memory_space<hbm>>) target(%dma_start3A_792 : memref<16x128xf32, #tpu.memory_space<vmem>>) target_semaphore(%arg14 : memref<!tpu.dma_semaphore, #tpu.memory_space<semaphore_mem>>)
      %dma_wait3A_795 = arith.constant 5 : i32
      %dma_wait3A_796 = arith.constant 0 : i32
      %dma_wait3A_797 = arith.constant 0 : i32
      %dma_wait3A_798 = tpu.memref_slice %arg9[%dma_wait3A_795, %dma_wait3A_796, %dma_wait3A_797] : memref<8x16x129xf32, #tpu.memory_space<vmem>> -> memref<1x16x128xf32, #tpu.memory_space<vmem>>
      %dma_wait3A_799 = tpu.memref_squeeze %dma_wait3A_798 : memref<1x16x128xf32, #tpu.memory_space<vmem>> -> memref<16x128xf32, #tpu.memory_space<vmem>>
      %dma_wait3A_800 = arith.constant 0 : i32
      %dma_wait3A_801 = arith.constant 0 : i32
      %dma_wait3A_802 = tpu.memref_slice %arg4[%dma_wait3A_800, %dma_wait3A_801] : memref<16x1000001xf32, #tpu.memory_space<hbm>> -> memref<16x128xf32, #tpu.memory_space<hbm>>
      %dma_wait3A_803 = arith.constant 0 : i32
      %dma_wait3A_804 = arith.constant 0 : i32
      %dma_wait3A_805 = tpu.memref_slice %arg9[%dma_wait3A_795, %dma_wait3A_803, %dma_wait3A_804] : memref<8x16x129xf32, #tpu.memory_space<vmem>> -> memref<1x16x128xf32, #tpu.memory_space<vmem>>
      %dma_wait3A_806 = tpu.memref_squeeze %dma_wait3A_805 : memref<1x16x128xf32, #tpu.memory_space<vmem>> -> memref<16x128xf32, #tpu.memory_space<vmem>>
      %dma_wait3A_807 = arith.constant 0 : i32
      %dma_wait3A_808 = arith.constant 0 : i32
      %dma_wait3A_809 = tpu.memref_slice %arg4[%dma_wait3A_807, %dma_wait3A_808] : memref<16x1000001xf32, #tpu.memory_space<hbm>> -> memref<16x128xf32, #tpu.memory_space<hbm>>
      tpu.wait_dma2 semaphore(%arg13 : memref<!tpu.dma_semaphore, #tpu.memory_space<semaphore_mem>>) src(%dma_wait3A_809 : memref<16x128xf32, #tpu.memory_space<hbm>>) dst(%dma_wait3A_806 : memref<16x128xf32, #tpu.memory_space<vmem>>)
      %dma_wait3A_810 = arith.constant 5 : i32
      %dma_wait3A_811 = arith.constant 0 : i32
      %dma_wait3A_812 = arith.constant 0 : i32
      %dma_wait3A_813 = tpu.memref_slice %arg10[%dma_wait3A_810, %dma_wait3A_811, %dma_wait3A_812] : memref<8x16x129xf32, #tpu.memory_space<vmem>> -> memref<1x16x128xf32, #tpu.memory_space<vmem>>
      %dma_wait3A_814 = tpu.memref_squeeze %dma_wait3A_813 : memref<1x16x128xf32, #tpu.memory_space<vmem>> -> memref<16x128xf32, #tpu.memory_space<vmem>>
      %dma_wait3A_815 = arith.constant 0 : i32
      %dma_wait3A_816 = arith.constant 0 : i32
      %dma_wait3A_817 = tpu.memref_slice %arg5[%dma_wait3A_815, %dma_wait3A_816] : memref<16x1000001xf32, #tpu.memory_space<hbm>> -> memref<16x128xf32, #tpu.memory_space<hbm>>
      %dma_wait3A_818 = arith.constant 0 : i32
      %dma_wait3A_819 = arith.constant 0 : i32
      %dma_wait3A_820 = tpu.memref_slice %arg10[%dma_wait3A_810, %dma_wait3A_818, %dma_wait3A_819] : memref<8x16x129xf32, #tpu.memory_space<vmem>> -> memref<1x16x128xf32, #tpu.memory_space<vmem>>
      %dma_wait3A_821 = tpu.memref_squeeze %dma_wait3A_820 : memref<1x16x128xf32, #tpu.memory_space<vmem>> -> memref<16x128xf32, #tpu.memory_space<vmem>>
      %dma_wait3A_822 = arith.constant 0 : i32
      %dma_wait3A_823 = arith.constant 0 : i32
      %dma_wait3A_824 = tpu.memref_slice %arg5[%dma_wait3A_822, %dma_wait3A_823] : memref<16x1000001xf32, #tpu.memory_space<hbm>> -> memref<16x128xf32, #tpu.memory_space<hbm>>
      tpu.wait_dma2 semaphore(%arg14 : memref<!tpu.dma_semaphore, #tpu.memory_space<semaphore_mem>>) src(%dma_wait3A_824 : memref<16x128xf32, #tpu.memory_space<hbm>>) dst(%dma_wait3A_821 : memref<16x128xf32, #tpu.memory_space<vmem>>)
      %broadcast_in_dim3A_825 = arith.constant 5 : i32
      %broadcast_in_dim3A_826 = vector.broadcast %broadcast_in_dim3A_825 : i32 to vector<16xi32>
      %broadcast_in_dim3A_827 = arith.constant 0 : i32
      %broadcast_in_dim3A_828 = vector.broadcast %broadcast_in_dim3A_827 : i32 to vector<16xi32>
      %slice3A_829 = vector.extract_strided_slice %get3A_330 {offsets = [5], sizes = [1], strides = [1]} : vector<16xi32> to vector<1xi32>
      %squeeze3A_830 = vector.extract %slice3A_829[0] : i32 from vector<1xi32>
      %and3A_831 = arith.constant 127 : i32
      %and3A_832 = arith.andi %squeeze3A_830, %and3A_831 : i32
      %add3A_833 = vector.broadcast %and3A_832 : i32 to vector<16xi32>
      %add3A_834 = arith.addi %broadcast_in_dim3A_828, %add3A_833 : vector<16xi32>
      %broadcast_in_dim3A_835 = arith.constant 0 : i32
      %broadcast_in_dim3A_836 = vector.broadcast %broadcast_in_dim3A_835 : i32 to vector<16xi32>
      %slice3A_837 = vector.extract_strided_slice %get3A_334 {offsets = [5], sizes = [1], strides = [1]} : vector<16xi32> to vector<1xi32>
      %squeeze3A_838 = vector.extract %slice3A_837[0] : i32 from vector<1xi32>
      %and3A_839 = arith.constant 127 : i32
      %and3A_840 = arith.andi %squeeze3A_838, %and3A_839 : i32
      %add3A_841 = vector.broadcast %and3A_840 : i32 to vector<16xi32>
      %add3A_842 = arith.addi %broadcast_in_dim3A_836, %add3A_841 : vector<16xi32>
      %gather3A_843 = tpu.vector_load_idx %arg9[%broadcast_in_dim3A_826, %iota3A, %add3A_834] : memref<8x16x129xf32, #tpu.memory_space<vmem>>[vector<16xi32>, vector<16xi32>, vector<16xi32>], vector<16xf32>,
      %gather3A_844 = tpu.vector_load_idx %arg10[%broadcast_in_dim3A_826, %iota3A, %add3A_842] : memref<8x16x129xf32, #tpu.memory_space<vmem>>[vector<16xi32>, vector<16xi32>, vector<16xi32>], vector<16xf32>,
      %mul3A_845 = arith.mulf %gather3A_843, %gather3A_844 : vector<16xf32>
      %swap3A_846 = arith.constant 85 : index
      %swap3A_847 = tpu.vector_load %arg11[%swap3A_846] {strides = array<i32>} : memref<272xf32, #tpu.memory_space<vmem>>, vector<16xf32>,
      tpu.vector_store %arg11[%swap3A_846], %mul3A_845 {strides = array<i32>} : memref<272xf32, #tpu.memory_space<vmem>>, vector<16xf32>,
      %slice3A_848 = vector.extract_strided_slice %get3A_330 {offsets = [13], sizes = [1], strides = [1]} : vector<16xi32> to vector<1xi32>
      %squeeze3A_849 = vector.extract %slice3A_848[0] : i32 from vector<1xi32>
      %shift_right_logical3A_850 = arith.constant 7 : i32
      %shift_right_logical3A_851 = arith.shrui %squeeze3A_849, %shift_right_logical3A_850 : i32
      %mul3A_852 = arith.constant 128 : i32
      %mul3A_853 = arith.muli %shift_right_logical3A_851, %mul3A_852 : i32
      %multiple_of3A_854 = tpu.assume_multiple %mul3A_853, 128 : i32
      %slice3A_855 = vector.extract_strided_slice %get3A_334 {offsets = [13], sizes = [1], strides = [1]} : vector<16xi32> to vector<1xi32>
      %squeeze3A_856 = vector.extract %slice3A_855[0] : i32 from vector<1xi32>
      %shift_right_logical3A_857 = arith.constant 7 : i32
      %shift_right_logical3A_858 = arith.shrui %squeeze3A_856, %shift_right_logical3A_857 : i32
      %mul3A_859 = arith.constant 128 : i32
      %mul3A_860 = arith.muli %shift_right_logical3A_858, %mul3A_859 : i32
      %multiple_of3A_861 = tpu.assume_multiple %mul3A_860, 128 : i32
      %dma_start3A_862 = arith.constant 5 : i32
      %dma_start3A_863 = arith.constant 0 : i32
      %dma_start3A_864 = arith.constant 0 : i32
      %dma_start3A_865 = tpu.memref_slice %arg9[%dma_start3A_862, %dma_start3A_863, %dma_start3A_864] : memref<8x16x129xf32, #tpu.memory_space<vmem>> -> memref<1x16x128xf32, #tpu.memory_space<vmem>>
      %dma_start3A_866 = tpu.memref_squeeze %dma_start3A_865 : memref<1x16x128xf32, #tpu.memory_space<vmem>> -> memref<16x128xf32, #tpu.memory_space<vmem>>
      %dma_start3A_867 = arith.constant 0 : i32
      %dma_start3A_868 = tpu.memref_slice %arg4[%dma_start3A_867, %multiple_of3A_854] : memref<16x1000001xf32, #tpu.memory_space<hbm>> -> memref<16x128xf32, #tpu.memory_space<hbm>>
      %dma_start3A_869 = arith.constant 0 : i32
      %dma_start3A_870 = arith.constant 0 : i32
      %dma_start3A_871 = tpu.memref_slice %arg9[%dma_start3A_862, %dma_start3A_869, %dma_start3A_870] : memref<8x16x129xf32, #tpu.memory_space<vmem>> -> memref<1x16x128xf32, #tpu.memory_space<vmem>>
      %dma_start3A_872 = tpu.memref_squeeze %dma_start3A_871 : memref<1x16x128xf32, #tpu.memory_space<vmem>> -> memref<16x128xf32, #tpu.memory_space<vmem>>
      %dma_start3A_873 = arith.constant 0 : i32
      %dma_start3A_874 = tpu.memref_slice %arg4[%dma_start3A_873, %multiple_of3A_854] : memref<16x1000001xf32, #tpu.memory_space<hbm>> -> memref<16x128xf32, #tpu.memory_space<hbm>>
      tpu.enqueue_dma source(%dma_start3A_874 : memref<16x128xf32, #tpu.memory_space<hbm>>) target(%dma_start3A_872 : memref<16x128xf32, #tpu.memory_space<vmem>>) target_semaphore(%arg13 : memref<!tpu.dma_semaphore, #tpu.memory_space<semaphore_mem>>)
      %dma_start3A_875 = arith.constant 5 : i32
      %dma_start3A_876 = arith.constant 0 : i32
      %dma_start3A_877 = arith.constant 0 : i32
      %dma_start3A_878 = tpu.memref_slice %arg10[%dma_start3A_875, %dma_start3A_876, %dma_start3A_877] : memref<8x16x129xf32, #tpu.memory_space<vmem>> -> memref<1x16x128xf32, #tpu.memory_space<vmem>>
      %dma_start3A_879 = tpu.memref_squeeze %dma_start3A_878 : memref<1x16x128xf32, #tpu.memory_space<vmem>> -> memref<16x128xf32, #tpu.memory_space<vmem>>
      %dma_start3A_880 = arith.constant 0 : i32
      %dma_start3A_881 = tpu.memref_slice %arg5[%dma_start3A_880, %multiple_of3A_861] : memref<16x1000001xf32, #tpu.memory_space<hbm>> -> memref<16x128xf32, #tpu.memory_space<hbm>>
      %dma_start3A_882 = arith.constant 0 : i32
      %dma_start3A_883 = arith.constant 0 : i32
      %dma_start3A_884 = tpu.memref_slice %arg10[%dma_start3A_875, %dma_start3A_882, %dma_start3A_883] : memref<8x16x129xf32, #tpu.memory_space<vmem>> -> memref<1x16x128xf32, #tpu.memory_space<vmem>>
      %dma_start3A_885 = tpu.memref_squeeze %dma_start3A_884 : memref<1x16x128xf32, #tpu.memory_space<vmem>> -> memref<16x128xf32, #tpu.memory_space<vmem>>
      %dma_start3A_886 = arith.constant 0 : i32
      %dma_start3A_887 = tpu.memref_slice %arg5[%dma_start3A_886, %multiple_of3A_861] : memref<16x1000001xf32, #tpu.memory_space<hbm>> -> memref<16x128xf32, #tpu.memory_space<hbm>>
      tpu.enqueue_dma source(%dma_start3A_887 : memref<16x128xf32, #tpu.memory_space<hbm>>) target(%dma_start3A_885 : memref<16x128xf32, #tpu.memory_space<vmem>>) target_semaphore(%arg14 : memref<!tpu.dma_semaphore, #tpu.memory_space<semaphore_mem>>)
      %dma_wait3A_888 = arith.constant 6 : i32
      %dma_wait3A_889 = arith.constant 0 : i32
      %dma_wait3A_890 = arith.constant 0 : i32
      %dma_wait3A_891 = tpu.memref_slice %arg9[%dma_wait3A_888, %dma_wait3A_889, %dma_wait3A_890] : memref<8x16x129xf32, #tpu.memory_space<vmem>> -> memref<1x16x128xf32, #tpu.memory_space<vmem>>
      %dma_wait3A_892 = tpu.memref_squeeze %dma_wait3A_891 : memref<1x16x128xf32, #tpu.memory_space<vmem>> -> memref<16x128xf32, #tpu.memory_space<vmem>>
      %dma_wait3A_893 = arith.constant 0 : i32
      %dma_wait3A_894 = arith.constant 0 : i32
      %dma_wait3A_895 = tpu.memref_slice %arg4[%dma_wait3A_893, %dma_wait3A_894] : memref<16x1000001xf32, #tpu.memory_space<hbm>> -> memref<16x128xf32, #tpu.memory_space<hbm>>
      %dma_wait3A_896 = arith.constant 0 : i32
      %dma_wait3A_897 = arith.constant 0 : i32
      %dma_wait3A_898 = tpu.memref_slice %arg9[%dma_wait3A_888, %dma_wait3A_896, %dma_wait3A_897] : memref<8x16x129xf32, #tpu.memory_space<vmem>> -> memref<1x16x128xf32, #tpu.memory_space<vmem>>
      %dma_wait3A_899 = tpu.memref_squeeze %dma_wait3A_898 : memref<1x16x128xf32, #tpu.memory_space<vmem>> -> memref<16x128xf32, #tpu.memory_space<vmem>>
      %dma_wait3A_900 = arith.constant 0 : i32
      %dma_wait3A_901 = arith.constant 0 : i32
      %dma_wait3A_902 = tpu.memref_slice %arg4[%dma_wait3A_900, %dma_wait3A_901] : memref<16x1000001xf32, #tpu.memory_space<hbm>> -> memref<16x128xf32, #tpu.memory_space<hbm>>
      tpu.wait_dma2 semaphore(%arg13 : memref<!tpu.dma_semaphore, #tpu.memory_space<semaphore_mem>>) src(%dma_wait3A_902 : memref<16x128xf32, #tpu.memory_space<hbm>>) dst(%dma_wait3A_899 : memref<16x128xf32, #tpu.memory_space<vmem>>)
      %dma_wait3A_903 = arith.constant 6 : i32
      %dma_wait3A_904 = arith.constant 0 : i32
      %dma_wait3A_905 = arith.constant 0 : i32
      %dma_wait3A_906 = tpu.memref_slice %arg10[%dma_wait3A_903, %dma_wait3A_904, %dma_wait3A_905] : memref<8x16x129xf32, #tpu.memory_space<vmem>> -> memref<1x16x128xf32, #tpu.memory_space<vmem>>
      %dma_wait3A_907 = tpu.memref_squeeze %dma_wait3A_906 : memref<1x16x128xf32, #tpu.memory_space<vmem>> -> memref<16x128xf32, #tpu.memory_space<vmem>>
      %dma_wait3A_908 = arith.constant 0 : i32
      %dma_wait3A_909 = arith.constant 0 : i32
      %dma_wait3A_910 = tpu.memref_slice %arg5[%dma_wait3A_908, %dma_wait3A_909] : memref<16x1000001xf32, #tpu.memory_space<hbm>> -> memref<16x128xf32, #tpu.memory_space<hbm>>
      %dma_wait3A_911 = arith.constant 0 : i32
      %dma_wait3A_912 = arith.constant 0 : i32
      %dma_wait3A_913 = tpu.memref_slice %arg10[%dma_wait3A_903, %dma_wait3A_911, %dma_wait3A_912] : memref<8x16x129xf32, #tpu.memory_space<vmem>> -> memref<1x16x128xf32, #tpu.memory_space<vmem>>
      %dma_wait3A_914 = tpu.memref_squeeze %dma_wait3A_913 : memref<1x16x128xf32, #tpu.memory_space<vmem>> -> memref<16x128xf32, #tpu.memory_space<vmem>>
      %dma_wait3A_915 = arith.constant 0 : i32
      %dma_wait3A_916 = arith.constant 0 : i32
      %dma_wait3A_917 = tpu.memref_slice %arg5[%dma_wait3A_915, %dma_wait3A_916] : memref<16x1000001xf32, #tpu.memory_space<hbm>> -> memref<16x128xf32, #tpu.memory_space<hbm>>
      tpu.wait_dma2 semaphore(%arg14 : memref<!tpu.dma_semaphore, #tpu.memory_space<semaphore_mem>>) src(%dma_wait3A_917 : memref<16x128xf32, #tpu.memory_space<hbm>>) dst(%dma_wait3A_914 : memref<16x128xf32, #tpu.memory_space<vmem>>)
      %broadcast_in_dim3A_918 = arith.constant 6 : i32
      %broadcast_in_dim3A_919 = vector.broadcast %broadcast_in_dim3A_918 : i32 to vector<16xi32>
      %broadcast_in_dim3A_920 = arith.constant 0 : i32
      %broadcast_in_dim3A_921 = vector.broadcast %broadcast_in_dim3A_920 : i32 to vector<16xi32>
      %slice3A_922 = vector.extract_strided_slice %get3A_330 {offsets = [6], sizes = [1], strides = [1]} : vector<16xi32> to vector<1xi32>
      %squeeze3A_923 = vector.extract %slice3A_922[0] : i32 from vector<1xi32>
      %and3A_924 = arith.constant 127 : i32
      %and3A_925 = arith.andi %squeeze3A_923, %and3A_924 : i32
      %add3A_926 = vector.broadcast %and3A_925 : i32 to vector<16xi32>
      %add3A_927 = arith.addi %broadcast_in_dim3A_921, %add3A_926 : vector<16xi32>
      %broadcast_in_dim3A_928 = arith.constant 0 : i32
      %broadcast_in_dim3A_929 = vector.broadcast %broadcast_in_dim3A_928 : i32 to vector<16xi32>
      %slice3A_930 = vector.extract_strided_slice %get3A_334 {offsets = [6], sizes = [1], strides = [1]} : vector<16xi32> to vector<1xi32>
      %squeeze3A_931 = vector.extract %slice3A_930[0] : i32 from vector<1xi32>
      %and3A_932 = arith.constant 127 : i32
      %and3A_933 = arith.andi %squeeze3A_931, %and3A_932 : i32
      %add3A_934 = vector.broadcast %and3A_933 : i32 to vector<16xi32>
      %add3A_935 = arith.addi %broadcast_in_dim3A_929, %add3A_934 : vector<16xi32>
      %gather3A_936 = tpu.vector_load_idx %arg9[%broadcast_in_dim3A_919, %iota3A, %add3A_927] : memref<8x16x129xf32, #tpu.memory_space<vmem>>[vector<16xi32>, vector<16xi32>, vector<16xi32>], vector<16xf32>,
      %gather3A_937 = tpu.vector_load_idx %arg10[%broadcast_in_dim3A_919, %iota3A, %add3A_935] : memref<8x16x129xf32, #tpu.memory_space<vmem>>[vector<16xi32>, vector<16xi32>, vector<16xi32>], vector<16xf32>,
      %mul3A_938 = arith.mulf %gather3A_936, %gather3A_937 : vector<16xf32>
      %swap3A_939 = arith.constant 102 : index
      %swap3A_940 = tpu.vector_load %arg11[%swap3A_939] {strides = array<i32>} : memref<272xf32, #tpu.memory_space<vmem>>, vector<16xf32>,
      tpu.vector_store %arg11[%swap3A_939], %mul3A_938 {strides = array<i32>} : memref<272xf32, #tpu.memory_space<vmem>>, vector<16xf32>,
      %slice3A_941 = vector.extract_strided_slice %get3A_330 {offsets = [14], sizes = [1], strides = [1]} : vector<16xi32> to vector<1xi32>
      %squeeze3A_942 = vector.extract %slice3A_941[0] : i32 from vector<1xi32>
      %shift_right_logical3A_943 = arith.constant 7 : i32
      %shift_right_logical3A_944 = arith.shrui %squeeze3A_942, %shift_right_logical3A_943 : i32
      %mul3A_945 = arith.constant 128 : i32
      %mul3A_946 = arith.muli %shift_right_logical3A_944, %mul3A_945 : i32
      %multiple_of3A_947 = tpu.assume_multiple %mul3A_946, 128 : i32
      %slice3A_948 = vector.extract_strided_slice %get3A_334 {offsets = [14], sizes = [1], strides = [1]} : vector<16xi32> to vector<1xi32>
      %squeeze3A_949 = vector.extract %slice3A_948[0] : i32 from vector<1xi32>
      %shift_right_logical3A_950 = arith.constant 7 : i32
      %shift_right_logical3A_951 = arith.shrui %squeeze3A_949, %shift_right_logical3A_950 : i32
      %mul3A_952 = arith.constant 128 : i32
      %mul3A_953 = arith.muli %shift_right_logical3A_951, %mul3A_952 : i32
      %multiple_of3A_954 = tpu.assume_multiple %mul3A_953, 128 : i32
      %dma_start3A_955 = arith.constant 6 : i32
      %dma_start3A_956 = arith.constant 0 : i32
      %dma_start3A_957 = arith.constant 0 : i32
      %dma_start3A_958 = tpu.memref_slice %arg9[%dma_start3A_955, %dma_start3A_956, %dma_start3A_957] : memref<8x16x129xf32, #tpu.memory_space<vmem>> -> memref<1x16x128xf32, #tpu.memory_space<vmem>>
      %dma_start3A_959 = tpu.memref_squeeze %dma_start3A_958 : memref<1x16x128xf32, #tpu.memory_space<vmem>> -> memref<16x128xf32, #tpu.memory_space<vmem>>
      %dma_start3A_960 = arith.constant 0 : i32
      %dma_start3A_961 = tpu.memref_slice %arg4[%dma_start3A_960, %multiple_of3A_947] : memref<16x1000001xf32, #tpu.memory_space<hbm>> -> memref<16x128xf32, #tpu.memory_space<hbm>>
      %dma_start3A_962 = arith.constant 0 : i32
      %dma_start3A_963 = arith.constant 0 : i32
      %dma_start3A_964 = tpu.memref_slice %arg9[%dma_start3A_955, %dma_start3A_962, %dma_start3A_963] : memref<8x16x129xf32, #tpu.memory_space<vmem>> -> memref<1x16x128xf32, #tpu.memory_space<vmem>>
      %dma_start3A_965 = tpu.memref_squeeze %dma_start3A_964 : memref<1x16x128xf32, #tpu.memory_space<vmem>> -> memref<16x128xf32, #tpu.memory_space<vmem>>
      %dma_start3A_966 = arith.constant 0 : i32
      %dma_start3A_967 = tpu.memref_slice %arg4[%dma_start3A_966, %multiple_of3A_947] : memref<16x1000001xf32, #tpu.memory_space<hbm>> -> memref<16x128xf32, #tpu.memory_space<hbm>>
      tpu.enqueue_dma source(%dma_start3A_967 : memref<16x128xf32, #tpu.memory_space<hbm>>) target(%dma_start3A_965 : memref<16x128xf32, #tpu.memory_space<vmem>>) target_semaphore(%arg13 : memref<!tpu.dma_semaphore, #tpu.memory_space<semaphore_mem>>)
      %dma_start3A_968 = arith.constant 6 : i32
      %dma_start3A_969 = arith.constant 0 : i32
      %dma_start3A_970 = arith.constant 0 : i32
      %dma_start3A_971 = tpu.memref_slice %arg10[%dma_start3A_968, %dma_start3A_969, %dma_start3A_970] : memref<8x16x129xf32, #tpu.memory_space<vmem>> -> memref<1x16x128xf32, #tpu.memory_space<vmem>>
      %dma_start3A_972 = tpu.memref_squeeze %dma_start3A_971 : memref<1x16x128xf32, #tpu.memory_space<vmem>> -> memref<16x128xf32, #tpu.memory_space<vmem>>
      %dma_start3A_973 = arith.constant 0 : i32
      %dma_start3A_974 = tpu.memref_slice %arg5[%dma_start3A_973, %multiple_of3A_954] : memref<16x1000001xf32, #tpu.memory_space<hbm>> -> memref<16x128xf32, #tpu.memory_space<hbm>>
      %dma_start3A_975 = arith.constant 0 : i32
      %dma_start3A_976 = arith.constant 0 : i32
      %dma_start3A_977 = tpu.memref_slice %arg10[%dma_start3A_968, %dma_start3A_975, %dma_start3A_976] : memref<8x16x129xf32, #tpu.memory_space<vmem>> -> memref<1x16x128xf32, #tpu.memory_space<vmem>>
      %dma_start3A_978 = tpu.memref_squeeze %dma_start3A_977 : memref<1x16x128xf32, #tpu.memory_space<vmem>> -> memref<16x128xf32, #tpu.memory_space<vmem>>
      %dma_start3A_979 = arith.constant 0 : i32
      %dma_start3A_980 = tpu.memref_slice %arg5[%dma_start3A_979, %multiple_of3A_954] : memref<16x1000001xf32, #tpu.memory_space<hbm>> -> memref<16x128xf32, #tpu.memory_space<hbm>>
      tpu.enqueue_dma source(%dma_start3A_980 : memref<16x128xf32, #tpu.memory_space<hbm>>) target(%dma_start3A_978 : memref<16x128xf32, #tpu.memory_space<vmem>>) target_semaphore(%arg14 : memref<!tpu.dma_semaphore, #tpu.memory_space<semaphore_mem>>)
      %dma_wait3A_981 = arith.constant 7 : i32
      %dma_wait3A_982 = arith.constant 0 : i32
      %dma_wait3A_983 = arith.constant 0 : i32
      %dma_wait3A_984 = tpu.memref_slice %arg9[%dma_wait3A_981, %dma_wait3A_982, %dma_wait3A_983] : memref<8x16x129xf32, #tpu.memory_space<vmem>> -> memref<1x16x128xf32, #tpu.memory_space<vmem>>
      %dma_wait3A_985 = tpu.memref_squeeze %dma_wait3A_984 : memref<1x16x128xf32, #tpu.memory_space<vmem>> -> memref<16x128xf32, #tpu.memory_space<vmem>>
      %dma_wait3A_986 = arith.constant 0 : i32
      %dma_wait3A_987 = arith.constant 0 : i32
      %dma_wait3A_988 = tpu.memref_slice %arg4[%dma_wait3A_986, %dma_wait3A_987] : memref<16x1000001xf32, #tpu.memory_space<hbm>> -> memref<16x128xf32, #tpu.memory_space<hbm>>
      %dma_wait3A_989 = arith.constant 0 : i32
      %dma_wait3A_990 = arith.constant 0 : i32
      %dma_wait3A_991 = tpu.memref_slice %arg9[%dma_wait3A_981, %dma_wait3A_989, %dma_wait3A_990] : memref<8x16x129xf32, #tpu.memory_space<vmem>> -> memref<1x16x128xf32, #tpu.memory_space<vmem>>
      %dma_wait3A_992 = tpu.memref_squeeze %dma_wait3A_991 : memref<1x16x128xf32, #tpu.memory_space<vmem>> -> memref<16x128xf32, #tpu.memory_space<vmem>>
      %dma_wait3A_993 = arith.constant 0 : i32
      %dma_wait3A_994 = arith.constant 0 : i32
      %dma_wait3A_995 = tpu.memref_slice %arg4[%dma_wait3A_993, %dma_wait3A_994] : memref<16x1000001xf32, #tpu.memory_space<hbm>> -> memref<16x128xf32, #tpu.memory_space<hbm>>
      tpu.wait_dma2 semaphore(%arg13 : memref<!tpu.dma_semaphore, #tpu.memory_space<semaphore_mem>>) src(%dma_wait3A_995 : memref<16x128xf32, #tpu.memory_space<hbm>>) dst(%dma_wait3A_992 : memref<16x128xf32, #tpu.memory_space<vmem>>)
      %dma_wait3A_996 = arith.constant 7 : i32
      %dma_wait3A_997 = arith.constant 0 : i32
      %dma_wait3A_998 = arith.constant 0 : i32
      %dma_wait3A_999 = tpu.memref_slice %arg10[%dma_wait3A_996, %dma_wait3A_997, %dma_wait3A_998] : memref<8x16x129xf32, #tpu.memory_space<vmem>> -> memref<1x16x128xf32, #tpu.memory_space<vmem>>
      %dma_wait3A_1000 = tpu.memref_squeeze %dma_wait3A_999 : memref<1x16x128xf32, #tpu.memory_space<vmem>> -> memref<16x128xf32, #tpu.memory_space<vmem>>
      %dma_wait3A_1001 = arith.constant 0 : i32
      %dma_wait3A_1002 = arith.constant 0 : i32
      %dma_wait3A_1003 = tpu.memref_slice %arg5[%dma_wait3A_1001, %dma_wait3A_1002] : memref<16x1000001xf32, #tpu.memory_space<hbm>> -> memref<16x128xf32, #tpu.memory_space<hbm>>
      %dma_wait3A_1004 = arith.constant 0 : i32
      %dma_wait3A_1005 = arith.constant 0 : i32
      %dma_wait3A_1006 = tpu.memref_slice %arg10[%dma_wait3A_996, %dma_wait3A_1004, %dma_wait3A_1005] : memref<8x16x129xf32, #tpu.memory_space<vmem>> -> memref<1x16x128xf32, #tpu.memory_space<vmem>>
      %dma_wait3A_1007 = tpu.memref_squeeze %dma_wait3A_1006 : memref<1x16x128xf32, #tpu.memory_space<vmem>> -> memref<16x128xf32, #tpu.memory_space<vmem>>
      %dma_wait3A_1008 = arith.constant 0 : i32
      %dma_wait3A_1009 = arith.constant 0 : i32
      %dma_wait3A_1010 = tpu.memref_slice %arg5[%dma_wait3A_1008, %dma_wait3A_1009] : memref<16x1000001xf32, #tpu.memory_space<hbm>> -> memref<16x128xf32, #tpu.memory_space<hbm>>
      tpu.wait_dma2 semaphore(%arg14 : memref<!tpu.dma_semaphore, #tpu.memory_space<semaphore_mem>>) src(%dma_wait3A_1010 : memref<16x128xf32, #tpu.memory_space<hbm>>) dst(%dma_wait3A_1007 : memref<16x128xf32, #tpu.memory_space<vmem>>)
      %broadcast_in_dim3A_1011 = arith.constant 7 : i32
      %broadcast_in_dim3A_1012 = vector.broadcast %broadcast_in_dim3A_1011 : i32 to vector<16xi32>
      %broadcast_in_dim3A_1013 = arith.constant 0 : i32
      %broadcast_in_dim3A_1014 = vector.broadcast %broadcast_in_dim3A_1013 : i32 to vector<16xi32>
      %slice3A_1015 = vector.extract_strided_slice %get3A_330 {offsets = [7], sizes = [1], strides = [1]} : vector<16xi32> to vector<1xi32>
      %squeeze3A_1016 = vector.extract %slice3A_1015[0] : i32 from vector<1xi32>
      %and3A_1017 = arith.constant 127 : i32
      %and3A_1018 = arith.andi %squeeze3A_1016, %and3A_1017 : i32
      %add3A_1019 = vector.broadcast %and3A_1018 : i32 to vector<16xi32>
      %add3A_1020 = arith.addi %broadcast_in_dim3A_1014, %add3A_1019 : vector<16xi32>
      %broadcast_in_dim3A_1021 = arith.constant 0 : i32
      %broadcast_in_dim3A_1022 = vector.broadcast %broadcast_in_dim3A_1021 : i32 to vector<16xi32>
      %slice3A_1023 = vector.extract_strided_slice %get3A_334 {offsets = [7], sizes = [1], strides = [1]} : vector<16xi32> to vector<1xi32>
      %squeeze3A_1024 = vector.extract %slice3A_1023[0] : i32 from vector<1xi32>
      %and3A_1025 = arith.constant 127 : i32
      %and3A_1026 = arith.andi %squeeze3A_1024, %and3A_1025 : i32
      %add3A_1027 = vector.broadcast %and3A_1026 : i32 to vector<16xi32>
      %add3A_1028 = arith.addi %broadcast_in_dim3A_1022, %add3A_1027 : vector<16xi32>
      %gather3A_1029 = tpu.vector_load_idx %arg9[%broadcast_in_dim3A_1012, %iota3A, %add3A_1020] : memref<8x16x129xf32, #tpu.memory_space<vmem>>[vector<16xi32>, vector<16xi32>, vector<16xi32>], vector<16xf32>,
      %gather3A_1030 = tpu.vector_load_idx %arg10[%broadcast_in_dim3A_1012, %iota3A, %add3A_1028] : memref<8x16x129xf32, #tpu.memory_space<vmem>>[vector<16xi32>, vector<16xi32>, vector<16xi32>], vector<16xf32>,
      %mul3A_1031 = arith.mulf %gather3A_1029, %gather3A_1030 : vector<16xf32>
      %swap3A_1032 = arith.constant 119 : index
      %swap3A_1033 = tpu.vector_load %arg11[%swap3A_1032] {strides = array<i32>} : memref<272xf32, #tpu.memory_space<vmem>>, vector<16xf32>,
      tpu.vector_store %arg11[%swap3A_1032], %mul3A_1031 {strides = array<i32>} : memref<272xf32, #tpu.memory_space<vmem>>, vector<16xf32>,
      %slice3A_1034 = vector.extract_strided_slice %get3A_330 {offsets = [15], sizes = [1], strides = [1]} : vector<16xi32> to vector<1xi32>
      %squeeze3A_1035 = vector.extract %slice3A_1034[0] : i32 from vector<1xi32>
      %shift_right_logical3A_1036 = arith.constant 7 : i32
      %shift_right_logical3A_1037 = arith.shrui %squeeze3A_1035, %shift_right_logical3A_1036 : i32
      %mul3A_1038 = arith.constant 128 : i32
      %mul3A_1039 = arith.muli %shift_right_logical3A_1037, %mul3A_1038 : i32
      %multiple_of3A_1040 = tpu.assume_multiple %mul3A_1039, 128 : i32
      %slice3A_1041 = vector.extract_strided_slice %get3A_334 {offsets = [15], sizes = [1], strides = [1]} : vector<16xi32> to vector<1xi32>
      %squeeze3A_1042 = vector.extract %slice3A_1041[0] : i32 from vector<1xi32>
      %shift_right_logical3A_1043 = arith.constant 7 : i32
      %shift_right_logical3A_1044 = arith.shrui %squeeze3A_1042, %shift_right_logical3A_1043 : i32
      %mul3A_1045 = arith.constant 128 : i32
      %mul3A_1046 = arith.muli %shift_right_logical3A_1044, %mul3A_1045 : i32
      %multiple_of3A_1047 = tpu.assume_multiple %mul3A_1046, 128 : i32
      %dma_start3A_1048 = arith.constant 7 : i32
      %dma_start3A_1049 = arith.constant 0 : i32
      %dma_start3A_1050 = arith.constant 0 : i32
      %dma_start3A_1051 = tpu.memref_slice %arg9[%dma_start3A_1048, %dma_start3A_1049, %dma_start3A_1050] : memref<8x16x129xf32, #tpu.memory_space<vmem>> -> memref<1x16x128xf32, #tpu.memory_space<vmem>>
      %dma_start3A_1052 = tpu.memref_squeeze %dma_start3A_1051 : memref<1x16x128xf32, #tpu.memory_space<vmem>> -> memref<16x128xf32, #tpu.memory_space<vmem>>
      %dma_start3A_1053 = arith.constant 0 : i32
      %dma_start3A_1054 = tpu.memref_slice %arg4[%dma_start3A_1053, %multiple_of3A_1040] : memref<16x1000001xf32, #tpu.memory_space<hbm>> -> memref<16x128xf32, #tpu.memory_space<hbm>>
      %dma_start3A_1055 = arith.constant 0 : i32
      %dma_start3A_1056 = arith.constant 0 : i32
      %dma_start3A_1057 = tpu.memref_slice %arg9[%dma_start3A_1048, %dma_start3A_1055, %dma_start3A_1056] : memref<8x16x129xf32, #tpu.memory_space<vmem>> -> memref<1x16x128xf32, #tpu.memory_space<vmem>>
      %dma_start3A_1058 = tpu.memref_squeeze %dma_start3A_1057 : memref<1x16x128xf32, #tpu.memory_space<vmem>> -> memref<16x128xf32, #tpu.memory_space<vmem>>
      %dma_start3A_1059 = arith.constant 0 : i32
      %dma_start3A_1060 = tpu.memref_slice %arg4[%dma_start3A_1059, %multiple_of3A_1040] : memref<16x1000001xf32, #tpu.memory_space<hbm>> -> memref<16x128xf32, #tpu.memory_space<hbm>>
      tpu.enqueue_dma source(%dma_start3A_1060 : memref<16x128xf32, #tpu.memory_space<hbm>>) target(%dma_start3A_1058 : memref<16x128xf32, #tpu.memory_space<vmem>>) target_semaphore(%arg13 : memref<!tpu.dma_semaphore, #tpu.memory_space<semaphore_mem>>)
      %dma_start3A_1061 = arith.constant 7 : i32
      %dma_start3A_1062 = arith.constant 0 : i32
      %dma_start3A_1063 = arith.constant 0 : i32
      %dma_start3A_1064 = tpu.memref_slice %arg10[%dma_start3A_1061, %dma_start3A_1062, %dma_start3A_1063] : memref<8x16x129xf32, #tpu.memory_space<vmem>> -> memref<1x16x128xf32, #tpu.memory_space<vmem>>
      %dma_start3A_1065 = tpu.memref_squeeze %dma_start3A_1064 : memref<1x16x128xf32, #tpu.memory_space<vmem>> -> memref<16x128xf32, #tpu.memory_space<vmem>>
      %dma_start3A_1066 = arith.constant 0 : i32
      %dma_start3A_1067 = tpu.memref_slice %arg5[%dma_start3A_1066, %multiple_of3A_1047] : memref<16x1000001xf32, #tpu.memory_space<hbm>> -> memref<16x128xf32, #tpu.memory_space<hbm>>
      %dma_start3A_1068 = arith.constant 0 : i32
      %dma_start3A_1069 = arith.constant 0 : i32
      %dma_start3A_1070 = tpu.memref_slice %arg10[%dma_start3A_1061, %dma_start3A_1068, %dma_start3A_1069] : memref<8x16x129xf32, #tpu.memory_space<vmem>> -> memref<1x16x128xf32, #tpu.memory_space<vmem>>
      %dma_start3A_1071 = tpu.memref_squeeze %dma_start3A_1070 : memref<1x16x128xf32, #tpu.memory_space<vmem>> -> memref<16x128xf32, #tpu.memory_space<vmem>>
      %dma_start3A_1072 = arith.constant 0 : i32
      %dma_start3A_1073 = tpu.memref_slice %arg5[%dma_start3A_1072, %multiple_of3A_1047] : memref<16x1000001xf32, #tpu.memory_space<hbm>> -> memref<16x128xf32, #tpu.memory_space<hbm>>
      tpu.enqueue_dma source(%dma_start3A_1073 : memref<16x128xf32, #tpu.memory_space<hbm>>) target(%dma_start3A_1071 : memref<16x128xf32, #tpu.memory_space<vmem>>) target_semaphore(%arg14 : memref<!tpu.dma_semaphore, #tpu.memory_space<semaphore_mem>>)
      %dma_wait3A_1074 = arith.constant 0 : i32
      %dma_wait3A_1075 = arith.constant 0 : i32
      %dma_wait3A_1076 = arith.constant 0 : i32
      %dma_wait3A_1077 = tpu.memref_slice %arg9[%dma_wait3A_1074, %dma_wait3A_1075, %dma_wait3A_1076] : memref<8x16x129xf32, #tpu.memory_space<vmem>> -> memref<1x16x128xf32, #tpu.memory_space<vmem>>
      %dma_wait3A_1078 = tpu.memref_squeeze %dma_wait3A_1077 : memref<1x16x128xf32, #tpu.memory_space<vmem>> -> memref<16x128xf32, #tpu.memory_space<vmem>>
      %dma_wait3A_1079 = arith.constant 0 : i32
      %dma_wait3A_1080 = arith.constant 0 : i32
      %dma_wait3A_1081 = tpu.memref_slice %arg4[%dma_wait3A_1079, %dma_wait3A_1080] : memref<16x1000001xf32, #tpu.memory_space<hbm>> -> memref<16x128xf32, #tpu.memory_space<hbm>>
      %dma_wait3A_1082 = arith.constant 0 : i32
      %dma_wait3A_1083 = arith.constant 0 : i32
      %dma_wait3A_1084 = tpu.memref_slice %arg9[%dma_wait3A_1074, %dma_wait3A_1082, %dma_wait3A_1083] : memref<8x16x129xf32, #tpu.memory_space<vmem>> -> memref<1x16x128xf32, #tpu.memory_space<vmem>>
      %dma_wait3A_1085 = tpu.memref_squeeze %dma_wait3A_1084 : memref<1x16x128xf32, #tpu.memory_space<vmem>> -> memref<16x128xf32, #tpu.memory_space<vmem>>
      %dma_wait3A_1086 = arith.constant 0 : i32
      %dma_wait3A_1087 = arith.constant 0 : i32
      %dma_wait3A_1088 = tpu.memref_slice %arg4[%dma_wait3A_1086, %dma_wait3A_1087] : memref<16x1000001xf32, #tpu.memory_space<hbm>> -> memref<16x128xf32, #tpu.memory_space<hbm>>
      tpu.wait_dma2 semaphore(%arg13 : memref<!tpu.dma_semaphore, #tpu.memory_space<semaphore_mem>>) src(%dma_wait3A_1088 : memref<16x128xf32, #tpu.memory_space<hbm>>) dst(%dma_wait3A_1085 : memref<16x128xf32, #tpu.memory_space<vmem>>)
      %dma_wait3A_1089 = arith.constant 0 : i32
      %dma_wait3A_1090 = arith.constant 0 : i32
      %dma_wait3A_1091 = arith.constant 0 : i32
      %dma_wait3A_1092 = tpu.memref_slice %arg10[%dma_wait3A_1089, %dma_wait3A_1090, %dma_wait3A_1091] : memref<8x16x129xf32, #tpu.memory_space<vmem>> -> memref<1x16x128xf32, #tpu.memory_space<vmem>>
      %dma_wait3A_1093 = tpu.memref_squeeze %dma_wait3A_1092 : memref<1x16x128xf32, #tpu.memory_space<vmem>> -> memref<16x128xf32, #tpu.memory_space<vmem>>
      %dma_wait3A_1094 = arith.constant 0 : i32
      %dma_wait3A_1095 = arith.constant 0 : i32
      %dma_wait3A_1096 = tpu.memref_slice %arg5[%dma_wait3A_1094, %dma_wait3A_1095] : memref<16x1000001xf32, #tpu.memory_space<hbm>> -> memref<16x128xf32, #tpu.memory_space<hbm>>
      %dma_wait3A_1097 = arith.constant 0 : i32
      %dma_wait3A_1098 = arith.constant 0 : i32
      %dma_wait3A_1099 = tpu.memref_slice %arg10[%dma_wait3A_1089, %dma_wait3A_1097, %dma_wait3A_1098] : memref<8x16x129xf32, #tpu.memory_space<vmem>> -> memref<1x16x128xf32, #tpu.memory_space<vmem>>
      %dma_wait3A_1100 = tpu.memref_squeeze %dma_wait3A_1099 : memref<1x16x128xf32, #tpu.memory_space<vmem>> -> memref<16x128xf32, #tpu.memory_space<vmem>>
      %dma_wait3A_1101 = arith.constant 0 : i32
      %dma_wait3A_1102 = arith.constant 0 : i32
      %dma_wait3A_1103 = tpu.memref_slice %arg5[%dma_wait3A_1101, %dma_wait3A_1102] : memref<16x1000001xf32, #tpu.memory_space<hbm>> -> memref<16x128xf32, #tpu.memory_space<hbm>>
      tpu.wait_dma2 semaphore(%arg14 : memref<!tpu.dma_semaphore, #tpu.memory_space<semaphore_mem>>) src(%dma_wait3A_1103 : memref<16x128xf32, #tpu.memory_space<hbm>>) dst(%dma_wait3A_1100 : memref<16x128xf32, #tpu.memory_space<vmem>>)
      %broadcast_in_dim3A_1104 = arith.constant 0 : i32
      %broadcast_in_dim3A_1105 = vector.broadcast %broadcast_in_dim3A_1104 : i32 to vector<16xi32>
      %broadcast_in_dim3A_1106 = arith.constant 0 : i32
      %broadcast_in_dim3A_1107 = vector.broadcast %broadcast_in_dim3A_1106 : i32 to vector<16xi32>
      %slice3A_1108 = vector.extract_strided_slice %get3A_330 {offsets = [8], sizes = [1], strides = [1]} : vector<16xi32> to vector<1xi32>
      %squeeze3A_1109 = vector.extract %slice3A_1108[0] : i32 from vector<1xi32>
      %and3A_1110 = arith.constant 127 : i32
      %and3A_1111 = arith.andi %squeeze3A_1109, %and3A_1110 : i32
      %add3A_1112 = vector.broadcast %and3A_1111 : i32 to vector<16xi32>
      %add3A_1113 = arith.addi %broadcast_in_dim3A_1107, %add3A_1112 : vector<16xi32>
      %broadcast_in_dim3A_1114 = arith.constant 0 : i32
      %broadcast_in_dim3A_1115 = vector.broadcast %broadcast_in_dim3A_1114 : i32 to vector<16xi32>
      %slice3A_1116 = vector.extract_strided_slice %get3A_334 {offsets = [8], sizes = [1], strides = [1]} : vector<16xi32> to vector<1xi32>
      %squeeze3A_1117 = vector.extract %slice3A_1116[0] : i32 from vector<1xi32>
      %and3A_1118 = arith.constant 127 : i32
      %and3A_1119 = arith.andi %squeeze3A_1117, %and3A_1118 : i32
      %add3A_1120 = vector.broadcast %and3A_1119 : i32 to vector<16xi32>
      %add3A_1121 = arith.addi %broadcast_in_dim3A_1115, %add3A_1120 : vector<16xi32>
      %gather3A_1122 = tpu.vector_load_idx %arg9[%broadcast_in_dim3A_1105, %iota3A, %add3A_1113] : memref<8x16x129xf32, #tpu.memory_space<vmem>>[vector<16xi32>, vector<16xi32>, vector<16xi32>], vector<16xf32>,
      %gather3A_1123 = tpu.vector_load_idx %arg10[%broadcast_in_dim3A_1105, %iota3A, %add3A_1121] : memref<8x16x129xf32, #tpu.memory_space<vmem>>[vector<16xi32>, vector<16xi32>, vector<16xi32>], vector<16xf32>,
      %mul3A_1124 = arith.mulf %gather3A_1122, %gather3A_1123 : vector<16xf32>
      %swap3A_1125 = arith.constant 136 : index
      %swap3A_1126 = tpu.vector_load %arg11[%swap3A_1125] {strides = array<i32>} : memref<272xf32, #tpu.memory_space<vmem>>, vector<16xf32>,
      tpu.vector_store %arg11[%swap3A_1125], %mul3A_1124 {strides = array<i32>} : memref<272xf32, #tpu.memory_space<vmem>>, vector<16xf32>,
      %dma_wait3A_1127 = arith.constant 1 : i32
      %dma_wait3A_1128 = arith.constant 0 : i32
      %dma_wait3A_1129 = arith.constant 0 : i32
      %dma_wait3A_1130 = tpu.memref_slice %arg9[%dma_wait3A_1127, %dma_wait3A_1128, %dma_wait3A_1129] : memref<8x16x129xf32, #tpu.memory_space<vmem>> -> memref<1x16x128xf32, #tpu.memory_space<vmem>>
      %dma_wait3A_1131 = tpu.memref_squeeze %dma_wait3A_1130 : memref<1x16x128xf32, #tpu.memory_space<vmem>> -> memref<16x128xf32, #tpu.memory_space<vmem>>
      %dma_wait3A_1132 = arith.constant 0 : i32
      %dma_wait3A_1133 = arith.constant 0 : i32
      %dma_wait3A_1134 = tpu.memref_slice %arg4[%dma_wait3A_1132, %dma_wait3A_1133] : memref<16x1000001xf32, #tpu.memory_space<hbm>> -> memref<16x128xf32, #tpu.memory_space<hbm>>
      %dma_wait3A_1135 = arith.constant 0 : i32
      %dma_wait3A_1136 = arith.constant 0 : i32
      %dma_wait3A_1137 = tpu.memref_slice %arg9[%dma_wait3A_1127, %dma_wait3A_1135, %dma_wait3A_1136] : memref<8x16x129xf32, #tpu.memory_space<vmem>> -> memref<1x16x128xf32, #tpu.memory_space<vmem>>
      %dma_wait3A_1138 = tpu.memref_squeeze %dma_wait3A_1137 : memref<1x16x128xf32, #tpu.memory_space<vmem>> -> memref<16x128xf32, #tpu.memory_space<vmem>>
      %dma_wait3A_1139 = arith.constant 0 : i32
      %dma_wait3A_1140 = arith.constant 0 : i32
      %dma_wait3A_1141 = tpu.memref_slice %arg4[%dma_wait3A_1139, %dma_wait3A_1140] : memref<16x1000001xf32, #tpu.memory_space<hbm>> -> memref<16x128xf32, #tpu.memory_space<hbm>>
      tpu.wait_dma2 semaphore(%arg13 : memref<!tpu.dma_semaphore, #tpu.memory_space<semaphore_mem>>) src(%dma_wait3A_1141 : memref<16x128xf32, #tpu.memory_space<hbm>>) dst(%dma_wait3A_1138 : memref<16x128xf32, #tpu.memory_space<vmem>>)
      %dma_wait3A_1142 = arith.constant 1 : i32
      %dma_wait3A_1143 = arith.constant 0 : i32
      %dma_wait3A_1144 = arith.constant 0 : i32
      %dma_wait3A_1145 = tpu.memref_slice %arg10[%dma_wait3A_1142, %dma_wait3A_1143, %dma_wait3A_1144] : memref<8x16x129xf32, #tpu.memory_space<vmem>> -> memref<1x16x128xf32, #tpu.memory_space<vmem>>
      %dma_wait3A_1146 = tpu.memref_squeeze %dma_wait3A_1145 : memref<1x16x128xf32, #tpu.memory_space<vmem>> -> memref<16x128xf32, #tpu.memory_space<vmem>>
      %dma_wait3A_1147 = arith.constant 0 : i32
      %dma_wait3A_1148 = arith.constant 0 : i32
      %dma_wait3A_1149 = tpu.memref_slice %arg5[%dma_wait3A_1147, %dma_wait3A_1148] : memref<16x1000001xf32, #tpu.memory_space<hbm>> -> memref<16x128xf32, #tpu.memory_space<hbm>>
      %dma_wait3A_1150 = arith.constant 0 : i32
      %dma_wait3A_1151 = arith.constant 0 : i32
      %dma_wait3A_1152 = tpu.memref_slice %arg10[%dma_wait3A_1142, %dma_wait3A_1150, %dma_wait3A_1151] : memref<8x16x129xf32, #tpu.memory_space<vmem>> -> memref<1x16x128xf32, #tpu.memory_space<vmem>>
      %dma_wait3A_1153 = tpu.memref_squeeze %dma_wait3A_1152 : memref<1x16x128xf32, #tpu.memory_space<vmem>> -> memref<16x128xf32, #tpu.memory_space<vmem>>
      %dma_wait3A_1154 = arith.constant 0 : i32
      %dma_wait3A_1155 = arith.constant 0 : i32
      %dma_wait3A_1156 = tpu.memref_slice %arg5[%dma_wait3A_1154, %dma_wait3A_1155] : memref<16x1000001xf32, #tpu.memory_space<hbm>> -> memref<16x128xf32, #tpu.memory_space<hbm>>
      tpu.wait_dma2 semaphore(%arg14 : memref<!tpu.dma_semaphore, #tpu.memory_space<semaphore_mem>>) src(%dma_wait3A_1156 : memref<16x128xf32, #tpu.memory_space<hbm>>) dst(%dma_wait3A_1153 : memref<16x128xf32, #tpu.memory_space<vmem>>)
      %broadcast_in_dim3A_1157 = arith.constant 1 : i32
      %broadcast_in_dim3A_1158 = vector.broadcast %broadcast_in_dim3A_1157 : i32 to vector<16xi32>
      %broadcast_in_dim3A_1159 = arith.constant 0 : i32
      %broadcast_in_dim3A_1160 = vector.broadcast %broadcast_in_dim3A_1159 : i32 to vector<16xi32>
      %slice3A_1161 = vector.extract_strided_slice %get3A_330 {offsets = [9], sizes = [1], strides = [1]} : vector<16xi32> to vector<1xi32>
      %squeeze3A_1162 = vector.extract %slice3A_1161[0] : i32 from vector<1xi32>
      %and3A_1163 = arith.constant 127 : i32
      %and3A_1164 = arith.andi %squeeze3A_1162, %and3A_1163 : i32
      %add3A_1165 = vector.broadcast %and3A_1164 : i32 to vector<16xi32>
      %add3A_1166 = arith.addi %broadcast_in_dim3A_1160, %add3A_1165 : vector<16xi32>
      %broadcast_in_dim3A_1167 = arith.constant 0 : i32
      %broadcast_in_dim3A_1168 = vector.broadcast %broadcast_in_dim3A_1167 : i32 to vector<16xi32>
      %slice3A_1169 = vector.extract_strided_slice %get3A_334 {offsets = [9], sizes = [1], strides = [1]} : vector<16xi32> to vector<1xi32>
      %squeeze3A_1170 = vector.extract %slice3A_1169[0] : i32 from vector<1xi32>
      %and3A_1171 = arith.constant 127 : i32
      %and3A_1172 = arith.andi %squeeze3A_1170, %and3A_1171 : i32
      %add3A_1173 = vector.broadcast %and3A_1172 : i32 to vector<16xi32>
      %add3A_1174 = arith.addi %broadcast_in_dim3A_1168, %add3A_1173 : vector<16xi32>
      %gather3A_1175 = tpu.vector_load_idx %arg9[%broadcast_in_dim3A_1158, %iota3A, %add3A_1166] : memref<8x16x129xf32, #tpu.memory_space<vmem>>[vector<16xi32>, vector<16xi32>, vector<16xi32>], vector<16xf32>,
      %gather3A_1176 = tpu.vector_load_idx %arg10[%broadcast_in_dim3A_1158, %iota3A, %add3A_1174] : memref<8x16x129xf32, #tpu.memory_space<vmem>>[vector<16xi32>, vector<16xi32>, vector<16xi32>], vector<16xf32>,
      %mul3A_1177 = arith.mulf %gather3A_1175, %gather3A_1176 : vector<16xf32>
      %swap3A_1178 = arith.constant 153 : index
      %swap3A_1179 = tpu.vector_load %arg11[%swap3A_1178] {strides = array<i32>} : memref<272xf32, #tpu.memory_space<vmem>>, vector<16xf32>,
      tpu.vector_store %arg11[%swap3A_1178], %mul3A_1177 {strides = array<i32>} : memref<272xf32, #tpu.memory_space<vmem>>, vector<16xf32>,
      %dma_wait3A_1180 = arith.constant 2 : i32
      %dma_wait3A_1181 = arith.constant 0 : i32
      %dma_wait3A_1182 = arith.constant 0 : i32
      %dma_wait3A_1183 = tpu.memref_slice %arg9[%dma_wait3A_1180, %dma_wait3A_1181, %dma_wait3A_1182] : memref<8x16x129xf32, #tpu.memory_space<vmem>> -> memref<1x16x128xf32, #tpu.memory_space<vmem>>
      %dma_wait3A_1184 = tpu.memref_squeeze %dma_wait3A_1183 : memref<1x16x128xf32, #tpu.memory_space<vmem>> -> memref<16x128xf32, #tpu.memory_space<vmem>>
      %dma_wait3A_1185 = arith.constant 0 : i32
      %dma_wait3A_1186 = arith.constant 0 : i32
      %dma_wait3A_1187 = tpu.memref_slice %arg4[%dma_wait3A_1185, %dma_wait3A_1186] : memref<16x1000001xf32, #tpu.memory_space<hbm>> -> memref<16x128xf32, #tpu.memory_space<hbm>>
      %dma_wait3A_1188 = arith.constant 0 : i32
      %dma_wait3A_1189 = arith.constant 0 : i32
      %dma_wait3A_1190 = tpu.memref_slice %arg9[%dma_wait3A_1180, %dma_wait3A_1188, %dma_wait3A_1189] : memref<8x16x129xf32, #tpu.memory_space<vmem>> -> memref<1x16x128xf32, #tpu.memory_space<vmem>>
      %dma_wait3A_1191 = tpu.memref_squeeze %dma_wait3A_1190 : memref<1x16x128xf32, #tpu.memory_space<vmem>> -> memref<16x128xf32, #tpu.memory_space<vmem>>
      %dma_wait3A_1192 = arith.constant 0 : i32
      %dma_wait3A_1193 = arith.constant 0 : i32
      %dma_wait3A_1194 = tpu.memref_slice %arg4[%dma_wait3A_1192, %dma_wait3A_1193] : memref<16x1000001xf32, #tpu.memory_space<hbm>> -> memref<16x128xf32, #tpu.memory_space<hbm>>
      tpu.wait_dma2 semaphore(%arg13 : memref<!tpu.dma_semaphore, #tpu.memory_space<semaphore_mem>>) src(%dma_wait3A_1194 : memref<16x128xf32, #tpu.memory_space<hbm>>) dst(%dma_wait3A_1191 : memref<16x128xf32, #tpu.memory_space<vmem>>)
      %dma_wait3A_1195 = arith.constant 2 : i32
      %dma_wait3A_1196 = arith.constant 0 : i32
      %dma_wait3A_1197 = arith.constant 0 : i32
      %dma_wait3A_1198 = tpu.memref_slice %arg10[%dma_wait3A_1195, %dma_wait3A_1196, %dma_wait3A_1197] : memref<8x16x129xf32, #tpu.memory_space<vmem>> -> memref<1x16x128xf32, #tpu.memory_space<vmem>>
      %dma_wait3A_1199 = tpu.memref_squeeze %dma_wait3A_1198 : memref<1x16x128xf32, #tpu.memory_space<vmem>> -> memref<16x128xf32, #tpu.memory_space<vmem>>
      %dma_wait3A_1200 = arith.constant 0 : i32
      %dma_wait3A_1201 = arith.constant 0 : i32
      %dma_wait3A_1202 = tpu.memref_slice %arg5[%dma_wait3A_1200, %dma_wait3A_1201] : memref<16x1000001xf32, #tpu.memory_space<hbm>> -> memref<16x128xf32, #tpu.memory_space<hbm>>
      %dma_wait3A_1203 = arith.constant 0 : i32
      %dma_wait3A_1204 = arith.constant 0 : i32
      %dma_wait3A_1205 = tpu.memref_slice %arg10[%dma_wait3A_1195, %dma_wait3A_1203, %dma_wait3A_1204] : memref<8x16x129xf32, #tpu.memory_space<vmem>> -> memref<1x16x128xf32, #tpu.memory_space<vmem>>
      %dma_wait3A_1206 = tpu.memref_squeeze %dma_wait3A_1205 : memref<1x16x128xf32, #tpu.memory_space<vmem>> -> memref<16x128xf32, #tpu.memory_space<vmem>>
      %dma_wait3A_1207 = arith.constant 0 : i32
      %dma_wait3A_1208 = arith.constant 0 : i32
      %dma_wait3A_1209 = tpu.memref_slice %arg5[%dma_wait3A_1207, %dma_wait3A_1208] : memref<16x1000001xf32, #tpu.memory_space<hbm>> -> memref<16x128xf32, #tpu.memory_space<hbm>>
      tpu.wait_dma2 semaphore(%arg14 : memref<!tpu.dma_semaphore, #tpu.memory_space<semaphore_mem>>) src(%dma_wait3A_1209 : memref<16x128xf32, #tpu.memory_space<hbm>>) dst(%dma_wait3A_1206 : memref<16x128xf32, #tpu.memory_space<vmem>>)
      %broadcast_in_dim3A_1210 = arith.constant 2 : i32
      %broadcast_in_dim3A_1211 = vector.broadcast %broadcast_in_dim3A_1210 : i32 to vector<16xi32>
      %broadcast_in_dim3A_1212 = arith.constant 0 : i32
      %broadcast_in_dim3A_1213 = vector.broadcast %broadcast_in_dim3A_1212 : i32 to vector<16xi32>
      %slice3A_1214 = vector.extract_strided_slice %get3A_330 {offsets = [10], sizes = [1], strides = [1]} : vector<16xi32> to vector<1xi32>
      %squeeze3A_1215 = vector.extract %slice3A_1214[0] : i32 from vector<1xi32>
      %and3A_1216 = arith.constant 127 : i32
      %and3A_1217 = arith.andi %squeeze3A_1215, %and3A_1216 : i32
      %add3A_1218 = vector.broadcast %and3A_1217 : i32 to vector<16xi32>
      %add3A_1219 = arith.addi %broadcast_in_dim3A_1213, %add3A_1218 : vector<16xi32>
      %broadcast_in_dim3A_1220 = arith.constant 0 : i32
      %broadcast_in_dim3A_1221 = vector.broadcast %broadcast_in_dim3A_1220 : i32 to vector<16xi32>
      %slice3A_1222 = vector.extract_strided_slice %get3A_334 {offsets = [10], sizes = [1], strides = [1]} : vector<16xi32> to vector<1xi32>
      %squeeze3A_1223 = vector.extract %slice3A_1222[0] : i32 from vector<1xi32>
      %and3A_1224 = arith.constant 127 : i32
      %and3A_1225 = arith.andi %squeeze3A_1223, %and3A_1224 : i32
      %add3A_1226 = vector.broadcast %and3A_1225 : i32 to vector<16xi32>
      %add3A_1227 = arith.addi %broadcast_in_dim3A_1221, %add3A_1226 : vector<16xi32>
      %gather3A_1228 = tpu.vector_load_idx %arg9[%broadcast_in_dim3A_1211, %iota3A, %add3A_1219] : memref<8x16x129xf32, #tpu.memory_space<vmem>>[vector<16xi32>, vector<16xi32>, vector<16xi32>], vector<16xf32>,
      %gather3A_1229 = tpu.vector_load_idx %arg10[%broadcast_in_dim3A_1211, %iota3A, %add3A_1227] : memref<8x16x129xf32, #tpu.memory_space<vmem>>[vector<16xi32>, vector<16xi32>, vector<16xi32>], vector<16xf32>,
      %mul3A_1230 = arith.mulf %gather3A_1228, %gather3A_1229 : vector<16xf32>
      %swap3A_1231 = arith.constant 170 : index
      %swap3A_1232 = tpu.vector_load %arg11[%swap3A_1231] {strides = array<i32>} : memref<272xf32, #tpu.memory_space<vmem>>, vector<16xf32>,
      tpu.vector_store %arg11[%swap3A_1231], %mul3A_1230 {strides = array<i32>} : memref<272xf32, #tpu.memory_space<vmem>>, vector<16xf32>,
      %dma_wait3A_1233 = arith.constant 3 : i32
      %dma_wait3A_1234 = arith.constant 0 : i32
      %dma_wait3A_1235 = arith.constant 0 : i32
      %dma_wait3A_1236 = tpu.memref_slice %arg9[%dma_wait3A_1233, %dma_wait3A_1234, %dma_wait3A_1235] : memref<8x16x129xf32, #tpu.memory_space<vmem>> -> memref<1x16x128xf32, #tpu.memory_space<vmem>>
      %dma_wait3A_1237 = tpu.memref_squeeze %dma_wait3A_1236 : memref<1x16x128xf32, #tpu.memory_space<vmem>> -> memref<16x128xf32, #tpu.memory_space<vmem>>
      %dma_wait3A_1238 = arith.constant 0 : i32
      %dma_wait3A_1239 = arith.constant 0 : i32
      %dma_wait3A_1240 = tpu.memref_slice %arg4[%dma_wait3A_1238, %dma_wait3A_1239] : memref<16x1000001xf32, #tpu.memory_space<hbm>> -> memref<16x128xf32, #tpu.memory_space<hbm>>
      %dma_wait3A_1241 = arith.constant 0 : i32
      %dma_wait3A_1242 = arith.constant 0 : i32
      %dma_wait3A_1243 = tpu.memref_slice %arg9[%dma_wait3A_1233, %dma_wait3A_1241, %dma_wait3A_1242] : memref<8x16x129xf32, #tpu.memory_space<vmem>> -> memref<1x16x128xf32, #tpu.memory_space<vmem>>
      %dma_wait3A_1244 = tpu.memref_squeeze %dma_wait3A_1243 : memref<1x16x128xf32, #tpu.memory_space<vmem>> -> memref<16x128xf32, #tpu.memory_space<vmem>>
      %dma_wait3A_1245 = arith.constant 0 : i32
      %dma_wait3A_1246 = arith.constant 0 : i32
      %dma_wait3A_1247 = tpu.memref_slice %arg4[%dma_wait3A_1245, %dma_wait3A_1246] : memref<16x1000001xf32, #tpu.memory_space<hbm>> -> memref<16x128xf32, #tpu.memory_space<hbm>>
      tpu.wait_dma2 semaphore(%arg13 : memref<!tpu.dma_semaphore, #tpu.memory_space<semaphore_mem>>) src(%dma_wait3A_1247 : memref<16x128xf32, #tpu.memory_space<hbm>>) dst(%dma_wait3A_1244 : memref<16x128xf32, #tpu.memory_space<vmem>>)
      %dma_wait3A_1248 = arith.constant 3 : i32
      %dma_wait3A_1249 = arith.constant 0 : i32
      %dma_wait3A_1250 = arith.constant 0 : i32
      %dma_wait3A_1251 = tpu.memref_slice %arg10[%dma_wait3A_1248, %dma_wait3A_1249, %dma_wait3A_1250] : memref<8x16x129xf32, #tpu.memory_space<vmem>> -> memref<1x16x128xf32, #tpu.memory_space<vmem>>
      %dma_wait3A_1252 = tpu.memref_squeeze %dma_wait3A_1251 : memref<1x16x128xf32, #tpu.memory_space<vmem>> -> memref<16x128xf32, #tpu.memory_space<vmem>>
      %dma_wait3A_1253 = arith.constant 0 : i32
      %dma_wait3A_1254 = arith.constant 0 : i32
      %dma_wait3A_1255 = tpu.memref_slice %arg5[%dma_wait3A_1253, %dma_wait3A_1254] : memref<16x1000001xf32, #tpu.memory_space<hbm>> -> memref<16x128xf32, #tpu.memory_space<hbm>>
      %dma_wait3A_1256 = arith.constant 0 : i32
      %dma_wait3A_1257 = arith.constant 0 : i32
      %dma_wait3A_1258 = tpu.memref_slice %arg10[%dma_wait3A_1248, %dma_wait3A_1256, %dma_wait3A_1257] : memref<8x16x129xf32, #tpu.memory_space<vmem>> -> memref<1x16x128xf32, #tpu.memory_space<vmem>>
      %dma_wait3A_1259 = tpu.memref_squeeze %dma_wait3A_1258 : memref<1x16x128xf32, #tpu.memory_space<vmem>> -> memref<16x128xf32, #tpu.memory_space<vmem>>
      %dma_wait3A_1260 = arith.constant 0 : i32
      %dma_wait3A_1261 = arith.constant 0 : i32
      %dma_wait3A_1262 = tpu.memref_slice %arg5[%dma_wait3A_1260, %dma_wait3A_1261] : memref<16x1000001xf32, #tpu.memory_space<hbm>> -> memref<16x128xf32, #tpu.memory_space<hbm>>
      tpu.wait_dma2 semaphore(%arg14 : memref<!tpu.dma_semaphore, #tpu.memory_space<semaphore_mem>>) src(%dma_wait3A_1262 : memref<16x128xf32, #tpu.memory_space<hbm>>) dst(%dma_wait3A_1259 : memref<16x128xf32, #tpu.memory_space<vmem>>)
      %broadcast_in_dim3A_1263 = arith.constant 3 : i32
      %broadcast_in_dim3A_1264 = vector.broadcast %broadcast_in_dim3A_1263 : i32 to vector<16xi32>
      %broadcast_in_dim3A_1265 = arith.constant 0 : i32
      %broadcast_in_dim3A_1266 = vector.broadcast %broadcast_in_dim3A_1265 : i32 to vector<16xi32>
      %slice3A_1267 = vector.extract_strided_slice %get3A_330 {offsets = [11], sizes = [1], strides = [1]} : vector<16xi32> to vector<1xi32>
      %squeeze3A_1268 = vector.extract %slice3A_1267[0] : i32 from vector<1xi32>
      %and3A_1269 = arith.constant 127 : i32
      %and3A_1270 = arith.andi %squeeze3A_1268, %and3A_1269 : i32
      %add3A_1271 = vector.broadcast %and3A_1270 : i32 to vector<16xi32>
      %add3A_1272 = arith.addi %broadcast_in_dim3A_1266, %add3A_1271 : vector<16xi32>
      %broadcast_in_dim3A_1273 = arith.constant 0 : i32
      %broadcast_in_dim3A_1274 = vector.broadcast %broadcast_in_dim3A_1273 : i32 to vector<16xi32>
      %slice3A_1275 = vector.extract_strided_slice %get3A_334 {offsets = [11], sizes = [1], strides = [1]} : vector<16xi32> to vector<1xi32>
      %squeeze3A_1276 = vector.extract %slice3A_1275[0] : i32 from vector<1xi32>
      %and3A_1277 = arith.constant 127 : i32
      %and3A_1278 = arith.andi %squeeze3A_1276, %and3A_1277 : i32
      %add3A_1279 = vector.broadcast %and3A_1278 : i32 to vector<16xi32>
      %add3A_1280 = arith.addi %broadcast_in_dim3A_1274, %add3A_1279 : vector<16xi32>
      %gather3A_1281 = tpu.vector_load_idx %arg9[%broadcast_in_dim3A_1264, %iota3A, %add3A_1272] : memref<8x16x129xf32, #tpu.memory_space<vmem>>[vector<16xi32>, vector<16xi32>, vector<16xi32>], vector<16xf32>,
      %gather3A_1282 = tpu.vector_load_idx %arg10[%broadcast_in_dim3A_1264, %iota3A, %add3A_1280] : memref<8x16x129xf32, #tpu.memory_space<vmem>>[vector<16xi32>, vector<16xi32>, vector<16xi32>], vector<16xf32>,
      %mul3A_1283 = arith.mulf %gather3A_1281, %gather3A_1282 : vector<16xf32>
      %swap3A_1284 = arith.constant 187 : index
      %swap3A_1285 = tpu.vector_load %arg11[%swap3A_1284] {strides = array<i32>} : memref<272xf32, #tpu.memory_space<vmem>>, vector<16xf32>,
      tpu.vector_store %arg11[%swap3A_1284], %mul3A_1283 {strides = array<i32>} : memref<272xf32, #tpu.memory_space<vmem>>, vector<16xf32>,
      %dma_wait3A_1286 = arith.constant 4 : i32
      %dma_wait3A_1287 = arith.constant 0 : i32
      %dma_wait3A_1288 = arith.constant 0 : i32
      %dma_wait3A_1289 = tpu.memref_slice %arg9[%dma_wait3A_1286, %dma_wait3A_1287, %dma_wait3A_1288] : memref<8x16x129xf32, #tpu.memory_space<vmem>> -> memref<1x16x128xf32, #tpu.memory_space<vmem>>
      %dma_wait3A_1290 = tpu.memref_squeeze %dma_wait3A_1289 : memref<1x16x128xf32, #tpu.memory_space<vmem>> -> memref<16x128xf32, #tpu.memory_space<vmem>>
      %dma_wait3A_1291 = arith.constant 0 : i32
      %dma_wait3A_1292 = arith.constant 0 : i32
      %dma_wait3A_1293 = tpu.memref_slice %arg4[%dma_wait3A_1291, %dma_wait3A_1292] : memref<16x1000001xf32, #tpu.memory_space<hbm>> -> memref<16x128xf32, #tpu.memory_space<hbm>>
      %dma_wait3A_1294 = arith.constant 0 : i32
      %dma_wait3A_1295 = arith.constant 0 : i32
      %dma_wait3A_1296 = tpu.memref_slice %arg9[%dma_wait3A_1286, %dma_wait3A_1294, %dma_wait3A_1295] : memref<8x16x129xf32, #tpu.memory_space<vmem>> -> memref<1x16x128xf32, #tpu.memory_space<vmem>>
      %dma_wait3A_1297 = tpu.memref_squeeze %dma_wait3A_1296 : memref<1x16x128xf32, #tpu.memory_space<vmem>> -> memref<16x128xf32, #tpu.memory_space<vmem>>
      %dma_wait3A_1298 = arith.constant 0 : i32
      %dma_wait3A_1299 = arith.constant 0 : i32
      %dma_wait3A_1300 = tpu.memref_slice %arg4[%dma_wait3A_1298, %dma_wait3A_1299] : memref<16x1000001xf32, #tpu.memory_space<hbm>> -> memref<16x128xf32, #tpu.memory_space<hbm>>
      tpu.wait_dma2 semaphore(%arg13 : memref<!tpu.dma_semaphore, #tpu.memory_space<semaphore_mem>>) src(%dma_wait3A_1300 : memref<16x128xf32, #tpu.memory_space<hbm>>) dst(%dma_wait3A_1297 : memref<16x128xf32, #tpu.memory_space<vmem>>)
      %dma_wait3A_1301 = arith.constant 4 : i32
      %dma_wait3A_1302 = arith.constant 0 : i32
      %dma_wait3A_1303 = arith.constant 0 : i32
      %dma_wait3A_1304 = tpu.memref_slice %arg10[%dma_wait3A_1301, %dma_wait3A_1302, %dma_wait3A_1303] : memref<8x16x129xf32, #tpu.memory_space<vmem>> -> memref<1x16x128xf32, #tpu.memory_space<vmem>>
      %dma_wait3A_1305 = tpu.memref_squeeze %dma_wait3A_1304 : memref<1x16x128xf32, #tpu.memory_space<vmem>> -> memref<16x128xf32, #tpu.memory_space<vmem>>
      %dma_wait3A_1306 = arith.constant 0 : i32
      %dma_wait3A_1307 = arith.constant 0 : i32
      %dma_wait3A_1308 = tpu.memref_slice %arg5[%dma_wait3A_1306, %dma_wait3A_1307] : memref<16x1000001xf32, #tpu.memory_space<hbm>> -> memref<16x128xf32, #tpu.memory_space<hbm>>
      %dma_wait3A_1309 = arith.constant 0 : i32
      %dma_wait3A_1310 = arith.constant 0 : i32
      %dma_wait3A_1311 = tpu.memref_slice %arg10[%dma_wait3A_1301, %dma_wait3A_1309, %dma_wait3A_1310] : memref<8x16x129xf32, #tpu.memory_space<vmem>> -> memref<1x16x128xf32, #tpu.memory_space<vmem>>
      %dma_wait3A_1312 = tpu.memref_squeeze %dma_wait3A_1311 : memref<1x16x128xf32, #tpu.memory_space<vmem>> -> memref<16x128xf32, #tpu.memory_space<vmem>>
      %dma_wait3A_1313 = arith.constant 0 : i32
      %dma_wait3A_1314 = arith.constant 0 : i32
      %dma_wait3A_1315 = tpu.memref_slice %arg5[%dma_wait3A_1313, %dma_wait3A_1314] : memref<16x1000001xf32, #tpu.memory_space<hbm>> -> memref<16x128xf32, #tpu.memory_space<hbm>>
      tpu.wait_dma2 semaphore(%arg14 : memref<!tpu.dma_semaphore, #tpu.memory_space<semaphore_mem>>) src(%dma_wait3A_1315 : memref<16x128xf32, #tpu.memory_space<hbm>>) dst(%dma_wait3A_1312 : memref<16x128xf32, #tpu.memory_space<vmem>>)
      %broadcast_in_dim3A_1316 = arith.constant 4 : i32
      %broadcast_in_dim3A_1317 = vector.broadcast %broadcast_in_dim3A_1316 : i32 to vector<16xi32>
      %broadcast_in_dim3A_1318 = arith.constant 0 : i32
      %broadcast_in_dim3A_1319 = vector.broadcast %broadcast_in_dim3A_1318 : i32 to vector<16xi32>
      %slice3A_1320 = vector.extract_strided_slice %get3A_330 {offsets = [12], sizes = [1], strides = [1]} : vector<16xi32> to vector<1xi32>
      %squeeze3A_1321 = vector.extract %slice3A_1320[0] : i32 from vector<1xi32>
      %and3A_1322 = arith.constant 127 : i32
      %and3A_1323 = arith.andi %squeeze3A_1321, %and3A_1322 : i32
      %add3A_1324 = vector.broadcast %and3A_1323 : i32 to vector<16xi32>
      %add3A_1325 = arith.addi %broadcast_in_dim3A_1319, %add3A_1324 : vector<16xi32>
      %broadcast_in_dim3A_1326 = arith.constant 0 : i32
      %broadcast_in_dim3A_1327 = vector.broadcast %broadcast_in_dim3A_1326 : i32 to vector<16xi32>
      %slice3A_1328 = vector.extract_strided_slice %get3A_334 {offsets = [12], sizes = [1], strides = [1]} : vector<16xi32> to vector<1xi32>
      %squeeze3A_1329 = vector.extract %slice3A_1328[0] : i32 from vector<1xi32>
      %and3A_1330 = arith.constant 127 : i32
      %and3A_1331 = arith.andi %squeeze3A_1329, %and3A_1330 : i32
      %add3A_1332 = vector.broadcast %and3A_1331 : i32 to vector<16xi32>
      %add3A_1333 = arith.addi %broadcast_in_dim3A_1327, %add3A_1332 : vector<16xi32>
      %gather3A_1334 = tpu.vector_load_idx %arg9[%broadcast_in_dim3A_1317, %iota3A, %add3A_1325] : memref<8x16x129xf32, #tpu.memory_space<vmem>>[vector<16xi32>, vector<16xi32>, vector<16xi32>], vector<16xf32>,
      %gather3A_1335 = tpu.vector_load_idx %arg10[%broadcast_in_dim3A_1317, %iota3A, %add3A_1333] : memref<8x16x129xf32, #tpu.memory_space<vmem>>[vector<16xi32>, vector<16xi32>, vector<16xi32>], vector<16xf32>,
      %mul3A_1336 = arith.mulf %gather3A_1334, %gather3A_1335 : vector<16xf32>
      %swap3A_1337 = arith.constant 204 : index
      %swap3A_1338 = tpu.vector_load %arg11[%swap3A_1337] {strides = array<i32>} : memref<272xf32, #tpu.memory_space<vmem>>, vector<16xf32>,
      tpu.vector_store %arg11[%swap3A_1337], %mul3A_1336 {strides = array<i32>} : memref<272xf32, #tpu.memory_space<vmem>>, vector<16xf32>,
      %dma_wait3A_1339 = arith.constant 5 : i32
      %dma_wait3A_1340 = arith.constant 0 : i32
      %dma_wait3A_1341 = arith.constant 0 : i32
      %dma_wait3A_1342 = tpu.memref_slice %arg9[%dma_wait3A_1339, %dma_wait3A_1340, %dma_wait3A_1341] : memref<8x16x129xf32, #tpu.memory_space<vmem>> -> memref<1x16x128xf32, #tpu.memory_space<vmem>>
      %dma_wait3A_1343 = tpu.memref_squeeze %dma_wait3A_1342 : memref<1x16x128xf32, #tpu.memory_space<vmem>> -> memref<16x128xf32, #tpu.memory_space<vmem>>
      %dma_wait3A_1344 = arith.constant 0 : i32
      %dma_wait3A_1345 = arith.constant 0 : i32
      %dma_wait3A_1346 = tpu.memref_slice %arg4[%dma_wait3A_1344, %dma_wait3A_1345] : memref<16x1000001xf32, #tpu.memory_space<hbm>> -> memref<16x128xf32, #tpu.memory_space<hbm>>
      %dma_wait3A_1347 = arith.constant 0 : i32
      %dma_wait3A_1348 = arith.constant 0 : i32
      %dma_wait3A_1349 = tpu.memref_slice %arg9[%dma_wait3A_1339, %dma_wait3A_1347, %dma_wait3A_1348] : memref<8x16x129xf32, #tpu.memory_space<vmem>> -> memref<1x16x128xf32, #tpu.memory_space<vmem>>
      %dma_wait3A_1350 = tpu.memref_squeeze %dma_wait3A_1349 : memref<1x16x128xf32, #tpu.memory_space<vmem>> -> memref<16x128xf32, #tpu.memory_space<vmem>>
      %dma_wait3A_1351 = arith.constant 0 : i32
      %dma_wait3A_1352 = arith.constant 0 : i32
      %dma_wait3A_1353 = tpu.memref_slice %arg4[%dma_wait3A_1351, %dma_wait3A_1352] : memref<16x1000001xf32, #tpu.memory_space<hbm>> -> memref<16x128xf32, #tpu.memory_space<hbm>>
      tpu.wait_dma2 semaphore(%arg13 : memref<!tpu.dma_semaphore, #tpu.memory_space<semaphore_mem>>) src(%dma_wait3A_1353 : memref<16x128xf32, #tpu.memory_space<hbm>>) dst(%dma_wait3A_1350 : memref<16x128xf32, #tpu.memory_space<vmem>>)
      %dma_wait3A_1354 = arith.constant 5 : i32
      %dma_wait3A_1355 = arith.constant 0 : i32
      %dma_wait3A_1356 = arith.constant 0 : i32
      %dma_wait3A_1357 = tpu.memref_slice %arg10[%dma_wait3A_1354, %dma_wait3A_1355, %dma_wait3A_1356] : memref<8x16x129xf32, #tpu.memory_space<vmem>> -> memref<1x16x128xf32, #tpu.memory_space<vmem>>
      %dma_wait3A_1358 = tpu.memref_squeeze %dma_wait3A_1357 : memref<1x16x128xf32, #tpu.memory_space<vmem>> -> memref<16x128xf32, #tpu.memory_space<vmem>>
      %dma_wait3A_1359 = arith.constant 0 : i32
      %dma_wait3A_1360 = arith.constant 0 : i32
      %dma_wait3A_1361 = tpu.memref_slice %arg5[%dma_wait3A_1359, %dma_wait3A_1360] : memref<16x1000001xf32, #tpu.memory_space<hbm>> -> memref<16x128xf32, #tpu.memory_space<hbm>>
      %dma_wait3A_1362 = arith.constant 0 : i32
      %dma_wait3A_1363 = arith.constant 0 : i32
      %dma_wait3A_1364 = tpu.memref_slice %arg10[%dma_wait3A_1354, %dma_wait3A_1362, %dma_wait3A_1363] : memref<8x16x129xf32, #tpu.memory_space<vmem>> -> memref<1x16x128xf32, #tpu.memory_space<vmem>>
      %dma_wait3A_1365 = tpu.memref_squeeze %dma_wait3A_1364 : memref<1x16x128xf32, #tpu.memory_space<vmem>> -> memref<16x128xf32, #tpu.memory_space<vmem>>
      %dma_wait3A_1366 = arith.constant 0 : i32
      %dma_wait3A_1367 = arith.constant 0 : i32
      %dma_wait3A_1368 = tpu.memref_slice %arg5[%dma_wait3A_1366, %dma_wait3A_1367] : memref<16x1000001xf32, #tpu.memory_space<hbm>> -> memref<16x128xf32, #tpu.memory_space<hbm>>
      tpu.wait_dma2 semaphore(%arg14 : memref<!tpu.dma_semaphore, #tpu.memory_space<semaphore_mem>>) src(%dma_wait3A_1368 : memref<16x128xf32, #tpu.memory_space<hbm>>) dst(%dma_wait3A_1365 : memref<16x128xf32, #tpu.memory_space<vmem>>)
      %broadcast_in_dim3A_1369 = arith.constant 5 : i32
      %broadcast_in_dim3A_1370 = vector.broadcast %broadcast_in_dim3A_1369 : i32 to vector<16xi32>
      %broadcast_in_dim3A_1371 = arith.constant 0 : i32
      %broadcast_in_dim3A_1372 = vector.broadcast %broadcast_in_dim3A_1371 : i32 to vector<16xi32>
      %slice3A_1373 = vector.extract_strided_slice %get3A_330 {offsets = [13], sizes = [1], strides = [1]} : vector<16xi32> to vector<1xi32>
      %squeeze3A_1374 = vector.extract %slice3A_1373[0] : i32 from vector<1xi32>
      %and3A_1375 = arith.constant 127 : i32
      %and3A_1376 = arith.andi %squeeze3A_1374, %and3A_1375 : i32
      %add3A_1377 = vector.broadcast %and3A_1376 : i32 to vector<16xi32>
      %add3A_1378 = arith.addi %broadcast_in_dim3A_1372, %add3A_1377 : vector<16xi32>
      %broadcast_in_dim3A_1379 = arith.constant 0 : i32
      %broadcast_in_dim3A_1380 = vector.broadcast %broadcast_in_dim3A_1379 : i32 to vector<16xi32>
      %slice3A_1381 = vector.extract_strided_slice %get3A_334 {offsets = [13], sizes = [1], strides = [1]} : vector<16xi32> to vector<1xi32>
      %squeeze3A_1382 = vector.extract %slice3A_1381[0] : i32 from vector<1xi32>
      %and3A_1383 = arith.constant 127 : i32
      %and3A_1384 = arith.andi %squeeze3A_1382, %and3A_1383 : i32
      %add3A_1385 = vector.broadcast %and3A_1384 : i32 to vector<16xi32>
      %add3A_1386 = arith.addi %broadcast_in_dim3A_1380, %add3A_1385 : vector<16xi32>
      %gather3A_1387 = tpu.vector_load_idx %arg9[%broadcast_in_dim3A_1370, %iota3A, %add3A_1378] : memref<8x16x129xf32, #tpu.memory_space<vmem>>[vector<16xi32>, vector<16xi32>, vector<16xi32>], vector<16xf32>,
      %gather3A_1388 = tpu.vector_load_idx %arg10[%broadcast_in_dim3A_1370, %iota3A, %add3A_1386] : memref<8x16x129xf32, #tpu.memory_space<vmem>>[vector<16xi32>, vector<16xi32>, vector<16xi32>], vector<16xf32>,
      %mul3A_1389 = arith.mulf %gather3A_1387, %gather3A_1388 : vector<16xf32>
      %swap3A_1390 = arith.constant 221 : index
      %swap3A_1391 = tpu.vector_load %arg11[%swap3A_1390] {strides = array<i32>} : memref<272xf32, #tpu.memory_space<vmem>>, vector<16xf32>,
      tpu.vector_store %arg11[%swap3A_1390], %mul3A_1389 {strides = array<i32>} : memref<272xf32, #tpu.memory_space<vmem>>, vector<16xf32>,
      %dma_wait3A_1392 = arith.constant 6 : i32
      %dma_wait3A_1393 = arith.constant 0 : i32
      %dma_wait3A_1394 = arith.constant 0 : i32
      %dma_wait3A_1395 = tpu.memref_slice %arg9[%dma_wait3A_1392, %dma_wait3A_1393, %dma_wait3A_1394] : memref<8x16x129xf32, #tpu.memory_space<vmem>> -> memref<1x16x128xf32, #tpu.memory_space<vmem>>
      %dma_wait3A_1396 = tpu.memref_squeeze %dma_wait3A_1395 : memref<1x16x128xf32, #tpu.memory_space<vmem>> -> memref<16x128xf32, #tpu.memory_space<vmem>>
      %dma_wait3A_1397 = arith.constant 0 : i32
      %dma_wait3A_1398 = arith.constant 0 : i32
      %dma_wait3A_1399 = tpu.memref_slice %arg4[%dma_wait3A_1397, %dma_wait3A_1398] : memref<16x1000001xf32, #tpu.memory_space<hbm>> -> memref<16x128xf32, #tpu.memory_space<hbm>>
      %dma_wait3A_1400 = arith.constant 0 : i32
      %dma_wait3A_1401 = arith.constant 0 : i32
      %dma_wait3A_1402 = tpu.memref_slice %arg9[%dma_wait3A_1392, %dma_wait3A_1400, %dma_wait3A_1401] : memref<8x16x129xf32, #tpu.memory_space<vmem>> -> memref<1x16x128xf32, #tpu.memory_space<vmem>>
      %dma_wait3A_1403 = tpu.memref_squeeze %dma_wait3A_1402 : memref<1x16x128xf32, #tpu.memory_space<vmem>> -> memref<16x128xf32, #tpu.memory_space<vmem>>
      %dma_wait3A_1404 = arith.constant 0 : i32
      %dma_wait3A_1405 = arith.constant 0 : i32
      %dma_wait3A_1406 = tpu.memref_slice %arg4[%dma_wait3A_1404, %dma_wait3A_1405] : memref<16x1000001xf32, #tpu.memory_space<hbm>> -> memref<16x128xf32, #tpu.memory_space<hbm>>
      tpu.wait_dma2 semaphore(%arg13 : memref<!tpu.dma_semaphore, #tpu.memory_space<semaphore_mem>>) src(%dma_wait3A_1406 : memref<16x128xf32, #tpu.memory_space<hbm>>) dst(%dma_wait3A_1403 : memref<16x128xf32, #tpu.memory_space<vmem>>)
      %dma_wait3A_1407 = arith.constant 6 : i32
      %dma_wait3A_1408 = arith.constant 0 : i32
      %dma_wait3A_1409 = arith.constant 0 : i32
      %dma_wait3A_1410 = tpu.memref_slice %arg10[%dma_wait3A_1407, %dma_wait3A_1408, %dma_wait3A_1409] : memref<8x16x129xf32, #tpu.memory_space<vmem>> -> memref<1x16x128xf32, #tpu.memory_space<vmem>>
      %dma_wait3A_1411 = tpu.memref_squeeze %dma_wait3A_1410 : memref<1x16x128xf32, #tpu.memory_space<vmem>> -> memref<16x128xf32, #tpu.memory_space<vmem>>
      %dma_wait3A_1412 = arith.constant 0 : i32
      %dma_wait3A_1413 = arith.constant 0 : i32
      %dma_wait3A_1414 = tpu.memref_slice %arg5[%dma_wait3A_1412, %dma_wait3A_1413] : memref<16x1000001xf32, #tpu.memory_space<hbm>> -> memref<16x128xf32, #tpu.memory_space<hbm>>
      %dma_wait3A_1415 = arith.constant 0 : i32
      %dma_wait3A_1416 = arith.constant 0 : i32
      %dma_wait3A_1417 = tpu.memref_slice %arg10[%dma_wait3A_1407, %dma_wait3A_1415, %dma_wait3A_1416] : memref<8x16x129xf32, #tpu.memory_space<vmem>> -> memref<1x16x128xf32, #tpu.memory_space<vmem>>
      %dma_wait3A_1418 = tpu.memref_squeeze %dma_wait3A_1417 : memref<1x16x128xf32, #tpu.memory_space<vmem>> -> memref<16x128xf32, #tpu.memory_space<vmem>>
      %dma_wait3A_1419 = arith.constant 0 : i32
      %dma_wait3A_1420 = arith.constant 0 : i32
      %dma_wait3A_1421 = tpu.memref_slice %arg5[%dma_wait3A_1419, %dma_wait3A_1420] : memref<16x1000001xf32, #tpu.memory_space<hbm>> -> memref<16x128xf32, #tpu.memory_space<hbm>>
      tpu.wait_dma2 semaphore(%arg14 : memref<!tpu.dma_semaphore, #tpu.memory_space<semaphore_mem>>) src(%dma_wait3A_1421 : memref<16x128xf32, #tpu.memory_space<hbm>>) dst(%dma_wait3A_1418 : memref<16x128xf32, #tpu.memory_space<vmem>>)
      %broadcast_in_dim3A_1422 = arith.constant 6 : i32
      %broadcast_in_dim3A_1423 = vector.broadcast %broadcast_in_dim3A_1422 : i32 to vector<16xi32>
      %broadcast_in_dim3A_1424 = arith.constant 0 : i32
      %broadcast_in_dim3A_1425 = vector.broadcast %broadcast_in_dim3A_1424 : i32 to vector<16xi32>
      %slice3A_1426 = vector.extract_strided_slice %get3A_330 {offsets = [14], sizes = [1], strides = [1]} : vector<16xi32> to vector<1xi32>
      %squeeze3A_1427 = vector.extract %slice3A_1426[0] : i32 from vector<1xi32>
      %and3A_1428 = arith.constant 127 : i32
      %and3A_1429 = arith.andi %squeeze3A_1427, %and3A_1428 : i32
      %add3A_1430 = vector.broadcast %and3A_1429 : i32 to vector<16xi32>
      %add3A_1431 = arith.addi %broadcast_in_dim3A_1425, %add3A_1430 : vector<16xi32>
      %broadcast_in_dim3A_1432 = arith.constant 0 : i32
      %broadcast_in_dim3A_1433 = vector.broadcast %broadcast_in_dim3A_1432 : i32 to vector<16xi32>
      %slice3A_1434 = vector.extract_strided_slice %get3A_334 {offsets = [14], sizes = [1], strides = [1]} : vector<16xi32> to vector<1xi32>
      %squeeze3A_1435 = vector.extract %slice3A_1434[0] : i32 from vector<1xi32>
      %and3A_1436 = arith.constant 127 : i32
      %and3A_1437 = arith.andi %squeeze3A_1435, %and3A_1436 : i32
      %add3A_1438 = vector.broadcast %and3A_1437 : i32 to vector<16xi32>
      %add3A_1439 = arith.addi %broadcast_in_dim3A_1433, %add3A_1438 : vector<16xi32>
      %gather3A_1440 = tpu.vector_load_idx %arg9[%broadcast_in_dim3A_1423, %iota3A, %add3A_1431] : memref<8x16x129xf32, #tpu.memory_space<vmem>>[vector<16xi32>, vector<16xi32>, vector<16xi32>], vector<16xf32>,
      %gather3A_1441 = tpu.vector_load_idx %arg10[%broadcast_in_dim3A_1423, %iota3A, %add3A_1439] : memref<8x16x129xf32, #tpu.memory_space<vmem>>[vector<16xi32>, vector<16xi32>, vector<16xi32>], vector<16xf32>,
      %mul3A_1442 = arith.mulf %gather3A_1440, %gather3A_1441 : vector<16xf32>
      %swap3A_1443 = arith.constant 238 : index
      %swap3A_1444 = tpu.vector_load %arg11[%swap3A_1443] {strides = array<i32>} : memref<272xf32, #tpu.memory_space<vmem>>, vector<16xf32>,
      tpu.vector_store %arg11[%swap3A_1443], %mul3A_1442 {strides = array<i32>} : memref<272xf32, #tpu.memory_space<vmem>>, vector<16xf32>,
      %dma_wait3A_1445 = arith.constant 7 : i32
      %dma_wait3A_1446 = arith.constant 0 : i32
      %dma_wait3A_1447 = arith.constant 0 : i32
      %dma_wait3A_1448 = tpu.memref_slice %arg9[%dma_wait3A_1445, %dma_wait3A_1446, %dma_wait3A_1447] : memref<8x16x129xf32, #tpu.memory_space<vmem>> -> memref<1x16x128xf32, #tpu.memory_space<vmem>>
      %dma_wait3A_1449 = tpu.memref_squeeze %dma_wait3A_1448 : memref<1x16x128xf32, #tpu.memory_space<vmem>> -> memref<16x128xf32, #tpu.memory_space<vmem>>
      %dma_wait3A_1450 = arith.constant 0 : i32
      %dma_wait3A_1451 = arith.constant 0 : i32
      %dma_wait3A_1452 = tpu.memref_slice %arg4[%dma_wait3A_1450, %dma_wait3A_1451] : memref<16x1000001xf32, #tpu.memory_space<hbm>> -> memref<16x128xf32, #tpu.memory_space<hbm>>
      %dma_wait3A_1453 = arith.constant 0 : i32
      %dma_wait3A_1454 = arith.constant 0 : i32
      %dma_wait3A_1455 = tpu.memref_slice %arg9[%dma_wait3A_1445, %dma_wait3A_1453, %dma_wait3A_1454] : memref<8x16x129xf32, #tpu.memory_space<vmem>> -> memref<1x16x128xf32, #tpu.memory_space<vmem>>
      %dma_wait3A_1456 = tpu.memref_squeeze %dma_wait3A_1455 : memref<1x16x128xf32, #tpu.memory_space<vmem>> -> memref<16x128xf32, #tpu.memory_space<vmem>>
      %dma_wait3A_1457 = arith.constant 0 : i32
      %dma_wait3A_1458 = arith.constant 0 : i32
      %dma_wait3A_1459 = tpu.memref_slice %arg4[%dma_wait3A_1457, %dma_wait3A_1458] : memref<16x1000001xf32, #tpu.memory_space<hbm>> -> memref<16x128xf32, #tpu.memory_space<hbm>>
      tpu.wait_dma2 semaphore(%arg13 : memref<!tpu.dma_semaphore, #tpu.memory_space<semaphore_mem>>) src(%dma_wait3A_1459 : memref<16x128xf32, #tpu.memory_space<hbm>>) dst(%dma_wait3A_1456 : memref<16x128xf32, #tpu.memory_space<vmem>>)
      %dma_wait3A_1460 = arith.constant 7 : i32
      %dma_wait3A_1461 = arith.constant 0 : i32
      %dma_wait3A_1462 = arith.constant 0 : i32
      %dma_wait3A_1463 = tpu.memref_slice %arg10[%dma_wait3A_1460, %dma_wait3A_1461, %dma_wait3A_1462] : memref<8x16x129xf32, #tpu.memory_space<vmem>> -> memref<1x16x128xf32, #tpu.memory_space<vmem>>
      %dma_wait3A_1464 = tpu.memref_squeeze %dma_wait3A_1463 : memref<1x16x128xf32, #tpu.memory_space<vmem>> -> memref<16x128xf32, #tpu.memory_space<vmem>>
      %dma_wait3A_1465 = arith.constant 0 : i32
      %dma_wait3A_1466 = arith.constant 0 : i32
      %dma_wait3A_1467 = tpu.memref_slice %arg5[%dma_wait3A_1465, %dma_wait3A_1466] : memref<16x1000001xf32, #tpu.memory_space<hbm>> -> memref<16x128xf32, #tpu.memory_space<hbm>>
      %dma_wait3A_1468 = arith.constant 0 : i32
      %dma_wait3A_1469 = arith.constant 0 : i32
      %dma_wait3A_1470 = tpu.memref_slice %arg10[%dma_wait3A_1460, %dma_wait3A_1468, %dma_wait3A_1469] : memref<8x16x129xf32, #tpu.memory_space<vmem>> -> memref<1x16x128xf32, #tpu.memory_space<vmem>>
      %dma_wait3A_1471 = tpu.memref_squeeze %dma_wait3A_1470 : memref<1x16x128xf32, #tpu.memory_space<vmem>> -> memref<16x128xf32, #tpu.memory_space<vmem>>
      %dma_wait3A_1472 = arith.constant 0 : i32
      %dma_wait3A_1473 = arith.constant 0 : i32
      %dma_wait3A_1474 = tpu.memref_slice %arg5[%dma_wait3A_1472, %dma_wait3A_1473] : memref<16x1000001xf32, #tpu.memory_space<hbm>> -> memref<16x128xf32, #tpu.memory_space<hbm>>
      tpu.wait_dma2 semaphore(%arg14 : memref<!tpu.dma_semaphore, #tpu.memory_space<semaphore_mem>>) src(%dma_wait3A_1474 : memref<16x128xf32, #tpu.memory_space<hbm>>) dst(%dma_wait3A_1471 : memref<16x128xf32, #tpu.memory_space<vmem>>)
      %broadcast_in_dim3A_1475 = arith.constant 7 : i32
      %broadcast_in_dim3A_1476 = vector.broadcast %broadcast_in_dim3A_1475 : i32 to vector<16xi32>
      %broadcast_in_dim3A_1477 = arith.constant 0 : i32
      %broadcast_in_dim3A_1478 = vector.broadcast %broadcast_in_dim3A_1477 : i32 to vector<16xi32>
      %slice3A_1479 = vector.extract_strided_slice %get3A_330 {offsets = [15], sizes = [1], strides = [1]} : vector<16xi32> to vector<1xi32>
      %squeeze3A_1480 = vector.extract %slice3A_1479[0] : i32 from vector<1xi32>
      %and3A_1481 = arith.constant 127 : i32
      %and3A_1482 = arith.andi %squeeze3A_1480, %and3A_1481 : i32
      %add3A_1483 = vector.broadcast %and3A_1482 : i32 to vector<16xi32>
      %add3A_1484 = arith.addi %broadcast_in_dim3A_1478, %add3A_1483 : vector<16xi32>
      %broadcast_in_dim3A_1485 = arith.constant 0 : i32
      %broadcast_in_dim3A_1486 = vector.broadcast %broadcast_in_dim3A_1485 : i32 to vector<16xi32>
      %slice3A_1487 = vector.extract_strided_slice %get3A_334 {offsets = [15], sizes = [1], strides = [1]} : vector<16xi32> to vector<1xi32>
      %squeeze3A_1488 = vector.extract %slice3A_1487[0] : i32 from vector<1xi32>
      %and3A_1489 = arith.constant 127 : i32
      %and3A_1490 = arith.andi %squeeze3A_1488, %and3A_1489 : i32
      %add3A_1491 = vector.broadcast %and3A_1490 : i32 to vector<16xi32>
      %add3A_1492 = arith.addi %broadcast_in_dim3A_1486, %add3A_1491 : vector<16xi32>
      %gather3A_1493 = tpu.vector_load_idx %arg9[%broadcast_in_dim3A_1476, %iota3A, %add3A_1484] : memref<8x16x129xf32, #tpu.memory_space<vmem>>[vector<16xi32>, vector<16xi32>, vector<16xi32>], vector<16xf32>,
      %gather3A_1494 = tpu.vector_load_idx %arg10[%broadcast_in_dim3A_1476, %iota3A, %add3A_1492] : memref<8x16x129xf32, #tpu.memory_space<vmem>>[vector<16xi32>, vector<16xi32>, vector<16xi32>], vector<16xf32>,
      %mul3A_1495 = arith.mulf %gather3A_1493, %gather3A_1494 : vector<16xf32>
      %swap3A_1496 = arith.constant 255 : index
      %swap3A_1497 = tpu.vector_load %arg11[%swap3A_1496] {strides = array<i32>} : memref<272xf32, #tpu.memory_space<vmem>>, vector<16xf32>,
      tpu.vector_store %arg11[%swap3A_1496], %mul3A_1495 {strides = array<i32>} : memref<272xf32, #tpu.memory_space<vmem>>, vector<16xf32>,
      %add3A_1498 = arith.constant 1 : i32
      %add3A_1499 = arith.addi %scan3A_326, %add3A_1498 : i32
      %lt3A = arith.constant 32 : i32
      %lt3A_1500 = arith.cmpi slt, %add3A_1499, %lt3A : i32
      %convert_element_type3A = arith.extui %lt3A_1500 : i1 to i32
      %cond3A = arith.constant 0 : i32
      %cond3A_1501 = arith.cmpi ne, %convert_element_type3A, %cond3A : i32
      scf.if %cond3A_1501 {
        %add3A_1591 = arith.constant 1 : i32
        %add3A_1592 = arith.addi %scan3A_326, %add3A_1591 : i32
        %mul3A_1593 = arith.constant 16 : i32
        %mul3A_1594 = arith.muli %add3A_1592, %mul3A_1593 : i32
        %get3A_1595 = arith.index_cast %mul3A_1594 : i32 to index
        %get3A_1596 = tpu.vector_load %arg7[%get3A_1595] {strides = array<i32>} : memref<512xi32, #tpu.memory_space<vmem>>, vector<16xi32>,
        %mul3A_1597 = arith.constant 16 : i32
        %mul3A_1598 = arith.muli %add3A_1592, %mul3A_1597 : i32
        %get3A_1599 = arith.index_cast %mul3A_1598 : i32 to index
        %get3A_1600 = tpu.vector_load %arg8[%get3A_1599] {strides = array<i32>} : memref<512xi32, #tpu.memory_space<vmem>>, vector<16xi32>,
        %slice3A_1601 = vector.extract_strided_slice %get3A_1596 {offsets = [0], sizes = [1], strides = [1]} : vector<16xi32> to vector<1xi32>
        %squeeze3A_1602 = vector.extract %slice3A_1601[0] : i32 from vector<1xi32>
        %shift_right_logical3A_1603 = arith.constant 7 : i32
        %shift_right_logical3A_1604 = arith.shrui %squeeze3A_1602, %shift_right_logical3A_1603 : i32
        %mul3A_1605 = arith.constant 128 : i32
        %mul3A_1606 = arith.muli %shift_right_logical3A_1604, %mul3A_1605 : i32
        %multiple_of3A_1607 = tpu.assume_multiple %mul3A_1606, 128 : i32
        %slice3A_1608 = vector.extract_strided_slice %get3A_1600 {offsets = [0], sizes = [1], strides = [1]} : vector<16xi32> to vector<1xi32>
        %squeeze3A_1609 = vector.extract %slice3A_1608[0] : i32 from vector<1xi32>
        %shift_right_logical3A_1610 = arith.constant 7 : i32
        %shift_right_logical3A_1611 = arith.shrui %squeeze3A_1609, %shift_right_logical3A_1610 : i32
        %mul3A_1612 = arith.constant 128 : i32
        %mul3A_1613 = arith.muli %shift_right_logical3A_1611, %mul3A_1612 : i32
        %multiple_of3A_1614 = tpu.assume_multiple %mul3A_1613, 128 : i32
        %dma_start3A_1615 = arith.constant 0 : i32
        %dma_start3A_1616 = arith.constant 0 : i32
        %dma_start3A_1617 = arith.constant 0 : i32
        %dma_start3A_1618 = tpu.memref_slice %arg9[%dma_start3A_1615, %dma_start3A_1616, %dma_start3A_1617] : memref<8x16x129xf32, #tpu.memory_space<vmem>> -> memref<1x16x128xf32, #tpu.memory_space<vmem>>
        %dma_start3A_1619 = tpu.memref_squeeze %dma_start3A_1618 : memref<1x16x128xf32, #tpu.memory_space<vmem>> -> memref<16x128xf32, #tpu.memory_space<vmem>>
        %dma_start3A_1620 = arith.constant 0 : i32
        %dma_start3A_1621 = tpu.memref_slice %arg4[%dma_start3A_1620, %multiple_of3A_1607] : memref<16x1000001xf32, #tpu.memory_space<hbm>> -> memref<16x128xf32, #tpu.memory_space<hbm>>
        %dma_start3A_1622 = arith.constant 0 : i32
        %dma_start3A_1623 = arith.constant 0 : i32
        %dma_start3A_1624 = tpu.memref_slice %arg9[%dma_start3A_1615, %dma_start3A_1622, %dma_start3A_1623] : memref<8x16x129xf32, #tpu.memory_space<vmem>> -> memref<1x16x128xf32, #tpu.memory_space<vmem>>
        %dma_start3A_1625 = tpu.memref_squeeze %dma_start3A_1624 : memref<1x16x128xf32, #tpu.memory_space<vmem>> -> memref<16x128xf32, #tpu.memory_space<vmem>>
        %dma_start3A_1626 = arith.constant 0 : i32
        %dma_start3A_1627 = tpu.memref_slice %arg4[%dma_start3A_1626, %multiple_of3A_1607] : memref<16x1000001xf32, #tpu.memory_space<hbm>> -> memref<16x128xf32, #tpu.memory_space<hbm>>
        tpu.enqueue_dma source(%dma_start3A_1627 : memref<16x128xf32, #tpu.memory_space<hbm>>) target(%dma_start3A_1625 : memref<16x128xf32, #tpu.memory_space<vmem>>) target_semaphore(%arg13 : memref<!tpu.dma_semaphore, #tpu.memory_space<semaphore_mem>>)
        %dma_start3A_1628 = arith.constant 0 : i32
        %dma_start3A_1629 = arith.constant 0 : i32
        %dma_start3A_1630 = arith.constant 0 : i32
        %dma_start3A_1631 = tpu.memref_slice %arg10[%dma_start3A_1628, %dma_start3A_1629, %dma_start3A_1630] : memref<8x16x129xf32, #tpu.memory_space<vmem>> -> memref<1x16x128xf32, #tpu.memory_space<vmem>>
        %dma_start3A_1632 = tpu.memref_squeeze %dma_start3A_1631 : memref<1x16x128xf32, #tpu.memory_space<vmem>> -> memref<16x128xf32, #tpu.memory_space<vmem>>
        %dma_start3A_1633 = arith.constant 0 : i32
        %dma_start3A_1634 = tpu.memref_slice %arg5[%dma_start3A_1633, %multiple_of3A_1614] : memref<16x1000001xf32, #tpu.memory_space<hbm>> -> memref<16x128xf32, #tpu.memory_space<hbm>>
        %dma_start3A_1635 = arith.constant 0 : i32
        %dma_start3A_1636 = arith.constant 0 : i32
        %dma_start3A_1637 = tpu.memref_slice %arg10[%dma_start3A_1628, %dma_start3A_1635, %dma_start3A_1636] : memref<8x16x129xf32, #tpu.memory_space<vmem>> -> memref<1x16x128xf32, #tpu.memory_space<vmem>>
        %dma_start3A_1638 = tpu.memref_squeeze %dma_start3A_1637 : memref<1x16x128xf32, #tpu.memory_space<vmem>> -> memref<16x128xf32, #tpu.memory_space<vmem>>
        %dma_start3A_1639 = arith.constant 0 : i32
        %dma_start3A_1640 = tpu.memref_slice %arg5[%dma_start3A_1639, %multiple_of3A_1614] : memref<16x1000001xf32, #tpu.memory_space<hbm>> -> memref<16x128xf32, #tpu.memory_space<hbm>>
        tpu.enqueue_dma source(%dma_start3A_1640 : memref<16x128xf32, #tpu.memory_space<hbm>>) target(%dma_start3A_1638 : memref<16x128xf32, #tpu.memory_space<vmem>>) target_semaphore(%arg14 : memref<!tpu.dma_semaphore, #tpu.memory_space<semaphore_mem>>)
        %slice3A_1641 = vector.extract_strided_slice %get3A_1596 {offsets = [1], sizes = [1], strides = [1]} : vector<16xi32> to vector<1xi32>
        %squeeze3A_1642 = vector.extract %slice3A_1641[0] : i32 from vector<1xi32>
        %shift_right_logical3A_1643 = arith.constant 7 : i32
        %shift_right_logical3A_1644 = arith.shrui %squeeze3A_1642, %shift_right_logical3A_1643 : i32
        %mul3A_1645 = arith.constant 128 : i32
        %mul3A_1646 = arith.muli %shift_right_logical3A_1644, %mul3A_1645 : i32
        %multiple_of3A_1647 = tpu.assume_multiple %mul3A_1646, 128 : i32
        %slice3A_1648 = vector.extract_strided_slice %get3A_1600 {offsets = [1], sizes = [1], strides = [1]} : vector<16xi32> to vector<1xi32>
        %squeeze3A_1649 = vector.extract %slice3A_1648[0] : i32 from vector<1xi32>
        %shift_right_logical3A_1650 = arith.constant 7 : i32
        %shift_right_logical3A_1651 = arith.shrui %squeeze3A_1649, %shift_right_logical3A_1650 : i32
        %mul3A_1652 = arith.constant 128 : i32
        %mul3A_1653 = arith.muli %shift_right_logical3A_1651, %mul3A_1652 : i32
        %multiple_of3A_1654 = tpu.assume_multiple %mul3A_1653, 128 : i32
        %dma_start3A_1655 = arith.constant 1 : i32
        %dma_start3A_1656 = arith.constant 0 : i32
        %dma_start3A_1657 = arith.constant 0 : i32
        %dma_start3A_1658 = tpu.memref_slice %arg9[%dma_start3A_1655, %dma_start3A_1656, %dma_start3A_1657] : memref<8x16x129xf32, #tpu.memory_space<vmem>> -> memref<1x16x128xf32, #tpu.memory_space<vmem>>
        %dma_start3A_1659 = tpu.memref_squeeze %dma_start3A_1658 : memref<1x16x128xf32, #tpu.memory_space<vmem>> -> memref<16x128xf32, #tpu.memory_space<vmem>>
        %dma_start3A_1660 = arith.constant 0 : i32
        %dma_start3A_1661 = tpu.memref_slice %arg4[%dma_start3A_1660, %multiple_of3A_1647] : memref<16x1000001xf32, #tpu.memory_space<hbm>> -> memref<16x128xf32, #tpu.memory_space<hbm>>
        %dma_start3A_1662 = arith.constant 0 : i32
        %dma_start3A_1663 = arith.constant 0 : i32
        %dma_start3A_1664 = tpu.memref_slice %arg9[%dma_start3A_1655, %dma_start3A_1662, %dma_start3A_1663] : memref<8x16x129xf32, #tpu.memory_space<vmem>> -> memref<1x16x128xf32, #tpu.memory_space<vmem>>
        %dma_start3A_1665 = tpu.memref_squeeze %dma_start3A_1664 : memref<1x16x128xf32, #tpu.memory_space<vmem>> -> memref<16x128xf32, #tpu.memory_space<vmem>>
        %dma_start3A_1666 = arith.constant 0 : i32
        %dma_start3A_1667 = tpu.memref_slice %arg4[%dma_start3A_1666, %multiple_of3A_1647] : memref<16x1000001xf32, #tpu.memory_space<hbm>> -> memref<16x128xf32, #tpu.memory_space<hbm>>
        tpu.enqueue_dma source(%dma_start3A_1667 : memref<16x128xf32, #tpu.memory_space<hbm>>) target(%dma_start3A_1665 : memref<16x128xf32, #tpu.memory_space<vmem>>) target_semaphore(%arg13 : memref<!tpu.dma_semaphore, #tpu.memory_space<semaphore_mem>>)
        %dma_start3A_1668 = arith.constant 1 : i32
        %dma_start3A_1669 = arith.constant 0 : i32
        %dma_start3A_1670 = arith.constant 0 : i32
        %dma_start3A_1671 = tpu.memref_slice %arg10[%dma_start3A_1668, %dma_start3A_1669, %dma_start3A_1670] : memref<8x16x129xf32, #tpu.memory_space<vmem>> -> memref<1x16x128xf32, #tpu.memory_space<vmem>>
        %dma_start3A_1672 = tpu.memref_squeeze %dma_start3A_1671 : memref<1x16x128xf32, #tpu.memory_space<vmem>> -> memref<16x128xf32, #tpu.memory_space<vmem>>
        %dma_start3A_1673 = arith.constant 0 : i32
        %dma_start3A_1674 = tpu.memref_slice %arg5[%dma_start3A_1673, %multiple_of3A_1654] : memref<16x1000001xf32, #tpu.memory_space<hbm>> -> memref<16x128xf32, #tpu.memory_space<hbm>>
        %dma_start3A_1675 = arith.constant 0 : i32
        %dma_start3A_1676 = arith.constant 0 : i32
        %dma_start3A_1677 = tpu.memref_slice %arg10[%dma_start3A_1668, %dma_start3A_1675, %dma_start3A_1676] : memref<8x16x129xf32, #tpu.memory_space<vmem>> -> memref<1x16x128xf32, #tpu.memory_space<vmem>>
        %dma_start3A_1678 = tpu.memref_squeeze %dma_start3A_1677 : memref<1x16x128xf32, #tpu.memory_space<vmem>> -> memref<16x128xf32, #tpu.memory_space<vmem>>
        %dma_start3A_1679 = arith.constant 0 : i32
        %dma_start3A_1680 = tpu.memref_slice %arg5[%dma_start3A_1679, %multiple_of3A_1654] : memref<16x1000001xf32, #tpu.memory_space<hbm>> -> memref<16x128xf32, #tpu.memory_space<hbm>>
        tpu.enqueue_dma source(%dma_start3A_1680 : memref<16x128xf32, #tpu.memory_space<hbm>>) target(%dma_start3A_1678 : memref<16x128xf32, #tpu.memory_space<vmem>>) target_semaphore(%arg14 : memref<!tpu.dma_semaphore, #tpu.memory_space<semaphore_mem>>)
        %slice3A_1681 = vector.extract_strided_slice %get3A_1596 {offsets = [2], sizes = [1], strides = [1]} : vector<16xi32> to vector<1xi32>
        %squeeze3A_1682 = vector.extract %slice3A_1681[0] : i32 from vector<1xi32>
        %shift_right_logical3A_1683 = arith.constant 7 : i32
        %shift_right_logical3A_1684 = arith.shrui %squeeze3A_1682, %shift_right_logical3A_1683 : i32
        %mul3A_1685 = arith.constant 128 : i32
        %mul3A_1686 = arith.muli %shift_right_logical3A_1684, %mul3A_1685 : i32
        %multiple_of3A_1687 = tpu.assume_multiple %mul3A_1686, 128 : i32
        %slice3A_1688 = vector.extract_strided_slice %get3A_1600 {offsets = [2], sizes = [1], strides = [1]} : vector<16xi32> to vector<1xi32>
        %squeeze3A_1689 = vector.extract %slice3A_1688[0] : i32 from vector<1xi32>
        %shift_right_logical3A_1690 = arith.constant 7 : i32
        %shift_right_logical3A_1691 = arith.shrui %squeeze3A_1689, %shift_right_logical3A_1690 : i32
        %mul3A_1692 = arith.constant 128 : i32
        %mul3A_1693 = arith.muli %shift_right_logical3A_1691, %mul3A_1692 : i32
        %multiple_of3A_1694 = tpu.assume_multiple %mul3A_1693, 128 : i32
        %dma_start3A_1695 = arith.constant 2 : i32
        %dma_start3A_1696 = arith.constant 0 : i32
        %dma_start3A_1697 = arith.constant 0 : i32
        %dma_start3A_1698 = tpu.memref_slice %arg9[%dma_start3A_1695, %dma_start3A_1696, %dma_start3A_1697] : memref<8x16x129xf32, #tpu.memory_space<vmem>> -> memref<1x16x128xf32, #tpu.memory_space<vmem>>
        %dma_start3A_1699 = tpu.memref_squeeze %dma_start3A_1698 : memref<1x16x128xf32, #tpu.memory_space<vmem>> -> memref<16x128xf32, #tpu.memory_space<vmem>>
        %dma_start3A_1700 = arith.constant 0 : i32
        %dma_start3A_1701 = tpu.memref_slice %arg4[%dma_start3A_1700, %multiple_of3A_1687] : memref<16x1000001xf32, #tpu.memory_space<hbm>> -> memref<16x128xf32, #tpu.memory_space<hbm>>
        %dma_start3A_1702 = arith.constant 0 : i32
        %dma_start3A_1703 = arith.constant 0 : i32
        %dma_start3A_1704 = tpu.memref_slice %arg9[%dma_start3A_1695, %dma_start3A_1702, %dma_start3A_1703] : memref<8x16x129xf32, #tpu.memory_space<vmem>> -> memref<1x16x128xf32, #tpu.memory_space<vmem>>
        %dma_start3A_1705 = tpu.memref_squeeze %dma_start3A_1704 : memref<1x16x128xf32, #tpu.memory_space<vmem>> -> memref<16x128xf32, #tpu.memory_space<vmem>>
        %dma_start3A_1706 = arith.constant 0 : i32
        %dma_start3A_1707 = tpu.memref_slice %arg4[%dma_start3A_1706, %multiple_of3A_1687] : memref<16x1000001xf32, #tpu.memory_space<hbm>> -> memref<16x128xf32, #tpu.memory_space<hbm>>
        tpu.enqueue_dma source(%dma_start3A_1707 : memref<16x128xf32, #tpu.memory_space<hbm>>) target(%dma_start3A_1705 : memref<16x128xf32, #tpu.memory_space<vmem>>) target_semaphore(%arg13 : memref<!tpu.dma_semaphore, #tpu.memory_space<semaphore_mem>>)
        %dma_start3A_1708 = arith.constant 2 : i32
        %dma_start3A_1709 = arith.constant 0 : i32
        %dma_start3A_1710 = arith.constant 0 : i32
        %dma_start3A_1711 = tpu.memref_slice %arg10[%dma_start3A_1708, %dma_start3A_1709, %dma_start3A_1710] : memref<8x16x129xf32, #tpu.memory_space<vmem>> -> memref<1x16x128xf32, #tpu.memory_space<vmem>>
        %dma_start3A_1712 = tpu.memref_squeeze %dma_start3A_1711 : memref<1x16x128xf32, #tpu.memory_space<vmem>> -> memref<16x128xf32, #tpu.memory_space<vmem>>
        %dma_start3A_1713 = arith.constant 0 : i32
        %dma_start3A_1714 = tpu.memref_slice %arg5[%dma_start3A_1713, %multiple_of3A_1694] : memref<16x1000001xf32, #tpu.memory_space<hbm>> -> memref<16x128xf32, #tpu.memory_space<hbm>>
        %dma_start3A_1715 = arith.constant 0 : i32
        %dma_start3A_1716 = arith.constant 0 : i32
        %dma_start3A_1717 = tpu.memref_slice %arg10[%dma_start3A_1708, %dma_start3A_1715, %dma_start3A_1716] : memref<8x16x129xf32, #tpu.memory_space<vmem>> -> memref<1x16x128xf32, #tpu.memory_space<vmem>>
        %dma_start3A_1718 = tpu.memref_squeeze %dma_start3A_1717 : memref<1x16x128xf32, #tpu.memory_space<vmem>> -> memref<16x128xf32, #tpu.memory_space<vmem>>
        %dma_start3A_1719 = arith.constant 0 : i32
        %dma_start3A_1720 = tpu.memref_slice %arg5[%dma_start3A_1719, %multiple_of3A_1694] : memref<16x1000001xf32, #tpu.memory_space<hbm>> -> memref<16x128xf32, #tpu.memory_space<hbm>>
        tpu.enqueue_dma source(%dma_start3A_1720 : memref<16x128xf32, #tpu.memory_space<hbm>>) target(%dma_start3A_1718 : memref<16x128xf32, #tpu.memory_space<vmem>>) target_semaphore(%arg14 : memref<!tpu.dma_semaphore, #tpu.memory_space<semaphore_mem>>)
        %slice3A_1721 = vector.extract_strided_slice %get3A_1596 {offsets = [3], sizes = [1], strides = [1]} : vector<16xi32> to vector<1xi32>
        %squeeze3A_1722 = vector.extract %slice3A_1721[0] : i32 from vector<1xi32>
        %shift_right_logical3A_1723 = arith.constant 7 : i32
        %shift_right_logical3A_1724 = arith.shrui %squeeze3A_1722, %shift_right_logical3A_1723 : i32
        %mul3A_1725 = arith.constant 128 : i32
        %mul3A_1726 = arith.muli %shift_right_logical3A_1724, %mul3A_1725 : i32
        %multiple_of3A_1727 = tpu.assume_multiple %mul3A_1726, 128 : i32
        %slice3A_1728 = vector.extract_strided_slice %get3A_1600 {offsets = [3], sizes = [1], strides = [1]} : vector<16xi32> to vector<1xi32>
        %squeeze3A_1729 = vector.extract %slice3A_1728[0] : i32 from vector<1xi32>
        %shift_right_logical3A_1730 = arith.constant 7 : i32
        %shift_right_logical3A_1731 = arith.shrui %squeeze3A_1729, %shift_right_logical3A_1730 : i32
        %mul3A_1732 = arith.constant 128 : i32
        %mul3A_1733 = arith.muli %shift_right_logical3A_1731, %mul3A_1732 : i32
        %multiple_of3A_1734 = tpu.assume_multiple %mul3A_1733, 128 : i32
        %dma_start3A_1735 = arith.constant 3 : i32
        %dma_start3A_1736 = arith.constant 0 : i32
        %dma_start3A_1737 = arith.constant 0 : i32
        %dma_start3A_1738 = tpu.memref_slice %arg9[%dma_start3A_1735, %dma_start3A_1736, %dma_start3A_1737] : memref<8x16x129xf32, #tpu.memory_space<vmem>> -> memref<1x16x128xf32, #tpu.memory_space<vmem>>
        %dma_start3A_1739 = tpu.memref_squeeze %dma_start3A_1738 : memref<1x16x128xf32, #tpu.memory_space<vmem>> -> memref<16x128xf32, #tpu.memory_space<vmem>>
        %dma_start3A_1740 = arith.constant 0 : i32
        %dma_start3A_1741 = tpu.memref_slice %arg4[%dma_start3A_1740, %multiple_of3A_1727] : memref<16x1000001xf32, #tpu.memory_space<hbm>> -> memref<16x128xf32, #tpu.memory_space<hbm>>
        %dma_start3A_1742 = arith.constant 0 : i32
        %dma_start3A_1743 = arith.constant 0 : i32
        %dma_start3A_1744 = tpu.memref_slice %arg9[%dma_start3A_1735, %dma_start3A_1742, %dma_start3A_1743] : memref<8x16x129xf32, #tpu.memory_space<vmem>> -> memref<1x16x128xf32, #tpu.memory_space<vmem>>
        %dma_start3A_1745 = tpu.memref_squeeze %dma_start3A_1744 : memref<1x16x128xf32, #tpu.memory_space<vmem>> -> memref<16x128xf32, #tpu.memory_space<vmem>>
        %dma_start3A_1746 = arith.constant 0 : i32
        %dma_start3A_1747 = tpu.memref_slice %arg4[%dma_start3A_1746, %multiple_of3A_1727] : memref<16x1000001xf32, #tpu.memory_space<hbm>> -> memref<16x128xf32, #tpu.memory_space<hbm>>
        tpu.enqueue_dma source(%dma_start3A_1747 : memref<16x128xf32, #tpu.memory_space<hbm>>) target(%dma_start3A_1745 : memref<16x128xf32, #tpu.memory_space<vmem>>) target_semaphore(%arg13 : memref<!tpu.dma_semaphore, #tpu.memory_space<semaphore_mem>>)
        %dma_start3A_1748 = arith.constant 3 : i32
        %dma_start3A_1749 = arith.constant 0 : i32
        %dma_start3A_1750 = arith.constant 0 : i32
        %dma_start3A_1751 = tpu.memref_slice %arg10[%dma_start3A_1748, %dma_start3A_1749, %dma_start3A_1750] : memref<8x16x129xf32, #tpu.memory_space<vmem>> -> memref<1x16x128xf32, #tpu.memory_space<vmem>>
        %dma_start3A_1752 = tpu.memref_squeeze %dma_start3A_1751 : memref<1x16x128xf32, #tpu.memory_space<vmem>> -> memref<16x128xf32, #tpu.memory_space<vmem>>
        %dma_start3A_1753 = arith.constant 0 : i32
        %dma_start3A_1754 = tpu.memref_slice %arg5[%dma_start3A_1753, %multiple_of3A_1734] : memref<16x1000001xf32, #tpu.memory_space<hbm>> -> memref<16x128xf32, #tpu.memory_space<hbm>>
        %dma_start3A_1755 = arith.constant 0 : i32
        %dma_start3A_1756 = arith.constant 0 : i32
        %dma_start3A_1757 = tpu.memref_slice %arg10[%dma_start3A_1748, %dma_start3A_1755, %dma_start3A_1756] : memref<8x16x129xf32, #tpu.memory_space<vmem>> -> memref<1x16x128xf32, #tpu.memory_space<vmem>>
        %dma_start3A_1758 = tpu.memref_squeeze %dma_start3A_1757 : memref<1x16x128xf32, #tpu.memory_space<vmem>> -> memref<16x128xf32, #tpu.memory_space<vmem>>
        %dma_start3A_1759 = arith.constant 0 : i32
        %dma_start3A_1760 = tpu.memref_slice %arg5[%dma_start3A_1759, %multiple_of3A_1734] : memref<16x1000001xf32, #tpu.memory_space<hbm>> -> memref<16x128xf32, #tpu.memory_space<hbm>>
        tpu.enqueue_dma source(%dma_start3A_1760 : memref<16x128xf32, #tpu.memory_space<hbm>>) target(%dma_start3A_1758 : memref<16x128xf32, #tpu.memory_space<vmem>>) target_semaphore(%arg14 : memref<!tpu.dma_semaphore, #tpu.memory_space<semaphore_mem>>)
        %slice3A_1761 = vector.extract_strided_slice %get3A_1596 {offsets = [4], sizes = [1], strides = [1]} : vector<16xi32> to vector<1xi32>
        %squeeze3A_1762 = vector.extract %slice3A_1761[0] : i32 from vector<1xi32>
        %shift_right_logical3A_1763 = arith.constant 7 : i32
        %shift_right_logical3A_1764 = arith.shrui %squeeze3A_1762, %shift_right_logical3A_1763 : i32
        %mul3A_1765 = arith.constant 128 : i32
        %mul3A_1766 = arith.muli %shift_right_logical3A_1764, %mul3A_1765 : i32
        %multiple_of3A_1767 = tpu.assume_multiple %mul3A_1766, 128 : i32
        %slice3A_1768 = vector.extract_strided_slice %get3A_1600 {offsets = [4], sizes = [1], strides = [1]} : vector<16xi32> to vector<1xi32>
        %squeeze3A_1769 = vector.extract %slice3A_1768[0] : i32 from vector<1xi32>
        %shift_right_logical3A_1770 = arith.constant 7 : i32
        %shift_right_logical3A_1771 = arith.shrui %squeeze3A_1769, %shift_right_logical3A_1770 : i32
        %mul3A_1772 = arith.constant 128 : i32
        %mul3A_1773 = arith.muli %shift_right_logical3A_1771, %mul3A_1772 : i32
        %multiple_of3A_1774 = tpu.assume_multiple %mul3A_1773, 128 : i32
        %dma_start3A_1775 = arith.constant 4 : i32
        %dma_start3A_1776 = arith.constant 0 : i32
        %dma_start3A_1777 = arith.constant 0 : i32
        %dma_start3A_1778 = tpu.memref_slice %arg9[%dma_start3A_1775, %dma_start3A_1776, %dma_start3A_1777] : memref<8x16x129xf32, #tpu.memory_space<vmem>> -> memref<1x16x128xf32, #tpu.memory_space<vmem>>
        %dma_start3A_1779 = tpu.memref_squeeze %dma_start3A_1778 : memref<1x16x128xf32, #tpu.memory_space<vmem>> -> memref<16x128xf32, #tpu.memory_space<vmem>>
        %dma_start3A_1780 = arith.constant 0 : i32
        %dma_start3A_1781 = tpu.memref_slice %arg4[%dma_start3A_1780, %multiple_of3A_1767] : memref<16x1000001xf32, #tpu.memory_space<hbm>> -> memref<16x128xf32, #tpu.memory_space<hbm>>
        %dma_start3A_1782 = arith.constant 0 : i32
        %dma_start3A_1783 = arith.constant 0 : i32
        %dma_start3A_1784 = tpu.memref_slice %arg9[%dma_start3A_1775, %dma_start3A_1782, %dma_start3A_1783] : memref<8x16x129xf32, #tpu.memory_space<vmem>> -> memref<1x16x128xf32, #tpu.memory_space<vmem>>
        %dma_start3A_1785 = tpu.memref_squeeze %dma_start3A_1784 : memref<1x16x128xf32, #tpu.memory_space<vmem>> -> memref<16x128xf32, #tpu.memory_space<vmem>>
        %dma_start3A_1786 = arith.constant 0 : i32
        %dma_start3A_1787 = tpu.memref_slice %arg4[%dma_start3A_1786, %multiple_of3A_1767] : memref<16x1000001xf32, #tpu.memory_space<hbm>> -> memref<16x128xf32, #tpu.memory_space<hbm>>
        tpu.enqueue_dma source(%dma_start3A_1787 : memref<16x128xf32, #tpu.memory_space<hbm>>) target(%dma_start3A_1785 : memref<16x128xf32, #tpu.memory_space<vmem>>) target_semaphore(%arg13 : memref<!tpu.dma_semaphore, #tpu.memory_space<semaphore_mem>>)
        %dma_start3A_1788 = arith.constant 4 : i32
        %dma_start3A_1789 = arith.constant 0 : i32
        %dma_start3A_1790 = arith.constant 0 : i32
        %dma_start3A_1791 = tpu.memref_slice %arg10[%dma_start3A_1788, %dma_start3A_1789, %dma_start3A_1790] : memref<8x16x129xf32, #tpu.memory_space<vmem>> -> memref<1x16x128xf32, #tpu.memory_space<vmem>>
        %dma_start3A_1792 = tpu.memref_squeeze %dma_start3A_1791 : memref<1x16x128xf32, #tpu.memory_space<vmem>> -> memref<16x128xf32, #tpu.memory_space<vmem>>
        %dma_start3A_1793 = arith.constant 0 : i32
        %dma_start3A_1794 = tpu.memref_slice %arg5[%dma_start3A_1793, %multiple_of3A_1774] : memref<16x1000001xf32, #tpu.memory_space<hbm>> -> memref<16x128xf32, #tpu.memory_space<hbm>>
        %dma_start3A_1795 = arith.constant 0 : i32
        %dma_start3A_1796 = arith.constant 0 : i32
        %dma_start3A_1797 = tpu.memref_slice %arg10[%dma_start3A_1788, %dma_start3A_1795, %dma_start3A_1796] : memref<8x16x129xf32, #tpu.memory_space<vmem>> -> memref<1x16x128xf32, #tpu.memory_space<vmem>>
        %dma_start3A_1798 = tpu.memref_squeeze %dma_start3A_1797 : memref<1x16x128xf32, #tpu.memory_space<vmem>> -> memref<16x128xf32, #tpu.memory_space<vmem>>
        %dma_start3A_1799 = arith.constant 0 : i32
        %dma_start3A_1800 = tpu.memref_slice %arg5[%dma_start3A_1799, %multiple_of3A_1774] : memref<16x1000001xf32, #tpu.memory_space<hbm>> -> memref<16x128xf32, #tpu.memory_space<hbm>>
        tpu.enqueue_dma source(%dma_start3A_1800 : memref<16x128xf32, #tpu.memory_space<hbm>>) target(%dma_start3A_1798 : memref<16x128xf32, #tpu.memory_space<vmem>>) target_semaphore(%arg14 : memref<!tpu.dma_semaphore, #tpu.memory_space<semaphore_mem>>)
        %slice3A_1801 = vector.extract_strided_slice %get3A_1596 {offsets = [5], sizes = [1], strides = [1]} : vector<16xi32> to vector<1xi32>
        %squeeze3A_1802 = vector.extract %slice3A_1801[0] : i32 from vector<1xi32>
        %shift_right_logical3A_1803 = arith.constant 7 : i32
        %shift_right_logical3A_1804 = arith.shrui %squeeze3A_1802, %shift_right_logical3A_1803 : i32
        %mul3A_1805 = arith.constant 128 : i32
        %mul3A_1806 = arith.muli %shift_right_logical3A_1804, %mul3A_1805 : i32
        %multiple_of3A_1807 = tpu.assume_multiple %mul3A_1806, 128 : i32
        %slice3A_1808 = vector.extract_strided_slice %get3A_1600 {offsets = [5], sizes = [1], strides = [1]} : vector<16xi32> to vector<1xi32>
        %squeeze3A_1809 = vector.extract %slice3A_1808[0] : i32 from vector<1xi32>
        %shift_right_logical3A_1810 = arith.constant 7 : i32
        %shift_right_logical3A_1811 = arith.shrui %squeeze3A_1809, %shift_right_logical3A_1810 : i32
        %mul3A_1812 = arith.constant 128 : i32
        %mul3A_1813 = arith.muli %shift_right_logical3A_1811, %mul3A_1812 : i32
        %multiple_of3A_1814 = tpu.assume_multiple %mul3A_1813, 128 : i32
        %dma_start3A_1815 = arith.constant 5 : i32
        %dma_start3A_1816 = arith.constant 0 : i32
        %dma_start3A_1817 = arith.constant 0 : i32
        %dma_start3A_1818 = tpu.memref_slice %arg9[%dma_start3A_1815, %dma_start3A_1816, %dma_start3A_1817] : memref<8x16x129xf32, #tpu.memory_space<vmem>> -> memref<1x16x128xf32, #tpu.memory_space<vmem>>
        %dma_start3A_1819 = tpu.memref_squeeze %dma_start3A_1818 : memref<1x16x128xf32, #tpu.memory_space<vmem>> -> memref<16x128xf32, #tpu.memory_space<vmem>>
        %dma_start3A_1820 = arith.constant 0 : i32
        %dma_start3A_1821 = tpu.memref_slice %arg4[%dma_start3A_1820, %multiple_of3A_1807] : memref<16x1000001xf32, #tpu.memory_space<hbm>> -> memref<16x128xf32, #tpu.memory_space<hbm>>
        %dma_start3A_1822 = arith.constant 0 : i32
        %dma_start3A_1823 = arith.constant 0 : i32
        %dma_start3A_1824 = tpu.memref_slice %arg9[%dma_start3A_1815, %dma_start3A_1822, %dma_start3A_1823] : memref<8x16x129xf32, #tpu.memory_space<vmem>> -> memref<1x16x128xf32, #tpu.memory_space<vmem>>
        %dma_start3A_1825 = tpu.memref_squeeze %dma_start3A_1824 : memref<1x16x128xf32, #tpu.memory_space<vmem>> -> memref<16x128xf32, #tpu.memory_space<vmem>>
        %dma_start3A_1826 = arith.constant 0 : i32
        %dma_start3A_1827 = tpu.memref_slice %arg4[%dma_start3A_1826, %multiple_of3A_1807] : memref<16x1000001xf32, #tpu.memory_space<hbm>> -> memref<16x128xf32, #tpu.memory_space<hbm>>
        tpu.enqueue_dma source(%dma_start3A_1827 : memref<16x128xf32, #tpu.memory_space<hbm>>) target(%dma_start3A_1825 : memref<16x128xf32, #tpu.memory_space<vmem>>) target_semaphore(%arg13 : memref<!tpu.dma_semaphore, #tpu.memory_space<semaphore_mem>>)
        %dma_start3A_1828 = arith.constant 5 : i32
        %dma_start3A_1829 = arith.constant 0 : i32
        %dma_start3A_1830 = arith.constant 0 : i32
        %dma_start3A_1831 = tpu.memref_slice %arg10[%dma_start3A_1828, %dma_start3A_1829, %dma_start3A_1830] : memref<8x16x129xf32, #tpu.memory_space<vmem>> -> memref<1x16x128xf32, #tpu.memory_space<vmem>>
        %dma_start3A_1832 = tpu.memref_squeeze %dma_start3A_1831 : memref<1x16x128xf32, #tpu.memory_space<vmem>> -> memref<16x128xf32, #tpu.memory_space<vmem>>
        %dma_start3A_1833 = arith.constant 0 : i32
        %dma_start3A_1834 = tpu.memref_slice %arg5[%dma_start3A_1833, %multiple_of3A_1814] : memref<16x1000001xf32, #tpu.memory_space<hbm>> -> memref<16x128xf32, #tpu.memory_space<hbm>>
        %dma_start3A_1835 = arith.constant 0 : i32
        %dma_start3A_1836 = arith.constant 0 : i32
        %dma_start3A_1837 = tpu.memref_slice %arg10[%dma_start3A_1828, %dma_start3A_1835, %dma_start3A_1836] : memref<8x16x129xf32, #tpu.memory_space<vmem>> -> memref<1x16x128xf32, #tpu.memory_space<vmem>>
        %dma_start3A_1838 = tpu.memref_squeeze %dma_start3A_1837 : memref<1x16x128xf32, #tpu.memory_space<vmem>> -> memref<16x128xf32, #tpu.memory_space<vmem>>
        %dma_start3A_1839 = arith.constant 0 : i32
        %dma_start3A_1840 = tpu.memref_slice %arg5[%dma_start3A_1839, %multiple_of3A_1814] : memref<16x1000001xf32, #tpu.memory_space<hbm>> -> memref<16x128xf32, #tpu.memory_space<hbm>>
        tpu.enqueue_dma source(%dma_start3A_1840 : memref<16x128xf32, #tpu.memory_space<hbm>>) target(%dma_start3A_1838 : memref<16x128xf32, #tpu.memory_space<vmem>>) target_semaphore(%arg14 : memref<!tpu.dma_semaphore, #tpu.memory_space<semaphore_mem>>)
        %slice3A_1841 = vector.extract_strided_slice %get3A_1596 {offsets = [6], sizes = [1], strides = [1]} : vector<16xi32> to vector<1xi32>
        %squeeze3A_1842 = vector.extract %slice3A_1841[0] : i32 from vector<1xi32>
        %shift_right_logical3A_1843 = arith.constant 7 : i32
        %shift_right_logical3A_1844 = arith.shrui %squeeze3A_1842, %shift_right_logical3A_1843 : i32
        %mul3A_1845 = arith.constant 128 : i32
        %mul3A_1846 = arith.muli %shift_right_logical3A_1844, %mul3A_1845 : i32
        %multiple_of3A_1847 = tpu.assume_multiple %mul3A_1846, 128 : i32
        %slice3A_1848 = vector.extract_strided_slice %get3A_1600 {offsets = [6], sizes = [1], strides = [1]} : vector<16xi32> to vector<1xi32>
        %squeeze3A_1849 = vector.extract %slice3A_1848[0] : i32 from vector<1xi32>
        %shift_right_logical3A_1850 = arith.constant 7 : i32
        %shift_right_logical3A_1851 = arith.shrui %squeeze3A_1849, %shift_right_logical3A_1850 : i32
        %mul3A_1852 = arith.constant 128 : i32
        %mul3A_1853 = arith.muli %shift_right_logical3A_1851, %mul3A_1852 : i32
        %multiple_of3A_1854 = tpu.assume_multiple %mul3A_1853, 128 : i32
        %dma_start3A_1855 = arith.constant 6 : i32
        %dma_start3A_1856 = arith.constant 0 : i32
        %dma_start3A_1857 = arith.constant 0 : i32
        %dma_start3A_1858 = tpu.memref_slice %arg9[%dma_start3A_1855, %dma_start3A_1856, %dma_start3A_1857] : memref<8x16x129xf32, #tpu.memory_space<vmem>> -> memref<1x16x128xf32, #tpu.memory_space<vmem>>
        %dma_start3A_1859 = tpu.memref_squeeze %dma_start3A_1858 : memref<1x16x128xf32, #tpu.memory_space<vmem>> -> memref<16x128xf32, #tpu.memory_space<vmem>>
        %dma_start3A_1860 = arith.constant 0 : i32
        %dma_start3A_1861 = tpu.memref_slice %arg4[%dma_start3A_1860, %multiple_of3A_1847] : memref<16x1000001xf32, #tpu.memory_space<hbm>> -> memref<16x128xf32, #tpu.memory_space<hbm>>
        %dma_start3A_1862 = arith.constant 0 : i32
        %dma_start3A_1863 = arith.constant 0 : i32
        %dma_start3A_1864 = tpu.memref_slice %arg9[%dma_start3A_1855, %dma_start3A_1862, %dma_start3A_1863] : memref<8x16x129xf32, #tpu.memory_space<vmem>> -> memref<1x16x128xf32, #tpu.memory_space<vmem>>
        %dma_start3A_1865 = tpu.memref_squeeze %dma_start3A_1864 : memref<1x16x128xf32, #tpu.memory_space<vmem>> -> memref<16x128xf32, #tpu.memory_space<vmem>>
        %dma_start3A_1866 = arith.constant 0 : i32
        %dma_start3A_1867 = tpu.memref_slice %arg4[%dma_start3A_1866, %multiple_of3A_1847] : memref<16x1000001xf32, #tpu.memory_space<hbm>> -> memref<16x128xf32, #tpu.memory_space<hbm>>
        tpu.enqueue_dma source(%dma_start3A_1867 : memref<16x128xf32, #tpu.memory_space<hbm>>) target(%dma_start3A_1865 : memref<16x128xf32, #tpu.memory_space<vmem>>) target_semaphore(%arg13 : memref<!tpu.dma_semaphore, #tpu.memory_space<semaphore_mem>>)
        %dma_start3A_1868 = arith.constant 6 : i32
        %dma_start3A_1869 = arith.constant 0 : i32
        %dma_start3A_1870 = arith.constant 0 : i32
        %dma_start3A_1871 = tpu.memref_slice %arg10[%dma_start3A_1868, %dma_start3A_1869, %dma_start3A_1870] : memref<8x16x129xf32, #tpu.memory_space<vmem>> -> memref<1x16x128xf32, #tpu.memory_space<vmem>>
        %dma_start3A_1872 = tpu.memref_squeeze %dma_start3A_1871 : memref<1x16x128xf32, #tpu.memory_space<vmem>> -> memref<16x128xf32, #tpu.memory_space<vmem>>
        %dma_start3A_1873 = arith.constant 0 : i32
        %dma_start3A_1874 = tpu.memref_slice %arg5[%dma_start3A_1873, %multiple_of3A_1854] : memref<16x1000001xf32, #tpu.memory_space<hbm>> -> memref<16x128xf32, #tpu.memory_space<hbm>>
        %dma_start3A_1875 = arith.constant 0 : i32
        %dma_start3A_1876 = arith.constant 0 : i32
        %dma_start3A_1877 = tpu.memref_slice %arg10[%dma_start3A_1868, %dma_start3A_1875, %dma_start3A_1876] : memref<8x16x129xf32, #tpu.memory_space<vmem>> -> memref<1x16x128xf32, #tpu.memory_space<vmem>>
        %dma_start3A_1878 = tpu.memref_squeeze %dma_start3A_1877 : memref<1x16x128xf32, #tpu.memory_space<vmem>> -> memref<16x128xf32, #tpu.memory_space<vmem>>
        %dma_start3A_1879 = arith.constant 0 : i32
        %dma_start3A_1880 = tpu.memref_slice %arg5[%dma_start3A_1879, %multiple_of3A_1854] : memref<16x1000001xf32, #tpu.memory_space<hbm>> -> memref<16x128xf32, #tpu.memory_space<hbm>>
        tpu.enqueue_dma source(%dma_start3A_1880 : memref<16x128xf32, #tpu.memory_space<hbm>>) target(%dma_start3A_1878 : memref<16x128xf32, #tpu.memory_space<vmem>>) target_semaphore(%arg14 : memref<!tpu.dma_semaphore, #tpu.memory_space<semaphore_mem>>)
        %slice3A_1881 = vector.extract_strided_slice %get3A_1596 {offsets = [7], sizes = [1], strides = [1]} : vector<16xi32> to vector<1xi32>
        %squeeze3A_1882 = vector.extract %slice3A_1881[0] : i32 from vector<1xi32>
        %shift_right_logical3A_1883 = arith.constant 7 : i32
        %shift_right_logical3A_1884 = arith.shrui %squeeze3A_1882, %shift_right_logical3A_1883 : i32
        %mul3A_1885 = arith.constant 128 : i32
        %mul3A_1886 = arith.muli %shift_right_logical3A_1884, %mul3A_1885 : i32
        %multiple_of3A_1887 = tpu.assume_multiple %mul3A_1886, 128 : i32
        %slice3A_1888 = vector.extract_strided_slice %get3A_1600 {offsets = [7], sizes = [1], strides = [1]} : vector<16xi32> to vector<1xi32>
        %squeeze3A_1889 = vector.extract %slice3A_1888[0] : i32 from vector<1xi32>
        %shift_right_logical3A_1890 = arith.constant 7 : i32
        %shift_right_logical3A_1891 = arith.shrui %squeeze3A_1889, %shift_right_logical3A_1890 : i32
        %mul3A_1892 = arith.constant 128 : i32
        %mul3A_1893 = arith.muli %shift_right_logical3A_1891, %mul3A_1892 : i32
        %multiple_of3A_1894 = tpu.assume_multiple %mul3A_1893, 128 : i32
        %dma_start3A_1895 = arith.constant 7 : i32
        %dma_start3A_1896 = arith.constant 0 : i32
        %dma_start3A_1897 = arith.constant 0 : i32
        %dma_start3A_1898 = tpu.memref_slice %arg9[%dma_start3A_1895, %dma_start3A_1896, %dma_start3A_1897] : memref<8x16x129xf32, #tpu.memory_space<vmem>> -> memref<1x16x128xf32, #tpu.memory_space<vmem>>
        %dma_start3A_1899 = tpu.memref_squeeze %dma_start3A_1898 : memref<1x16x128xf32, #tpu.memory_space<vmem>> -> memref<16x128xf32, #tpu.memory_space<vmem>>
        %dma_start3A_1900 = arith.constant 0 : i32
        %dma_start3A_1901 = tpu.memref_slice %arg4[%dma_start3A_1900, %multiple_of3A_1887] : memref<16x1000001xf32, #tpu.memory_space<hbm>> -> memref<16x128xf32, #tpu.memory_space<hbm>>
        %dma_start3A_1902 = arith.constant 0 : i32
        %dma_start3A_1903 = arith.constant 0 : i32
        %dma_start3A_1904 = tpu.memref_slice %arg9[%dma_start3A_1895, %dma_start3A_1902, %dma_start3A_1903] : memref<8x16x129xf32, #tpu.memory_space<vmem>> -> memref<1x16x128xf32, #tpu.memory_space<vmem>>
        %dma_start3A_1905 = tpu.memref_squeeze %dma_start3A_1904 : memref<1x16x128xf32, #tpu.memory_space<vmem>> -> memref<16x128xf32, #tpu.memory_space<vmem>>
        %dma_start3A_1906 = arith.constant 0 : i32
        %dma_start3A_1907 = tpu.memref_slice %arg4[%dma_start3A_1906, %multiple_of3A_1887] : memref<16x1000001xf32, #tpu.memory_space<hbm>> -> memref<16x128xf32, #tpu.memory_space<hbm>>
        tpu.enqueue_dma source(%dma_start3A_1907 : memref<16x128xf32, #tpu.memory_space<hbm>>) target(%dma_start3A_1905 : memref<16x128xf32, #tpu.memory_space<vmem>>) target_semaphore(%arg13 : memref<!tpu.dma_semaphore, #tpu.memory_space<semaphore_mem>>)
        %dma_start3A_1908 = arith.constant 7 : i32
        %dma_start3A_1909 = arith.constant 0 : i32
        %dma_start3A_1910 = arith.constant 0 : i32
        %dma_start3A_1911 = tpu.memref_slice %arg10[%dma_start3A_1908, %dma_start3A_1909, %dma_start3A_1910] : memref<8x16x129xf32, #tpu.memory_space<vmem>> -> memref<1x16x128xf32, #tpu.memory_space<vmem>>
        %dma_start3A_1912 = tpu.memref_squeeze %dma_start3A_1911 : memref<1x16x128xf32, #tpu.memory_space<vmem>> -> memref<16x128xf32, #tpu.memory_space<vmem>>
        %dma_start3A_1913 = arith.constant 0 : i32
        %dma_start3A_1914 = tpu.memref_slice %arg5[%dma_start3A_1913, %multiple_of3A_1894] : memref<16x1000001xf32, #tpu.memory_space<hbm>> -> memref<16x128xf32, #tpu.memory_space<hbm>>
        %dma_start3A_1915 = arith.constant 0 : i32
        %dma_start3A_1916 = arith.constant 0 : i32
        %dma_start3A_1917 = tpu.memref_slice %arg10[%dma_start3A_1908, %dma_start3A_1915, %dma_start3A_1916] : memref<8x16x129xf32, #tpu.memory_space<vmem>> -> memref<1x16x128xf32, #tpu.memory_space<vmem>>
        %dma_start3A_1918 = tpu.memref_squeeze %dma_start3A_1917 : memref<1x16x128xf32, #tpu.memory_space<vmem>> -> memref<16x128xf32, #tpu.memory_space<vmem>>
        %dma_start3A_1919 = arith.constant 0 : i32
        %dma_start3A_1920 = tpu.memref_slice %arg5[%dma_start3A_1919, %multiple_of3A_1894] : memref<16x1000001xf32, #tpu.memory_space<hbm>> -> memref<16x128xf32, #tpu.memory_space<hbm>>
        tpu.enqueue_dma source(%dma_start3A_1920 : memref<16x128xf32, #tpu.memory_space<hbm>>) target(%dma_start3A_1918 : memref<16x128xf32, #tpu.memory_space<vmem>>) target_semaphore(%arg14 : memref<!tpu.dma_semaphore, #tpu.memory_space<semaphore_mem>>)
      } else {
      }
      %mul3A_1502 = arith.constant 17 : i32
      %mul3A_1503 = vector.broadcast %mul3A_1502 : i32 to vector<16xi32>
      %mul3A_1504 = arith.muli %iota3A, %mul3A_1503 : vector<16xi32>
      %broadcast_in_dim3A_1505 = arith.constant 0.000000e+00 : f32
      %broadcast_in_dim3A_1506 = vector.broadcast %broadcast_in_dim3A_1505 : f32 to vector<16xf32>
      %add3A_1507 = arith.constant 0 : i32
      %add3A_1508 = vector.broadcast %add3A_1507 : i32 to vector<16xi32>
      %add3A_1509 = arith.addi %mul3A_1504, %add3A_1508 : vector<16xi32>
      %gather3A_1510 = tpu.vector_load_idx %arg11[%add3A_1509] : memref<272xf32, #tpu.memory_space<vmem>>[vector<16xi32>], vector<16xf32>,
      %add3A_1511 = arith.addf %broadcast_in_dim3A_1506, %gather3A_1510 : vector<16xf32>
      %add3A_1512 = arith.constant 1 : i32
      %add3A_1513 = vector.broadcast %add3A_1512 : i32 to vector<16xi32>
      %add3A_1514 = arith.addi %mul3A_1504, %add3A_1513 : vector<16xi32>
      %gather3A_1515 = tpu.vector_load_idx %arg11[%add3A_1514] : memref<272xf32, #tpu.memory_space<vmem>>[vector<16xi32>], vector<16xf32>,
      %add3A_1516 = arith.addf %add3A_1511, %gather3A_1515 : vector<16xf32>
      %add3A_1517 = arith.constant 2 : i32
      %add3A_1518 = vector.broadcast %add3A_1517 : i32 to vector<16xi32>
      %add3A_1519 = arith.addi %mul3A_1504, %add3A_1518 : vector<16xi32>
      %gather3A_1520 = tpu.vector_load_idx %arg11[%add3A_1519] : memref<272xf32, #tpu.memory_space<vmem>>[vector<16xi32>], vector<16xf32>,
      %add3A_1521 = arith.addf %add3A_1516, %gather3A_1520 : vector<16xf32>
      %add3A_1522 = arith.constant 3 : i32
      %add3A_1523 = vector.broadcast %add3A_1522 : i32 to vector<16xi32>
      %add3A_1524 = arith.addi %mul3A_1504, %add3A_1523 : vector<16xi32>
      %gather3A_1525 = tpu.vector_load_idx %arg11[%add3A_1524] : memref<272xf32, #tpu.memory_space<vmem>>[vector<16xi32>], vector<16xf32>,
      %add3A_1526 = arith.addf %add3A_1521, %gather3A_1525 : vector<16xf32>
      %add3A_1527 = arith.constant 4 : i32
      %add3A_1528 = vector.broadcast %add3A_1527 : i32 to vector<16xi32>
      %add3A_1529 = arith.addi %mul3A_1504, %add3A_1528 : vector<16xi32>
      %gather3A_1530 = tpu.vector_load_idx %arg11[%add3A_1529] : memref<272xf32, #tpu.memory_space<vmem>>[vector<16xi32>], vector<16xf32>,
      %add3A_1531 = arith.addf %add3A_1526, %gather3A_1530 : vector<16xf32>
      %add3A_1532 = arith.constant 5 : i32
      %add3A_1533 = vector.broadcast %add3A_1532 : i32 to vector<16xi32>
      %add3A_1534 = arith.addi %mul3A_1504, %add3A_1533 : vector<16xi32>
      %gather3A_1535 = tpu.vector_load_idx %arg11[%add3A_1534] : memref<272xf32, #tpu.memory_space<vmem>>[vector<16xi32>], vector<16xf32>,
      %add3A_1536 = arith.addf %add3A_1531, %gather3A_1535 : vector<16xf32>
      %add3A_1537 = arith.constant 6 : i32
      %add3A_1538 = vector.broadcast %add3A_1537 : i32 to vector<16xi32>
      %add3A_1539 = arith.addi %mul3A_1504, %add3A_1538 : vector<16xi32>
      %gather3A_1540 = tpu.vector_load_idx %arg11[%add3A_1539] : memref<272xf32, #tpu.memory_space<vmem>>[vector<16xi32>], vector<16xf32>,
      %add3A_1541 = arith.addf %add3A_1536, %gather3A_1540 : vector<16xf32>
      %add3A_1542 = arith.constant 7 : i32
      %add3A_1543 = vector.broadcast %add3A_1542 : i32 to vector<16xi32>
      %add3A_1544 = arith.addi %mul3A_1504, %add3A_1543 : vector<16xi32>
      %gather3A_1545 = tpu.vector_load_idx %arg11[%add3A_1544] : memref<272xf32, #tpu.memory_space<vmem>>[vector<16xi32>], vector<16xf32>,
      %add3A_1546 = arith.addf %add3A_1541, %gather3A_1545 : vector<16xf32>
      %add3A_1547 = arith.constant 8 : i32
      %add3A_1548 = vector.broadcast %add3A_1547 : i32 to vector<16xi32>
      %add3A_1549 = arith.addi %mul3A_1504, %add3A_1548 : vector<16xi32>
      %gather3A_1550 = tpu.vector_load_idx %arg11[%add3A_1549] : memref<272xf32, #tpu.memory_space<vmem>>[vector<16xi32>], vector<16xf32>,
      %add3A_1551 = arith.addf %add3A_1546, %gather3A_1550 : vector<16xf32>
      %add3A_1552 = arith.constant 9 : i32
      %add3A_1553 = vector.broadcast %add3A_1552 : i32 to vector<16xi32>
      %add3A_1554 = arith.addi %mul3A_1504, %add3A_1553 : vector<16xi32>
      %gather3A_1555 = tpu.vector_load_idx %arg11[%add3A_1554] : memref<272xf32, #tpu.memory_space<vmem>>[vector<16xi32>], vector<16xf32>,
      %add3A_1556 = arith.addf %add3A_1551, %gather3A_1555 : vector<16xf32>
      %add3A_1557 = arith.constant 10 : i32
      %add3A_1558 = vector.broadcast %add3A_1557 : i32 to vector<16xi32>
      %add3A_1559 = arith.addi %mul3A_1504, %add3A_1558 : vector<16xi32>
      %gather3A_1560 = tpu.vector_load_idx %arg11[%add3A_1559] : memref<272xf32, #tpu.memory_space<vmem>>[vector<16xi32>], vector<16xf32>,
      %add3A_1561 = arith.addf %add3A_1556, %gather3A_1560 : vector<16xf32>
      %add3A_1562 = arith.constant 11 : i32
      %add3A_1563 = vector.broadcast %add3A_1562 : i32 to vector<16xi32>
      %add3A_1564 = arith.addi %mul3A_1504, %add3A_1563 : vector<16xi32>
      %gather3A_1565 = tpu.vector_load_idx %arg11[%add3A_1564] : memref<272xf32, #tpu.memory_space<vmem>>[vector<16xi32>], vector<16xf32>,
      %add3A_1566 = arith.addf %add3A_1561, %gather3A_1565 : vector<16xf32>
      %add3A_1567 = arith.constant 12 : i32
      %add3A_1568 = vector.broadcast %add3A_1567 : i32 to vector<16xi32>
      %add3A_1569 = arith.addi %mul3A_1504, %add3A_1568 : vector<16xi32>
      %gather3A_1570 = tpu.vector_load_idx %arg11[%add3A_1569] : memref<272xf32, #tpu.memory_space<vmem>>[vector<16xi32>], vector<16xf32>,
      %add3A_1571 = arith.addf %add3A_1566, %gather3A_1570 : vector<16xf32>
      %add3A_1572 = arith.constant 13 : i32
      %add3A_1573 = vector.broadcast %add3A_1572 : i32 to vector<16xi32>
      %add3A_1574 = arith.addi %mul3A_1504, %add3A_1573 : vector<16xi32>
      %gather3A_1575 = tpu.vector_load_idx %arg11[%add3A_1574] : memref<272xf32, #tpu.memory_space<vmem>>[vector<16xi32>], vector<16xf32>,
      %add3A_1576 = arith.addf %add3A_1571, %gather3A_1575 : vector<16xf32>
      %add3A_1577 = arith.constant 14 : i32
      %add3A_1578 = vector.broadcast %add3A_1577 : i32 to vector<16xi32>
      %add3A_1579 = arith.addi %mul3A_1504, %add3A_1578 : vector<16xi32>
      %gather3A_1580 = tpu.vector_load_idx %arg11[%add3A_1579] : memref<272xf32, #tpu.memory_space<vmem>>[vector<16xi32>], vector<16xf32>,
      %add3A_1581 = arith.addf %add3A_1576, %gather3A_1580 : vector<16xf32>
      %add3A_1582 = arith.constant 15 : i32
      %add3A_1583 = vector.broadcast %add3A_1582 : i32 to vector<16xi32>
      %add3A_1584 = arith.addi %mul3A_1504, %add3A_1583 : vector<16xi32>
      %gather3A_1585 = tpu.vector_load_idx %arg11[%add3A_1584] : memref<272xf32, #tpu.memory_space<vmem>>[vector<16xi32>], vector<16xf32>,
      %add3A_1586 = arith.addf %add3A_1581, %gather3A_1585 : vector<16xf32>
      %mul3A_1587 = arith.constant 16 : i32
      %mul3A_1588 = arith.muli %scan3A_326, %mul3A_1587 : i32
      %swap3A_1589 = arith.index_cast %mul3A_1588 : i32 to index
      %swap3A_1590 = tpu.vector_load %arg12[%swap3A_1589] {strides = array<i32>} : memref<512xf32, #tpu.memory_space<vmem>>, vector<16xf32>,
      tpu.vector_store %arg12[%swap3A_1589], %add3A_1586 {strides = array<i32>} : memref<512xf32, #tpu.memory_space<vmem>>, vector<16xf32>,
    }
    %scan3A_325 = arith.constant 32 : i32
    "tpu.region"() ({
      %run_scoped3A = tpu.sem_alloc : memref<!tpu.dma_semaphore, #tpu.memory_space<semaphore_mem>>
      %dma_start3A_326 = tpu.memref_slice %arg6[%mul3A_2] : memref<16384xf32, #tpu.memory_space<hbm>> -> memref<512xf32, #tpu.memory_space<hbm>>
      %dma_start3A_327 = tpu.memref_slice %arg6[%mul3A_2] : memref<16384xf32, #tpu.memory_space<hbm>> -> memref<512xf32, #tpu.memory_space<hbm>>
      tpu.enqueue_dma source(%arg12 : memref<512xf32, #tpu.memory_space<vmem>>) target(%dma_start3A_327 : memref<512xf32, #tpu.memory_space<hbm>>) target_semaphore(%run_scoped3A : memref<!tpu.dma_semaphore, #tpu.memory_space<semaphore_mem>>)
      %dma_wait3A = tpu.memref_slice %arg6[%mul3A_2] : memref<16384xf32, #tpu.memory_space<hbm>> -> memref<512xf32, #tpu.memory_space<hbm>>
      %dma_wait3A_328 = tpu.memref_slice %arg6[%mul3A_2] : memref<16384xf32, #tpu.memory_space<hbm>> -> memref<512xf32, #tpu.memory_space<hbm>>
      tpu.wait_dma2 semaphore(%run_scoped3A : memref<!tpu.dma_semaphore, #tpu.memory_space<semaphore_mem>>) src(%arg12 : memref<512xf32, #tpu.memory_space<vmem>>) dst(%dma_wait3A_328 : memref<512xf32, #tpu.memory_space<hbm>>)
      tpu.yield
    }) : () -> ()
    return
  }
}

</mosaic_0001>

<sc_bundles>
// kernel: kernel.3.cloned.1.call-start
scs
__scs_entry_jumppad:
0x0: {  	(pc) =	sbr.rel $0x88, $3  }
0x1: {  	(tag) =	ssettag $0x0;
	lr =	simm.s32 $0x1  }
0x2: {  	[smem:$0x3F9D] =	sst lr;
	_ =	strace $0xD0000000  }
0x3: {  	_ = 	snop  }
0x4: {  	_ = 	snop  }
0x5: {  	_ = 	snop  }
0x6: {  	_ = 	snop  }
0x7: {  	_ = 	snop  }
__scs_overlays_trampoline_lowered:
0x8: {  	[smem:$0x3FAC] =	sst s0  }
0x9: {  	[smem:$0x3FAD] =	sst s1  }
0xa: {  	[smem:$0x3FAE] =	sst s2  }
0xb: {  	[smem:$0x3FAF] =	sst s3  }
0xc: {  	[smem:$0x3FB0] =	sst s4  }
0xd: {  	[smem:$0x3FB1] =	sst s5  }
0xe: {  	[smem:$0x3FB2] =	sst s6  }
0xf: {  	[smem:$0x3FB3] =	sst s7  }
0x10: {  	[smem:$0x3FB4] =	sst s8  }
0x11: {  	[smem:$0x3FB5] =	sst s9;
	s0 =	simm.s32 @!p0 $0x0  }
0x12: {  	s1 =	sld [smem:$0x3F9B];
	s0 =	simm.s32 @p0 $0x1  }
0x13: {  	[smem:$0x3FB6] =	sst s0;
	s0 =	simm.s32 @!p1 $0x0  }
0x14: {  	s2 =	sld [smem:$0x3F9A];
	s0 =	simm.s32 @p1 $0x1  }
0x15: {  	[smem:$0x3FB7] =	sst s0;
	s0 =	simm.s32 @!p2 $0x0  }
0x16: {  	s3 =	sld [smem:$0x3FDB];
	s0 =	simm.s32 @p2 $0x1  }
0x17: {  	s4 =	simm.s32 $0x1BF5;
	[smem:$0x3FB9] =	sst s0  }
0x18: {  	s0 =	sld [smem:$0x3F9C];
	_ =	swait.ge [sflag:s4], $0x0  }
0x19: {  	s7 =	sld [smem:$0x3F9D]  }
0x1a: {  	s8 =	sadd.s32 $0xFFFFE003, lr  }
0x1b: {  	s9 =	sadd.s32 $0xFFFFFEF7, lr;
	s5 =	simm.s32 $0xFFFFFFFF;
	p2 =	slt.u32 s8, $0xFFFFF086  }
0x1c: {  	p1 =	slt.u32 s9, $0xF7A;
	s5 =	simm.s32 @!p2 $0x0  }
0x1d: {  	s5 =	simm.s32 @p1 $0x1;
	p0 =	seq.s32 s7, s2  }
0x1e: {  	s7 =	smul.u32 @!p0 $0xF7A, s2;
	p2 =	seq.s32 @!p0 s5, $0x0  }
0x1f: {  	s9 =	smul.u32 $0xF7A, s1;
	s8 =	simm.s32 @!p0 $0x1BF5;
	p2 =	por !p2, p0  }
0x20: {  	[sflag:s8] =	ssyncset.s32 @!p0 $0xFFFFF086;
	s6 =	sadd.s32 @!p0 s3, s7;
	s7 =	simm.s32 @!p0 $0x108  }
0x21: {  	s3 =	sadd.s32 s3, s9;
	s6 =	sadd.s32 @!p0 $0x88, s6;
	s7 =	simm.s32 @p2 $0x1082  }
0x22: {  	[simem:s7], [sflag:s8] =	dma.local @!p0 [hbm:s6], $0xF7A  }
0x23: {  	s9 =	sor.u32 $0xD0000000, s2;
	s6 =	simm.s32 $0x108;
	_ =	swait.ge @!p0 [sflag:s8], $0x0  }
0x24: {  	s3 =	sadd.s32 $0x88, s3;
	s6 =	simm.s32 @!p1 $0x1082;
	[sflag:s4] =	ssyncset.s32 $0xFFFFF086  }
0x25: {  	[simem:s6], [sflag:s4] =	dma.local [hbm:s3], $0xF7A  }
0x26: {  	[smem:$0x3F9D] =	sst s1;
	(tag) =	ssettag s2;
	_ =	strace s9  }
0x27: {  	s1 =	sld [smem:$0x3FAD]  }
0x28: {  	s2 =	sld [smem:$0x3FAE]  }
0x29: {  	s4 =	sld [smem:$0x3FB0]  }
0x2a: {  	p0 =	seq.s32 s5, $0x0;
	s5 =	sld [smem:$0x3FB1]  }
0x2b: {  	s6 =	sld [smem:$0x3FB2]  }
0x2c: {  	s7 =	sld [smem:$0x3FB3]  }
0x2d: {  	s3 =	simm.s32 $0x108;
	s8 =	sld [smem:$0x3FB4]  }
0x2e: {  	s3 =	simm.s32 @!p0 $0x1082;
	s9 =	sld [smem:$0x3FB5]  }
0x2f: {  	lr =	sadd.s32 s0, s3;
	s0 =	sld [smem:$0x3FAC]  }
0x30: {  	s3 =	sld [smem:$0x3FAF]  }
0x31: {  	[smem:$0x3FB8] =	sst s10  }
0x32: {  	s10 =	sld [smem:$0x3FB6];
	_ =	sdelay $0x3  }
0x33: {  	p0 =	seq.s32 s10, $0x1;
	s10 =	sld [smem:$0x3FB8];
	_ =	sdelay $0x3  }
0x34: {  	[smem:$0x3FB8] =	sst s10  }
0x35: {  	s10 =	sld [smem:$0x3FB7];
	_ =	sdelay $0x3  }
0x36: {  	p1 =	seq.s32 s10, $0x1;
	s10 =	sld [smem:$0x3FB8];
	_ =	sdelay $0x3  }
0x37: {  	[smem:$0x3FB8] =	sst s10  }
0x38: {  	s10 =	sld [smem:$0x3FB9]  }
0x39: {  	_ = 	snop;
	(pc) =	sbr.ind lr, $3  }
0x3a: {  	_ = 	snop  }
0x3b: {  	_ = 	snop  }
0x3c: {  	p2 =	seq.s32 s10, $0x1;
	s10 =	sld [smem:$0x3FB8]  }
0x3d: {  	_ =	shalt  }
0x3e: {  	_ =	shalt  }
0x3f: {  	_ =	shalt  }
0x40: {  	_ =	shalt  }
0x41: {  	_ =	shalt  }
0x42: {  	_ =	shalt  }
0x43: {  	_ =	shalt  }
0x44: {  	_ =	shalt  }
0x45: {  	_ =	shalt  }
0x46: {  	_ =	shalt  }
0x47: {  	_ =	shalt  }
0x48: {  	_ =	shalt  }
0x49: {  	_ =	shalt  }
0x4a: {  	_ =	shalt  }
0x4b: {  	_ =	shalt  }
0x4c: {  	_ =	shalt  }
0x4d: {  	_ =	shalt  }
0x4e: {  	_ =	shalt  }
0x4f: {  	_ =	shalt  }
0x50: {  	_ =	shalt  }
0x51: {  	_ =	shalt  }
0x52: {  	_ =	shalt  }
0x53: {  	_ =	shalt  }
0x54: {  	_ =	shalt  }
0x55: {  	_ =	shalt  }
0x56: {  	_ =	shalt  }
0x57: {  	_ =	shalt  }
0x58: {  	_ =	shalt  }
0x59: {  	_ =	shalt  }
0x5a: {  	_ =	shalt  }
0x5b: {  	_ =	shalt  }
0x5c: {  	_ =	shalt  }
0x5d: {  	_ =	shalt  }
0x5e: {  	_ =	shalt  }
0x5f: {  	_ =	shalt  }
0x60: {  	_ =	shalt  }
0x61: {  	_ =	shalt  }
0x62: {  	_ =	shalt  }
0x63: {  	_ =	shalt  }
0x64: {  	_ =	shalt  }
0x65: {  	_ =	shalt  }
0x66: {  	_ =	shalt  }
0x67: {  	_ =	shalt  }
0x68: {  	_ =	shalt  }
0x69: {  	_ =	shalt  }
0x6a: {  	_ =	shalt  }
0x6b: {  	_ =	shalt  }
0x6c: {  	_ =	shalt  }
0x6d: {  	_ =	shalt  }
0x6e: {  	_ =	shalt  }
0x6f: {  	_ =	shalt  }
0x70: {  	_ =	shalt  }
0x71: {  	_ =	shalt  }
0x72: {  	_ =	shalt  }
0x73: {  	_ =	shalt  }
0x74: {  	_ =	shalt  }
0x75: {  	_ =	shalt  }
0x76: {  	_ =	shalt  }
0x77: {  	_ =	shalt  }
0x78: {  	_ =	shalt  }
0x79: {  	_ =	shalt  }
0x7a: {  	_ =	shalt  }
0x7b: {  	_ =	shalt  }
0x7c: {  	_ =	shalt  }
0x7d: {  	_ =	shalt  }
0x7e: {  	_ =	shalt  }
0x7f: {  	_ =	shalt  }
0x80: {  	_ =	shalt  }
0x81: {  	_ =	shalt  }
0x82: {  	_ =	shalt  }
0x83: {  	_ =	shalt  }
0x84: {  	_ =	shalt  }
0x85: {  	_ =	shalt  }
0x86: {  	_ =	shalt  }
0x87: {  	_ =	shalt  }
.Lfunc_end0:
.L_simem_size_0:
called_computation_lowered:
.L_overlay_start_0:
0x88: {  	s2 =	sld [smem:$0x3FD9]  }
0x89: {  	s3 =	sld [smem:$0x3FFE];
	_ =	sdelay $0x1  }
0x8a: {  	s1 =	srdreg.scid  }
0x8b: {  	s0 =	sand.u32 $0x1, s1  }
0x8c: {  	s18 =	sshll.u32 s0, $0xA;
	s2 =	sadd.s32 s3, s2  }
0x8d: {  	s2 =	sadd.s32 s2, s18  }
0x8e: {  	[smem:$0x3FC4] =	sst s2  }
0x8f: {  	_ = 	snop  }
0x90: {  	s2 =	sld [smem:$0x3FC9]  }
0x91: {  	s19 =	sld [smem:$0x3FC8]  }
0x92: {  	s4 =	sld [smem:$0x3FC7]  }
0x93: {  	s5 =	sld [smem:$0x3FC6]  }
0x94: {  	s6 =	sld [smem:$0x3FD0];
	(tm) =	ssettm $0x1  }
0x95: {  	s7 =	sld [smem:$0x3FFB];
	_ =	sdelay $0x3  }
0x96: {  	_ =	strace s7  }
0x97: {  	s7 =	sld [smem:$0x3FFC];
	_ =	sdelay $0x3  }
0x98: {  	_ =	strace s7  }
0x99: {  	s7 =	sld [smem:$0x3FFD];
	_ =	sdelay $0x3  }
0x9a: {  	_ =	strace s7  }
0x9b: {  	_ =	strace $0x8FFFFFFF  }
0x9c: {  	s20 =	sld [smem:$0x3FDB];
	_ =	sdelay $0x1  }
0x9d: {  	s8 =	simm.s32 $_scs_section_size  }
0x9e: {  	s9 =	simm.s32 $_size__tile_overlayer_lowered;
	s10 =	simm.s32 $_tile_overlayer_lowered  }
0x9f: {  	s23 =	simm.s32 $0x1BFF;
	s22 =	sshll.u32 s10, $0x1;
	s7 =	sadd.s32 s8, s20  }
0xa0: {  	s11 =	simm.s32 $0x0;
	s21 =	sshll.u32 s9, $0x1;
	s9 =	sadd.s32 s22, s7  }
0xa1: {  	[timem:s11], [sflag:s23] =	dma.local [hbm:s9], s21  }
0xa2: {  	_ =	swait.ge [sflag:s23], s21  }
0xa3: {  	s8 =	ssub.s32 $0x0, s21;
	[sflag:s23] =	ssyncset.done $0x0  }
0xa4: {  	[sflag:s23] =	ssyncadd.s32 s8;
	_ =	sdelay $0x1  }
0xa5: {  	s24 =	simm.s32 $0x1B8B  }
0xa6: {  	_ =	swait.ge [sflag:s24], $0x1  }
0xa7: {  	[sflag:s24] =	ssyncset.done $0x0  }
0xa8: {  	s25 =	simm.s32 $0x1B8E;
	[sflag:s24] =	ssyncadd.s32 $0xFFFFFFFF  }
0xa9: {  	s26 =	simm.s32 $execute0_lowered;
	[smem:$0x3FD2] =	sst s25  }
0xaa: {  	s8 =	sshll.u32 s26, $0x1;
	_ =	strace $0x80000046;
	[dreg:$0x1] =	wrdreg $0xFFFFFFFF  }
0xab: {  	s28 =	simm.s32 $_size_execute0_lowered;
	s7 =	sadd.s32 s7, s8;
	[dreg:$0x0] =	wrdreg $0x0  }
0xac: {  	s8 =	sshll.u32 s28, $0x1;
	[dreg:$0x2] =	wrdreg s7  }
0xad: {  	[dreg:$0x3] =	wrdreg s8  }
0xae: {  	[dreg:$0x4] =	wrdreg $0xC0  }
0xaf: {  	_ =	task [dreg:s11], $0x5FFFF  }
0xb0: {  	[dreg:$0x1] =	wrdreg $0xFFFFFFFF  }
0xb1: {  	[dreg:$0x0] =	wrdreg $0x60  }
0xb2: {  	[dreg:$0x2] =	wrdreg s2  }
0xb3: {  	[dreg:$0x3] =	wrdreg s19  }
0xb4: {  	[dreg:$0x4] =	wrdreg s4  }
0xb5: {  	[dreg:$0x5] =	wrdreg s5  }
0xb6: {  	[dreg:$0x6] =	wrdreg s6  }
0xb7: {  	[dreg:$0x7] =	wrdreg $0x9  }
0xb8: {  	_ =	task.clear_ibuf [dreg:s11], $0x8FFFF;
	_ =	strace $0x90000046  }
0xb9: {  	s29 =	simm.s32 $0x9;
	_ =	strace $0x80000048  }
0xba: {  	_ =	swait.ge [sflag:s29], $0x1  }
0xbb: {  	[sflag:s29] =	ssyncadd.s32 $0xFFFFFFFF  }
0xbc: {  	_ =	strace $0x90000048  }
0xbd: {  	_ =	sfence  }
0xbe: {  	s30 =	sld [smem:$0x0];
	_ =	sdelay $0x2  }
0xbf: {  	s31 =	sshll.u32 s1, $0xD;
	s1 =	sshrl.u32 s1, $0x2  }
0xc0: {  	s3 =	sand.u32 $0x4000, s31;
	s1 =	sadd.s32 s1, s30  }
0xc1: {  	s0 =	sor.u32 s3, s0;
	s1 =	sshll.u32 s1, $0x11  }
0xc2: {  	s0 =	sor.u32 s1, s0  }
0xc3: {  	s0 =	sadd.s32 $0x8F2B, s0  }
0xc4: {  	[sflag:s0] =	ssyncadd.remote.s32 $0x1  }
0xc5: {  	_ =	sfence.sel $0xFFFF  }
0xc6: {  	[dreg:$0x0] =	wrdreg $0xFFFFFFFF;
	(pc) =	sbr.abs _section_cstart, $3  }
0xc7: {  	[dreg:$0x1] =	wrdreg $0xFFFFFFFF  }
0xc8: {  	_ =	task.clear_ibuf [dreg:s11], $0x2FFFF;
	_ =	strace $0x9FFFFFFF  }
0xc9: {  	(tm) =	ssettm $0x7FFFFFFF  }
tec
execute0_lowered:
.L_overlay_start_1:
0x0: {  	(tag) =	ssettag $0x1  }
0x1: {  	v0 =	vimm.s32 $0xB80  }
0x2: {  	vm14 =	vcmask $0x300;
	vm13 =	vcmask $0x704;
	v1 =	vimm.s32 $0x1B80  }
0x3: {  	vm12 =	vcmask $0xB08;
	vm11 =	vcmask $0xF0C;
	vm10 =	vcmask $0x1310  }
0x4: {  	vm9 =	vcmask $0x1714;
	vm8 =	vcmask $0x1B18;
	vm7 =	vcmask $0x1F1C  }
0x5: {  	vm6 =	vcmask $0x2320;
	vm5 =	vcmask $0x2724;
	vm4 =	vcmask $0x2B28  }
0x6: {  	vm3 =	vcmask $0x2F2C;
	vm2 =	vcmask $0x3330;
	vm1 =	vcmask $0x3734  }
0x7: {  	vm0 =	vcmask $0x3B38;
	v2 =	vimm.s32 $0x2B80;
	v3 =	vimm.s32 $0x3B80  }
0x8: {  	v4 =	vimm.s32 $0x4B80;
	v5 =	vimm.s32 $0x5B80;
	v6 =	vimm.s32 $0x6B80  }
0x9: {  	v7 =	vimm.s32 $0x7B80;
	v0 =	vsel vm14, $0x0, v0;
	v1 =	vsel vm14, $0x1000, v1  }
0xa: {  	v2 =	vsel vm14, $0x2000, v2;
	v3 =	vsel vm14, $0x3000, v3;
	v4 =	vsel vm14, $0x4000, v4  }
0xb: {  	v5 =	vsel vm14, $0x5000, v5;
	v6 =	vsel vm14, $0x6000, v6;
	v7 =	vsel vm14, $0x7000, v7  }
0xc: {  	v0 =	vsel vm13, $0x80, v0;
	v1 =	vsel vm13, $0x1080, v1;
	v2 =	vsel vm13, $0x2080, v2  }
0xd: {  	v3 =	vsel vm13, $0x3080, v3;
	v4 =	vsel vm13, $0x4080, v4;
	v5 =	vsel vm13, $0x5080, v5  }
0xe: {  	v6 =	vsel vm13, $0x6080, v6;
	v7 =	vsel vm13, $0x7080, v7;
	v0 =	vsel vm12, $0x100, v0  }
0xf: {  	v1 =	vsel vm12, $0x1100, v1;
	v2 =	vsel vm12, $0x2100, v2;
	v3 =	vsel vm12, $0x3100, v3  }
0x10: {  	v4 =	vsel vm12, $0x4100, v4;
	v5 =	vsel vm12, $0x5100, v5;
	v6 =	vsel vm12, $0x6100, v6  }
0x11: {  	v7 =	vsel vm12, $0x7100, v7;
	v0 =	vsel vm11, $0x180, v0;
	v1 =	vsel vm11, $0x1180, v1  }
0x12: {  	v2 =	vsel vm11, $0x2180, v2;
	v3 =	vsel vm11, $0x3180, v3;
	v4 =	vsel vm11, $0x4180, v4  }
0x13: {  	v5 =	vsel vm11, $0x5180, v5;
	v6 =	vsel vm11, $0x6180, v6;
	v7 =	vsel vm11, $0x7180, v7  }
0x14: {  	v0 =	vsel vm10, $0x200, v0;
	v1 =	vsel vm10, $0x1200, v1;
	v2 =	vsel vm10, $0x2200, v2  }
0x15: {  	v3 =	vsel vm10, $0x3200, v3;
	v4 =	vsel vm10, $0x4200, v4;
	v5 =	vsel vm10, $0x5200, v5  }
0x16: {  	v6 =	vsel vm10, $0x6200, v6;
	v7 =	vsel vm10, $0x7200, v7;
	v0 =	vsel vm9, $0x280, v0  }
0x17: {  	v1 =	vsel vm9, $0x1280, v1;
	v2 =	vsel vm9, $0x2280, v2;
	v3 =	vsel vm9, $0x3280, v3  }
0x18: {  	v4 =	vsel vm9, $0x4280, v4;
	v5 =	vsel vm9, $0x5280, v5;
	v6 =	vsel vm9, $0x6280, v6  }
0x19: {  	v7 =	vsel vm9, $0x7280, v7;
	v0 =	vsel vm8, $0x300, v0;
	v1 =	vsel vm8, $0x1300, v1  }
0x1a: {  	v2 =	vsel vm8, $0x2300, v2;
	v3 =	vsel vm8, $0x3300, v3;
	v4 =	vsel vm8, $0x4300, v4  }
0x1b: {  	v5 =	vsel vm8, $0x5300, v5;
	v6 =	vsel vm8, $0x6300, v6;
	v7 =	vsel vm8, $0x7300, v7  }
0x1c: {  	v0 =	vsel vm7, $0x380, v0;
	v1 =	vsel vm7, $0x1380, v1;
	v2 =	vsel vm7, $0x2380, v2  }
0x1d: {  	v3 =	vsel vm7, $0x3380, v3;
	v4 =	vsel vm7, $0x4380, v4;
	v5 =	vsel vm7, $0x5380, v5  }
0x1e: {  	v6 =	vsel vm7, $0x6380, v6;
	v7 =	vsel vm7, $0x7380, v7;
	v0 =	vsel vm6, $0x800, v0  }
0x1f: {  	v1 =	vsel vm6, $0x1800, v1;
	v2 =	vsel vm6, $0x2800, v2;
	v3 =	vsel vm6, $0x3800, v3  }
0x20: {  	v4 =	vsel vm6, $0x4800, v4;
	v5 =	vsel vm6, $0x5800, v5;
	v6 =	vsel vm6, $0x6800, v6  }
0x21: {  	v7 =	vsel vm6, $0x7800, v7;
	v0 =	vsel vm5, $0x880, v0;
	v1 =	vsel vm5, $0x1880, v1  }
0x22: {  	v2 =	vsel vm5, $0x2880, v2;
	v3 =	vsel vm5, $0x3880, v3;
	v4 =	vsel vm5, $0x4880, v4  }
0x23: {  	v5 =	vsel vm5, $0x5880, v5;
	v6 =	vsel vm5, $0x6880, v6;
	v7 =	vsel vm5, $0x7880, v7  }
0x24: {  	v0 =	vsel vm4, $0x900, v0;
	v1 =	vsel vm4, $0x1900, v1;
	v2 =	vsel vm4, $0x2900, v2  }
0x25: {  	v3 =	vsel vm4, $0x3900, v3;
	v4 =	vsel vm4, $0x4900, v4;
	v5 =	vsel vm4, $0x5900, v5  }
0x26: {  	v6 =	vsel vm4, $0x6900, v6;
	v7 =	vsel vm4, $0x7900, v7;
	v0 =	vsel vm3, $0x980, v0  }
0x27: {  	v1 =	vsel vm3, $0x1980, v1;
	v2 =	vsel vm3, $0x2980, v2;
	v3 =	vsel vm3, $0x3980, v3  }
0x28: {  	s2 =	rddreg [dreg:$0x0];
	v4 =	vsel vm3, $0x4980, v4;
	v5 =	vsel vm3, $0x5980, v5;
	v0 =	vsel vm2, $0xA00, v0  }
0x29: {  	s3 =	rddreg [dreg:$0x1];
	v1 =	vsel vm2, $0x1A00, v1;
	v2 =	vsel vm2, $0x2A00, v2;
	v3 =	vsel vm2, $0x3A00, v3  }
0x2a: {  	s0 =	rddreg [dreg:$0x2];
	v4 =	vsel vm2, $0x4A00, v4;
	v5 =	vsel vm2, $0x5A00, v5;
	v0 =	vsel vm1, $0xA80, v0  }
0x2b: {  	s1 =	rddreg [dreg:$0x3];
	v1 =	vsel vm1, $0x1A80, v1;
	v2 =	vsel vm1, $0x2A80, v2;
	v3 =	vsel vm1, $0x3A80, v3  }
0x2c: {  	s5 =	rddreg [dreg:$0x4];
	s6 =	srdreg.scid;
	s4 =	simm.s32 $0x0;
	v4 =	vsel vm1, $0x4A80, v4;
	v8 =	vsel vm1, $0x5A80, v5;
	v5 =	vsel vm3, $0x6980, v6  }
0x2d: {  	s8 =	stileid.u32;
	s11 =	simm.s32 $0x400;
	s13 =	simm.s32 $0x8400;
	v6 =	vsel vm3, $0x7980, v7;
	v7 =	vlaneseq.u32;
	v0 =	vsel vm0, $0xB00, v0  }
0x2e: {  	s12 =	simm.s32 $0x7400;
	s14 =	simm.s32 $0x7C00;
	s15 =	simm.s32 $0xF400;
	v1 =	vsel vm0, $0x1B00, v1;
	v2 =	vsel vm0, $0x2B00, v2;
	v3 =	vsel vm0, $0x3B00, v3  }
0x2f: {  	s16 =	simm.s32 $0xFC00;
	s17 =	simm.s32 $0x1;
	s6 =	sand.u32 $0x1, s6;
	v4 =	vsel vm0, $0x4B00, v4;
	v5 =	vsel vm2, $0x6A00, v5;
	v6 =	vsel vm2, $0x7A00, v6  }
0x30: {  	s8 =	sshll.u32 s8, $0x7;
	s7 =	ssub.s32 $0x2, s6;
	s6 =	sshll.u32 s6, $0x6;
	v9 =	vsel vm1, $0x6A80, v5;
	v10 =	vsel vm1, $0x7A80, v6;
	v5 =	vmul.u32 $0x11, v7  }
0x31: {  	s18 =	simm.s32 $0x2;
	[smem:$0x7FF] =	sst s4;
	s6 =	sor.u32 s6, s8;
	v6 =	vsel vm0, $0x5B00, v8;
	v7 =	vsel vm0, $0x6B00, v9;
	v8 =	vsel vm0, $0x7B00, v10  }
.Ltmp0:
0x32: {  	_ =	strace $0x80000047;
	s2 =	sadd.s32 s2, s6;
	v9 =	vadd.s32 $0x1, v5;
	v10 =	vadd.s32 $0x2, v5;
	v11 =	vadd.s32 $0x3, v5;
	(pc) =	sbr.rel .LBB2_1-.Ltmp0, $4  }
0x33: {  	s9 =	sshrl.u32 s7, $0x1;
	s29 =	sadd.s32 s3, s6;
	[dreg:$0x6] =	wrdreg s2;
	v12 =	vadd.s32 $0x4, v5;
	v13 =	vadd.s32 $0x5, v5;
	v14 =	vadd.s32 $0x6, v5  }
0x34: {  	s7 =	ssub.s32 s7, s9;
	s30 =	sadd.s32 s5, s6;
	[dreg:$0x7] =	wrdreg s29;
	v15 =	vadd.s32 $0x7, v5;
	v16 =	vadd.s32 $0x8, v5;
	v17 =	vadd.s32 $0x9, v5  }
0x35: {  	s19 =	simm.s32 $0x10400;
	[dreg:$0x8] =	wrdreg s30;
	s31 =	smax.u32 s7, $0x1;
	v18 =	vadd.s32 $0xA, v5;
	v19 =	vadd.s32 $0xB, v5;
	v20 =	vadd.s32 $0xC, v5  }
0x36: {  	s3 =	simm.s32 $0x3;
	s5 =	simm.s32 $0x0;
	[dreg:$0x9] =	wrdreg s31;
	v21 =	vadd.s32 $0xD, v5;
	v22 =	vadd.s32 $0xE, v5;
	v23 =	vadd.s32 $0xF, v5  }
.LBB2_5:
0x37: {  	s2 =	rddreg [dreg:$0x8];
	s3 =	simm.s32 $0x10580  }
0x38: {  	[hbm4b:s2+s4] =	stream.linear.scatter [tilespmem:s3], [sflag:$0x3], $0x200, $0x38;
	[tilespmem:$0x10780] =	vst v63  }
0x39: {  	s3 =	simm.s32 $0x3  }
0x3a: {  	_ =	swait.ge [sflag:s3], $0x200  }
0x3b: {  	s5 =	rddreg [dreg:$0xa]  }
0x3c: {  	s31 =	rddreg [dreg:$0x9];
	s5 =	sadd.s32 $0x1, s5  }
0x3d: {  	p0 =	sne.s32 s5, s31  }
.Ltmp1:
0x3e: {  	_ = 	snop;
	(pc) =	sbr.rel @!p0 .LBB2_6-.Ltmp1, $3  }
0x3f: {  	_ =	sdelay $0x1  }
0x40: {  	[sflag:s3] =	ssyncset.done $0x0  }
0x41: {  	[sflag:s3] =	ssyncadd.s32 $0xFFFFFE00  }
.LBB2_1:
0x42: {  	[dreg:$0xa] =	wrdreg s5  }
0x43: {  	s2 =	rddreg [dreg:$0x6]  }
0x44: {  	[tilespmem:s4], [sflag:$0x3] =	stream.linear.gather [hbm4b:s2+s4], $0x200, $0x38;
	[tilespmem:$0x10780] =	vst v63  }
0x45: {  	_ =	swait.ge [sflag:s3], $0x200  }
0x46: {  	[sflag:s3] =	ssyncset.done $0x0  }
0x47: {  	s23 =	simm.s32 $0x200;
	s22 =	rddreg [dreg:$0x7];
	[sflag:s3] =	ssyncadd.s32 $0xFFFFFE00  }
0x48: {  	[tilespmem:s23], [sflag:$0x3] =	stream.linear.gather [hbm4b:s22+s4], $0x200, $0x38;
	[tilespmem:$0x10780] =	vst v63  }
0x49: {  	_ =	swait.ge [sflag:s3], $0x200  }
0x4a: {  	[sflag:s3] =	ssyncset.done $0x0  }
0x4b: {  	[sflag:s3] =	ssyncadd.s32 $0xFFFFFE00  }
0x4c: {  	v24 =	vld [tilespmem:$0x0];
	_ =	sdelay $0x3  }
0x4d: {  	v25 =	vld [tilespmem:$0x200]  }
0x4e: {  	(v2sf) =	vpush v24, $0x0;
	_ =	sdelay $0x3  }
0x4f: {  	(v2sf) =	vpush v25, $0x0;
	_ =	sdelay $0x4  }
0x50: {  	(v2sf) =	vpush v24, $0x1;
	_ =	sdelay $0x5  }
0x51: {  	s24 =	spop (v2sf)  }
0x52: {  	(v2sf) =	vpush v25, $0x1;
	s2 =	sand.u32 $0xFFFFF80, s24  }
0x53: {  	s2 =	sadd.s32 s0, s2  }
0x54: {  	[tilespmem:s11], [sflag:$0x1] =	stream.linear.gather [hbm4b:s2+s4], $0x400, $0x38;
	[tilespmem:$0x10780] =	vst v63  }
0x55: {  	s25 =	simm.s32 $0xC00;
	s26 =	spop (v2sf);
	s2 =	sadd.s32 $0xF4280, s2  }
0x56: {  	(v2sf) =	vpush v24, $0x2;
	[tilespmem:s25], [sflag:$0x1] =	stream.linear.gather [hbm4b:s2+s4], $0x400, $0x38;
	[tilespmem:$0x10780] =	vst v63  }
0x57: {  	s2 =	sand.u32 $0xFFFFF80, s26  }
0x58: {  	s2 =	sadd.s32 s1, s2  }
0x59: {  	[tilespmem:s13], [sflag:$0x2] =	stream.linear.gather [hbm4b:s2+s4], $0x400, $0x38;
	[tilespmem:$0x10780] =	vst v63  }
0x5a: {  	s28 =	simm.s32 $0x8C00;
	s29 =	spop (v2sf);
	s2 =	sadd.s32 $0xF4280, s2  }
0x5b: {  	(v2sf) =	vpush v25, $0x2;
	[tilespmem:s28], [sflag:$0x2] =	stream.linear.gather [hbm4b:s2+s4], $0x400, $0x38;
	[tilespmem:$0x10780] =	vst v63  }
0x5c: {  	s2 =	sand.u32 $0xFFFFF80, s29  }
0x5d: {  	s30 =	simm.s32 $0x1400;
	s2 =	sadd.s32 s0, s2  }
0x5e: {  	[tilespmem:s30], [sflag:$0x1] =	stream.linear.gather [hbm4b:s2+s4], $0x400, $0x38;
	[tilespmem:$0x10780] =	vst v63  }
0x5f: {  	s31 =	simm.s32 $0x1C00;
	s2 =	sadd.s32 $0xF4280, s2  }
0x60: {  	[tilespmem:s31], [sflag:$0x1] =	stream.linear.gather [hbm4b:s2+s4], $0x400, $0x38;
	[tilespmem:$0x10780] =	vst v63  }
0x61: {  	s3 =	spop (v2sf)  }
0x62: {  	(v2sf) =	vpush v24, $0x3;
	s2 =	sand.u32 $0xFFFFF80, s3  }
0x63: {  	s5 =	simm.s32 $0x9400;
	s2 =	sadd.s32 s1, s2  }
0x64: {  	[tilespmem:s5], [sflag:$0x2] =	stream.linear.gather [hbm4b:s2+s4], $0x400, $0x38;
	[tilespmem:$0x10780] =	vst v63  }
0x65: {  	s6 =	simm.s32 $0x9C00;
	s7 =	spop (v2sf);
	s2 =	sadd.s32 $0xF4280, s2  }
0x66: {  	(v2sf) =	vpush v25, $0x3;
	[tilespmem:s6], [sflag:$0x2] =	stream.linear.gather [hbm4b:s2+s4], $0x400, $0x38;
	[tilespmem:$0x10780] =	vst v63  }
0x67: {  	s2 =	sand.u32 $0xFFFFF80, s7  }
0x68: {  	s8 =	simm.s32 $0x2400;
	s2 =	sadd.s32 s0, s2  }
0x69: {  	[tilespmem:s8], [sflag:$0x1] =	stream.linear.gather [hbm4b:s2+s4], $0x400, $0x38;
	[tilespmem:$0x10780] =	vst v63  }
0x6a: {  	s9 =	simm.s32 $0x2C00;
	s10 =	spop (v2sf);
	s2 =	sadd.s32 $0xF4280, s2  }
0x6b: {  	(v2sf) =	vpush v24, $0x4;
	[tilespmem:s9], [sflag:$0x1] =	stream.linear.gather [hbm4b:s2+s4], $0x400, $0x38;
	[tilespmem:$0x10780] =	vst v63  }
0x6c: {  	s2 =	sand.u32 $0xFFFFF80, s10  }
0x6d: {  	s20 =	simm.s32 $0xA400;
	s2 =	sadd.s32 s1, s2  }
0x6e: {  	[tilespmem:s20], [sflag:$0x2] =	stream.linear.gather [hbm4b:s2+s4], $0x400, $0x38;
	[tilespmem:$0x10780] =	vst v63  }
0x6f: {  	s21 =	simm.s32 $0xAC00;
	s2 =	sadd.s32 $0xF4280, s2  }
0x70: {  	[tilespmem:s21], [sflag:$0x2] =	stream.linear.gather [hbm4b:s2+s4], $0x400, $0x38;
	[tilespmem:$0x10780] =	vst v63  }
0x71: {  	s22 =	spop (v2sf)  }
0x72: {  	(v2sf) =	vpush v25, $0x4;
	s2 =	sand.u32 $0xFFFFF80, s22  }
0x73: {  	s23 =	simm.s32 $0x3400;
	s2 =	sadd.s32 s0, s2  }
0x74: {  	[tilespmem:s23], [sflag:$0x1] =	stream.linear.gather [hbm4b:s2+s4], $0x400, $0x38;
	[tilespmem:$0x10780] =	vst v63  }
0x75: {  	s24 =	simm.s32 $0x3C00;
	s25 =	spop (v2sf);
	s2 =	sadd.s32 $0xF4280, s2  }
0x76: {  	(v2sf) =	vpush v24, $0x5;
	[tilespmem:s24], [sflag:$0x1] =	stream.linear.gather [hbm4b:s2+s4], $0x400, $0x38;
	[tilespmem:$0x10780] =	vst v63  }
0x77: {  	s2 =	sand.u32 $0xFFFFF80, s25  }
0x78: {  	s26 =	simm.s32 $0xB400;
	s2 =	sadd.s32 s1, s2  }
0x79: {  	[tilespmem:s26], [sflag:$0x2] =	stream.linear.gather [hbm4b:s2+s4], $0x400, $0x38;
	[tilespmem:$0x10780] =	vst v63  }
0x7a: {  	s28 =	simm.s32 $0xBC00;
	s29 =	spop (v2sf);
	s2 =	sadd.s32 $0xF4280, s2  }
0x7b: {  	(v2sf) =	vpush v25, $0x5;
	[tilespmem:s28], [sflag:$0x2] =	stream.linear.gather [hbm4b:s2+s4], $0x400, $0x38;
	[tilespmem:$0x10780] =	vst v63  }
0x7c: {  	s2 =	sand.u32 $0xFFFFF80, s29  }
0x7d: {  	s30 =	simm.s32 $0x4400;
	s2 =	sadd.s32 s0, s2  }
0x7e: {  	[tilespmem:s30], [sflag:$0x1] =	stream.linear.gather [hbm4b:s2+s4], $0x400, $0x38;
	[tilespmem:$0x10780] =	vst v63  }
0x7f: {  	s31 =	simm.s32 $0x4C00;
	s2 =	sadd.s32 $0xF4280, s2  }
0x80: {  	[tilespmem:s31], [sflag:$0x1] =	stream.linear.gather [hbm4b:s2+s4], $0x400, $0x38;
	[tilespmem:$0x10780] =	vst v63  }
0x81: {  	s5 =	spop (v2sf)  }
0x82: {  	(v2sf) =	vpush v24, $0x6;
	s2 =	sand.u32 $0xFFFFF80, s5  }
0x83: {  	s6 =	simm.s32 $0xC400;
	s2 =	sadd.s32 s1, s2  }
0x84: {  	[tilespmem:s6], [sflag:$0x2] =	stream.linear.gather [hbm4b:s2+s4], $0x400, $0x38;
	[tilespmem:$0x10780] =	vst v63  }
0x85: {  	s7 =	simm.s32 $0xCC00;
	s8 =	spop (v2sf);
	s2 =	sadd.s32 $0xF4280, s2  }
0x86: {  	(v2sf) =	vpush v25, $0x6;
	[tilespmem:s7], [sflag:$0x2] =	stream.linear.gather [hbm4b:s2+s4], $0x400, $0x38;
	[tilespmem:$0x10780] =	vst v63  }
0x87: {  	s2 =	sand.u32 $0xFFFFF80, s8  }
0x88: {  	s9 =	simm.s32 $0x5400;
	s2 =	sadd.s32 s0, s2  }
0x89: {  	[tilespmem:s9], [sflag:$0x1] =	stream.linear.gather [hbm4b:s2+s4], $0x400, $0x38;
	[tilespmem:$0x10780] =	vst v63  }
0x8a: {  	s10 =	simm.s32 $0x5C00;
	s20 =	spop (v2sf);
	s2 =	sadd.s32 $0xF4280, s2  }
0x8b: {  	(v2sf) =	vpush v24, $0x7;
	[tilespmem:s10], [sflag:$0x1] =	stream.linear.gather [hbm4b:s2+s4], $0x400, $0x38;
	[tilespmem:$0x10780] =	vst v63  }
0x8c: {  	s2 =	sand.u32 $0xFFFFF80, s20  }
0x8d: {  	s21 =	simm.s32 $0xD400;
	s2 =	sadd.s32 s1, s2  }
0x8e: {  	[tilespmem:s21], [sflag:$0x2] =	stream.linear.gather [hbm4b:s2+s4], $0x400, $0x38;
	[tilespmem:$0x10780] =	vst v63  }
0x8f: {  	s22 =	simm.s32 $0xDC00;
	s2 =	sadd.s32 $0xF4280, s2  }
0x90: {  	[tilespmem:s22], [sflag:$0x2] =	stream.linear.gather [hbm4b:s2+s4], $0x400, $0x38;
	[tilespmem:$0x10780] =	vst v63  }
0x91: {  	s23 =	spop (v2sf)  }
0x92: {  	(v2sf) =	vpush v25, $0x7;
	s2 =	sand.u32 $0xFFFFF80, s23  }
0x93: {  	s24 =	simm.s32 $0x6400;
	s2 =	sadd.s32 s0, s2  }
0x94: {  	[tilespmem:s24], [sflag:$0x1] =	stream.linear.gather [hbm4b:s2+s4], $0x400, $0x38;
	[tilespmem:$0x10780] =	vst v63  }
0x95: {  	s25 =	simm.s32 $0x6C00;
	s26 =	spop (v2sf);
	s2 =	sadd.s32 $0xF4280, s2  }
0x96: {  	[tilespmem:s25], [sflag:$0x1] =	stream.linear.gather [hbm4b:s2+s4], $0x400, $0x38;
	[tilespmem:$0x10780] =	vst v63  }
0x97: {  	s2 =	sand.u32 $0xFFFFF80, s26  }
0x98: {  	s28 =	simm.s32 $0xE400;
	s2 =	sadd.s32 s1, s2  }
0x99: {  	[tilespmem:s28], [sflag:$0x2] =	stream.linear.gather [hbm4b:s2+s4], $0x400, $0x38;
	[tilespmem:$0x10780] =	vst v63  }
0x9a: {  	s29 =	simm.s32 $0xEC00;
	s30 =	spop (v2sf);
	s2 =	sadd.s32 $0xF4280, s2  }
0x9b: {  	[tilespmem:s29], [sflag:$0x2] =	stream.linear.gather [hbm4b:s2+s4], $0x400, $0x38;
	[tilespmem:$0x10780] =	vst v63  }
0x9c: {  	s2 =	sand.u32 $0xFFFFF80, s30  }
0x9d: {  	s2 =	sadd.s32 s0, s2  }
0x9e: {  	[tilespmem:s12], [sflag:$0x1] =	stream.linear.gather [hbm4b:s2+s4], $0x400, $0x38;
	[tilespmem:$0x10780] =	vst v63  }
0x9f: {  	s2 =	sadd.s32 $0xF4280, s2  }
0xa0: {  	[tilespmem:s14], [sflag:$0x1] =	stream.linear.gather [hbm4b:s2+s4], $0x400, $0x38;
	[tilespmem:$0x10780] =	vst v63  }
0xa1: {  	s31 =	spop (v2sf)  }
.Ltmp2:
0xa2: {  	s2 =	sand.u32 $0xFFFFF80, s31;
	(pc) =	sbr.rel .LBB2_2-.Ltmp2, $4  }
0xa3: {  	s2 =	sadd.s32 s1, s2  }
0xa4: {  	[tilespmem:s15], [sflag:$0x2] =	stream.linear.gather [hbm4b:s2+s4], $0x400, $0x38;
	[tilespmem:$0x10780] =	vst v63  }
0xa5: {  	s20 =	simm.s32 $0x0;
	s2 =	sadd.s32 $0xF4280, s2  }
0xa6: {  	[tilespmem:s16], [sflag:$0x2] =	stream.linear.gather [hbm4b:s2+s4], $0x400, $0x38;
	[tilespmem:$0x10780] =	vst v63  }
.LBB2_4:
0xa7: {  	_ =	sdelay $0x3  }
0xa8: {  	v24 =	vld.idx.msk [tilespmem:v5+s19+$0x0], $0xffff;
	_ =	sdelay $0x1  }
0xa9: {  	v25 =	vld.idx.msk [tilespmem:v9+s19+$0x0], $0xffff;
	_ =	sdelay $0x1  }
0xaa: {  	v26 =	vld.idx.msk [tilespmem:v10+s19+$0x0], $0xffff  }
0xab: {  	v24 =	vadd.f32 $0.0e+00, v24  }
0xac: {  	v27 =	vld.idx.msk [tilespmem:v11+s19+$0x0], $0xffff  }
0xad: {  	v24 =	vadd.f32 v25, v24  }
0xae: {  	v52 =	vld.idx.msk [tilespmem:v12+s19+$0x0], $0xffff  }
0xaf: {  	v24 =	vadd.f32 v26, v24  }
0xb0: {  	v53 =	vld.idx.msk [tilespmem:v13+s19+$0x0], $0xffff  }
0xb1: {  	v24 =	vadd.f32 v27, v24  }
0xb2: {  	v54 =	vld.idx.msk [tilespmem:v14+s19+$0x0], $0xffff  }
0xb3: {  	v24 =	vadd.f32 v52, v24  }
0xb4: {  	v55 =	vld.idx.msk [tilespmem:v15+s19+$0x0], $0xffff  }
0xb5: {  	v24 =	vadd.f32 v53, v24  }
0xb6: {  	v56 =	vld.idx.msk [tilespmem:v16+s19+$0x0], $0xffff  }
0xb7: {  	v24 =	vadd.f32 v54, v24  }
0xb8: {  	v57 =	vld.idx.msk [tilespmem:v17+s19+$0x0], $0xffff  }
0xb9: {  	v24 =	vadd.f32 v55, v24  }
0xba: {  	v58 =	vld.idx.msk [tilespmem:v18+s19+$0x0], $0xffff  }
0xbb: {  	v24 =	vadd.f32 v56, v24  }
0xbc: {  	v59 =	vld.idx.msk [tilespmem:v19+s19+$0x0], $0xffff  }
0xbd: {  	v24 =	vadd.f32 v57, v24  }
0xbe: {  	v60 =	vld.idx.msk [tilespmem:v20+s19+$0x0], $0xffff  }
0xbf: {  	v24 =	vadd.f32 v58, v24  }
0xc0: {  	v61 =	vld.idx.msk [tilespmem:v21+s19+$0x0], $0xffff  }
0xc1: {  	v24 =	vadd.f32 v59, v24  }
0xc2: {  	v62 =	vld.idx.msk [tilespmem:v22+s19+$0x0], $0xffff  }
0xc3: {  	v24 =	vadd.f32 v60, v24  }
0xc4: {  	v63 =	vld.idx.msk [tilespmem:v23+s19+$0x0], $0xffff  }
0xc5: {  	s20 =	sadd.s32 $0x40, s20;
	v24 =	vadd.f32 v61, v24  }
0xc6: {  	p0 =	sne.s32 s20, $0x800  }
.Ltmp3:
0xc7: {  	v24 =	vadd.f32 v62, v24;
	(pc) =	sbr.rel @!p0 .LBB2_5-.Ltmp3, $3  }
0xc8: {  	_ = 	snop  }
0xc9: {  	v24 =	vadd.f32 v63, v24;
	_ =	sdelay $0x1  }
0xca: {  	[tilespmem:s21+$0x10580] =	vst v24  }
.LBB2_2:
0xcb: {  	s21 =	sshra.s32 s20, $0x2  }
0xcc: {  	v25 =	vld [tilespmem:s21+$0x0]  }
0xcd: {  	v24 =	vld [tilespmem:s21+$0x200];
	_ =	swait.ge [sflag:s17], $0x800  }
0xce: {  	[sflag:s17] =	ssyncset.done $0x0  }
0xcf: {  	[sflag:s17] =	ssyncadd.s32 $0xFFFFF800  }
0xd0: {  	_ =	swait.ge [sflag:s18], $0x800  }
0xd1: {  	(v2sf) =	vpush v25, $0x0  }
0xd2: {  	(v2sf) =	vpush v24, $0x0;
	_ =	sdelay $0xb  }
0xd3: {  	(v2sf) =	vpush v25, $0x8;
	_ =	sdelay $0x1  }
0xd4: {  	s2 =	spop (v2sf)  }
0xd5: {  	s2 =	sand.u32 $0x7F, s2;
	s3 =	spop (v2sf)  }
0xd6: {  	s3 =	sand.u32 $0x7F, s3;
	v26 =	vor.u32 s2, v0  }
0xd7: {  	v27 =	vor.u32 s3, v0  }
0xd8: {  	(v2sf) =	vpush v24, $0x8  }
0xd9: {  	[sflag:s18] =	ssyncset.done $0x0  }
0xda: {  	[sflag:s18] =	ssyncadd.s32 $0xFFFFF800  }
0xdb: {  	v26 =	vld.idx.msk [tilespmem:v26+s11+$0x0], $0xffff  }
0xdc: {  	v27 =	vld.idx.msk [tilespmem:v27+s13+$0x0], $0xffff;
	_ =	sdelay $0x4  }
0xdd: {  	s22 =	spop (v2sf);
	v26 =	vmul.f32 v27, v26  }
0xde: {  	s10 =	sand.u32 $0xFFFFF80, s22  }
0xdf: {  	s2 =	sadd.s32 s0, s10;
	[tilespmem:$0x10400] =	vst v26  }
0xe0: {  	[tilespmem:s11], [sflag:$0x1] =	stream.linear.gather [hbm4b:s2+s4], $0x400, $0x38;
	[tilespmem:$0x10780] =	vst v63  }
0xe1: {  	s23 =	simm.s32 $0xC00;
	s2 =	sadd.s32 $0xF4280, s2  }
0xe2: {  	[tilespmem:s23], [sflag:$0x1] =	stream.linear.gather [hbm4b:s2+s4], $0x400, $0x38;
	[tilespmem:$0x10780] =	vst v63  }
0xe3: {  	s23 =	spop (v2sf)  }
0xe4: {  	s24 =	sand.u32 $0xFFFFF80, s23  }
0xe5: {  	s2 =	sadd.s32 s1, s24  }
0xe6: {  	[tilespmem:s13], [sflag:$0x2] =	stream.linear.gather [hbm4b:s2+s4], $0x400, $0x38;
	[tilespmem:$0x10780] =	vst v63  }
0xe7: {  	s25 =	simm.s32 $0x8C00;
	s2 =	sadd.s32 $0xF4280, s2  }
0xe8: {  	[tilespmem:s25], [sflag:$0x2] =	stream.linear.gather [hbm4b:s2+s4], $0x400, $0x38;
	[tilespmem:$0x10780] =	vst v63  }
0xe9: {  	_ =	swait.ge [sflag:s17], $0x800  }
0xea: {  	[sflag:s17] =	ssyncset.done $0x0  }
0xeb: {  	[sflag:s17] =	ssyncadd.s32 $0xFFFFF800  }
0xec: {  	_ =	swait.ge [sflag:s18], $0x800  }
0xed: {  	(v2sf) =	vpush v25, $0x1  }
0xee: {  	(v2sf) =	vpush v24, $0x1;
	_ =	sdelay $0xb  }
0xef: {  	(v2sf) =	vpush v25, $0x9;
	_ =	sdelay $0x1  }
0xf0: {  	s26 =	spop (v2sf)  }
0xf1: {  	s2 =	sand.u32 $0x7F, s26;
	s28 =	spop (v2sf)  }
0xf2: {  	(v2sf) =	vpush v24, $0x9;
	s3 =	sand.u32 $0x7F, s28;
	v32 =	vor.u32 s2, v1  }
0xf3: {  	v33 =	vor.u32 s3, v1;
	_ =	sdelay $0x1  }
0xf4: {  	[sflag:s18] =	ssyncset.done $0x0  }
0xf5: {  	[sflag:s18] =	ssyncadd.s32 $0xFFFFF800  }
0xf6: {  	v26 =	vld.idx.msk [tilespmem:v32+s11+$0x0], $0xffff  }
0xf7: {  	v27 =	vld.idx.msk [tilespmem:v33+s13+$0x0], $0xffff;
	_ =	sdelay $0x4  }
0xf8: {  	s24 =	spop (v2sf);
	v26 =	vmul.f32 v27, v26  }
0xf9: {  	s29 =	sand.u32 $0xFFFFF80, s24  }
0xfa: {  	s30 =	simm.s32 $0x1400;
	s2 =	sadd.s32 s0, s29;
	[tilespmem:$0x10411] =	vst v26  }
0xfb: {  	[tilespmem:s30], [sflag:$0x1] =	stream.linear.gather [hbm4b:s2+s4], $0x400, $0x38;
	[tilespmem:$0x10780] =	vst v63  }
0xfc: {  	s25 =	spop (v2sf)  }
0xfd: {  	s31 =	simm.s32 $0x1C00;
	s2 =	sadd.s32 $0xF4280, s2;
	s3 =	sand.u32 $0xFFFFF80, s25  }
0xfe: {  	[tilespmem:s31], [sflag:$0x1] =	stream.linear.gather [hbm4b:s2+s4], $0x400, $0x38;
	[tilespmem:$0x10780] =	vst v63  }
0xff: {  	s5 =	simm.s32 $0x9400;
	s2 =	sadd.s32 s1, s3  }
0x100: {  	[tilespmem:s5], [sflag:$0x2] =	stream.linear.gather [hbm4b:s2+s4], $0x400, $0x38;
	[tilespmem:$0x10780] =	vst v63  }
0x101: {  	s6 =	simm.s32 $0x9C00;
	s2 =	sadd.s32 $0xF4280, s2  }
0x102: {  	[tilespmem:s6], [sflag:$0x2] =	stream.linear.gather [hbm4b:s2+s4], $0x400, $0x38;
	[tilespmem:$0x10780] =	vst v63  }
0x103: {  	_ =	swait.ge [sflag:s17], $0x800  }
0x104: {  	[sflag:s17] =	ssyncset.done $0x0  }
0x105: {  	[sflag:s17] =	ssyncadd.s32 $0xFFFFF800  }
0x106: {  	_ =	swait.ge [sflag:s18], $0x800  }
0x107: {  	(v2sf) =	vpush v25, $0x2  }
0x108: {  	(v2sf) =	vpush v24, $0x2;
	_ =	sdelay $0xb  }
0x109: {  	(v2sf) =	vpush v25, $0xA;
	_ =	sdelay $0x1  }
0x10a: {  	s7 =	spop (v2sf)  }
0x10b: {  	s2 =	sand.u32 $0x7F, s7;
	s8 =	spop (v2sf)  }
0x10c: {  	s3 =	sand.u32 $0x7F, s8;
	v34 =	vor.u32 s2, v2  }
0x10d: {  	v35 =	vor.u32 s3, v2  }
0x10e: {  	(v2sf) =	vpush v24, $0xA  }
0x10f: {  	[sflag:s18] =	ssyncset.done $0x0  }
0x110: {  	[sflag:s18] =	ssyncadd.s32 $0xFFFFF800  }
0x111: {  	v26 =	vld.idx.msk [tilespmem:v34+s11+$0x0], $0xffff  }
0x112: {  	v27 =	vld.idx.msk [tilespmem:v35+s13+$0x0], $0xffff;
	_ =	sdelay $0x4  }
0x113: {  	s26 =	spop (v2sf);
	v26 =	vmul.f32 v27, v26  }
0x114: {  	s9 =	sand.u32 $0xFFFFF80, s26  }
0x115: {  	s10 =	simm.s32 $0x2400;
	s2 =	sadd.s32 s0, s9;
	[tilespmem:$0x10422] =	vst v26  }
0x116: {  	[tilespmem:s10], [sflag:$0x1] =	stream.linear.gather [hbm4b:s2+s4], $0x400, $0x38;
	[tilespmem:$0x10780] =	vst v63  }
0x117: {  	s28 =	simm.s32 $0x2C00;
	s2 =	sadd.s32 $0xF4280, s2  }
0x118: {  	[tilespmem:s28], [sflag:$0x1] =	stream.linear.gather [hbm4b:s2+s4], $0x400, $0x38;
	[tilespmem:$0x10780] =	vst v63  }
0x119: {  	s28 =	spop (v2sf)  }
0x11a: {  	s29 =	sand.u32 $0xFFFFF80, s28  }
0x11b: {  	s30 =	simm.s32 $0xA400;
	s2 =	sadd.s32 s1, s29  }
0x11c: {  	[tilespmem:s30], [sflag:$0x2] =	stream.linear.gather [hbm4b:s2+s4], $0x400, $0x38;
	[tilespmem:$0x10780] =	vst v63  }
0x11d: {  	s31 =	simm.s32 $0xAC00;
	s2 =	sadd.s32 $0xF4280, s2  }
0x11e: {  	[tilespmem:s31], [sflag:$0x2] =	stream.linear.gather [hbm4b:s2+s4], $0x400, $0x38;
	[tilespmem:$0x10780] =	vst v63  }
0x11f: {  	_ =	swait.ge [sflag:s17], $0x800  }
0x120: {  	[sflag:s17] =	ssyncset.done $0x0  }
0x121: {  	[sflag:s17] =	ssyncadd.s32 $0xFFFFF800  }
0x122: {  	_ =	swait.ge [sflag:s18], $0x800  }
0x123: {  	(v2sf) =	vpush v25, $0x3  }
0x124: {  	(v2sf) =	vpush v24, $0x3;
	_ =	sdelay $0xb  }
0x125: {  	(v2sf) =	vpush v25, $0xB;
	_ =	sdelay $0x1  }
0x126: {  	s5 =	spop (v2sf)  }
0x127: {  	s2 =	sand.u32 $0x7F, s5;
	s6 =	spop (v2sf)  }
0x128: {  	(v2sf) =	vpush v24, $0xB;
	s3 =	sand.u32 $0x7F, s6;
	v36 =	vor.u32 s2, v3  }
0x129: {  	v37 =	vor.u32 s3, v3;
	_ =	sdelay $0x1  }
0x12a: {  	[sflag:s18] =	ssyncset.done $0x0  }
0x12b: {  	[sflag:s18] =	ssyncadd.s32 $0xFFFFF800  }
0x12c: {  	v26 =	vld.idx.msk [tilespmem:v36+s11+$0x0], $0xffff  }
0x12d: {  	v27 =	vld.idx.msk [tilespmem:v37+s13+$0x0], $0xffff;
	_ =	sdelay $0x4  }
0x12e: {  	s29 =	spop (v2sf);
	v26 =	vmul.f32 v27, v26  }
0x12f: {  	s7 =	sand.u32 $0xFFFFF80, s29  }
0x130: {  	s8 =	simm.s32 $0x3400;
	s2 =	sadd.s32 s0, s7;
	[tilespmem:$0x10433] =	vst v26  }
0x131: {  	[tilespmem:s8], [sflag:$0x1] =	stream.linear.gather [hbm4b:s2+s4], $0x400, $0x38;
	[tilespmem:$0x10780] =	vst v63  }
0x132: {  	s30 =	spop (v2sf)  }
0x133: {  	s9 =	simm.s32 $0x3C00;
	s2 =	sadd.s32 $0xF4280, s2;
	s10 =	sand.u32 $0xFFFFF80, s30  }
0x134: {  	[tilespmem:s9], [sflag:$0x1] =	stream.linear.gather [hbm4b:s2+s4], $0x400, $0x38;
	[tilespmem:$0x10780] =	vst v63  }
0x135: {  	s31 =	simm.s32 $0xB400;
	s2 =	sadd.s32 s1, s10  }
0x136: {  	[tilespmem:s31], [sflag:$0x2] =	stream.linear.gather [hbm4b:s2+s4], $0x400, $0x38;
	[tilespmem:$0x10780] =	vst v63  }
0x137: {  	s5 =	simm.s32 $0xBC00;
	s2 =	sadd.s32 $0xF4280, s2  }
0x138: {  	[tilespmem:s5], [sflag:$0x2] =	stream.linear.gather [hbm4b:s2+s4], $0x400, $0x38;
	[tilespmem:$0x10780] =	vst v63  }
0x139: {  	_ =	swait.ge [sflag:s17], $0x800  }
0x13a: {  	[sflag:s17] =	ssyncset.done $0x0  }
0x13b: {  	[sflag:s17] =	ssyncadd.s32 $0xFFFFF800  }
0x13c: {  	_ =	swait.ge [sflag:s18], $0x800  }
0x13d: {  	(v2sf) =	vpush v25, $0x4  }
0x13e: {  	(v2sf) =	vpush v24, $0x4;
	_ =	sdelay $0xb  }
0x13f: {  	(v2sf) =	vpush v25, $0xC;
	_ =	sdelay $0x1  }
0x140: {  	s6 =	spop (v2sf)  }
0x141: {  	s2 =	sand.u32 $0x7F, s6;
	s7 =	spop (v2sf)  }
0x142: {  	s3 =	sand.u32 $0x7F, s7;
	v38 =	vor.u32 s2, v4  }
0x143: {  	v39 =	vor.u32 s3, v4  }
0x144: {  	(v2sf) =	vpush v24, $0xC  }
0x145: {  	[sflag:s18] =	ssyncset.done $0x0  }
0x146: {  	[sflag:s18] =	ssyncadd.s32 $0xFFFFF800  }
0x147: {  	v26 =	vld.idx.msk [tilespmem:v38+s11+$0x0], $0xffff  }
0x148: {  	v27 =	vld.idx.msk [tilespmem:v39+s13+$0x0], $0xffff;
	_ =	sdelay $0x4  }
0x149: {  	s31 =	spop (v2sf);
	v26 =	vmul.f32 v27, v26  }
0x14a: {  	s8 =	sand.u32 $0xFFFFF80, s31  }
0x14b: {  	s9 =	simm.s32 $0x4400;
	s2 =	sadd.s32 s0, s8;
	[tilespmem:$0x10444] =	vst v26  }
0x14c: {  	[tilespmem:s9], [sflag:$0x1] =	stream.linear.gather [hbm4b:s2+s4], $0x400, $0x38;
	[tilespmem:$0x10780] =	vst v63  }
0x14d: {  	s10 =	simm.s32 $0x4C00;
	s2 =	sadd.s32 $0xF4280, s2  }
0x14e: {  	[tilespmem:s10], [sflag:$0x1] =	stream.linear.gather [hbm4b:s2+s4], $0x400, $0x38;
	[tilespmem:$0x10780] =	vst v63  }
0x14f: {  	s2 =	spop (v2sf)  }
0x150: {  	s5 =	sand.u32 $0xFFFFF80, s2  }
0x151: {  	s3 =	sadd.s32 s1, s5;
	s5 =	simm.s32 $0xC400  }
0x152: {  	[tilespmem:s5], [sflag:$0x2] =	stream.linear.gather [hbm4b:s3+s4], $0x400, $0x38;
	[tilespmem:$0x10780] =	vst v63  }
0x153: {  	s6 =	simm.s32 $0xCC00;
	s3 =	sadd.s32 $0xF4280, s3  }
0x154: {  	[tilespmem:s6], [sflag:$0x2] =	stream.linear.gather [hbm4b:s3+s4], $0x400, $0x38;
	[tilespmem:$0x10780] =	vst v63  }
0x155: {  	_ =	swait.ge [sflag:s17], $0x800  }
0x156: {  	[sflag:s17] =	ssyncset.done $0x0  }
0x157: {  	[sflag:s17] =	ssyncadd.s32 $0xFFFFF800  }
0x158: {  	_ =	swait.ge [sflag:s18], $0x800  }
0x159: {  	(v2sf) =	vpush v25, $0x5  }
0x15a: {  	(v2sf) =	vpush v24, $0x5;
	_ =	sdelay $0xb  }
0x15b: {  	(v2sf) =	vpush v25, $0xD;
	_ =	sdelay $0x1  }
0x15c: {  	s7 =	spop (v2sf)  }
0x15d: {  	s3 =	sand.u32 $0x7F, s7;
	s8 =	spop (v2sf)  }
0x15e: {  	s5 =	sand.u32 $0x7F, s8;
	v40 =	vor.u32 s3, v6  }
0x15f: {  	v41 =	vor.u32 s5, v6  }
0x160: {  	(v2sf) =	vpush v24, $0xD  }
0x161: {  	[sflag:s18] =	ssyncset.done $0x0  }
0x162: {  	[sflag:s18] =	ssyncadd.s32 $0xFFFFF800  }
0x163: {  	v26 =	vld.idx.msk [tilespmem:v40+s11+$0x0], $0xffff  }
0x164: {  	v27 =	vld.idx.msk [tilespmem:v41+s13+$0x0], $0xffff;
	_ =	sdelay $0x4  }
0x165: {  	s3 =	spop (v2sf);
	v26 =	vmul.f32 v27, v26  }
0x166: {  	s9 =	sand.u32 $0xFFFFF80, s3  }
0x167: {  	s6 =	simm.s32 $0x5400;
	s5 =	sadd.s32 s0, s9;
	[tilespmem:$0x10455] =	vst v26  }
0x168: {  	[tilespmem:s6], [sflag:$0x1] =	stream.linear.gather [hbm4b:s5+s4], $0x400, $0x38;
	[tilespmem:$0x10780] =	vst v63  }
0x169: {  	s10 =	simm.s32 $0x5C00;
	s5 =	sadd.s32 $0xF4280, s5  }
0x16a: {  	[tilespmem:s10], [sflag:$0x1] =	stream.linear.gather [hbm4b:s5+s4], $0x400, $0x38;
	[tilespmem:$0x10780] =	vst v63  }
0x16b: {  	s10 =	spop (v2sf)  }
0x16c: {  	s7 =	sand.u32 $0xFFFFF80, s10  }
0x16d: {  	s8 =	simm.s32 $0xD400;
	s5 =	sadd.s32 s1, s7  }
0x16e: {  	[tilespmem:s8], [sflag:$0x2] =	stream.linear.gather [hbm4b:s5+s4], $0x400, $0x38;
	[tilespmem:$0x10780] =	vst v63  }
0x16f: {  	s9 =	simm.s32 $0xDC00;
	s5 =	sadd.s32 $0xF4280, s5  }
0x170: {  	[tilespmem:s9], [sflag:$0x2] =	stream.linear.gather [hbm4b:s5+s4], $0x400, $0x38;
	[tilespmem:$0x10780] =	vst v63  }
0x171: {  	_ =	swait.ge [sflag:s17], $0x800  }
0x172: {  	[sflag:s17] =	ssyncset.done $0x0  }
0x173: {  	[sflag:s17] =	ssyncadd.s32 $0xFFFFF800  }
0x174: {  	_ =	swait.ge [sflag:s18], $0x800  }
0x175: {  	(v2sf) =	vpush v25, $0x6  }
0x176: {  	(v2sf) =	vpush v24, $0x6;
	_ =	sdelay $0xb  }
0x177: {  	(v2sf) =	vpush v25, $0xE;
	_ =	sdelay $0x1  }
0x178: {  	s6 =	spop (v2sf)  }
0x179: {  	s5 =	sand.u32 $0x7F, s6;
	s7 =	spop (v2sf)  }
0x17a: {  	s6 =	sand.u32 $0x7F, s7;
	v42 =	vor.u32 s5, v7  }
0x17b: {  	v43 =	vor.u32 s6, v7  }
0x17c: {  	(v2sf) =	vpush v24, $0xE  }
0x17d: {  	[sflag:s18] =	ssyncset.done $0x0  }
0x17e: {  	[sflag:s18] =	ssyncadd.s32 $0xFFFFF800  }
0x17f: {  	v26 =	vld.idx.msk [tilespmem:v42+s11+$0x0], $0xffff  }
0x180: {  	v27 =	vld.idx.msk [tilespmem:v43+s13+$0x0], $0xffff;
	_ =	sdelay $0x4  }
0x181: {  	s5 =	spop (v2sf);
	v26 =	vmul.f32 v27, v26  }
0x182: {  	s8 =	sand.u32 $0xFFFFF80, s5  }
0x183: {  	s7 =	simm.s32 $0x6400;
	s6 =	sadd.s32 s0, s8;
	[tilespmem:$0x10466] =	vst v26  }
0x184: {  	[tilespmem:s7], [sflag:$0x1] =	stream.linear.gather [hbm4b:s6+s4], $0x400, $0x38;
	[tilespmem:$0x10780] =	vst v63  }
0x185: {  	s9 =	simm.s32 $0x6C00;
	s6 =	sadd.s32 $0xF4280, s6  }
0x186: {  	[tilespmem:s9], [sflag:$0x1] =	stream.linear.gather [hbm4b:s6+s4], $0x400, $0x38;
	[tilespmem:$0x10780] =	vst v63  }
0x187: {  	s6 =	spop (v2sf)  }
0x188: {  	s8 =	sand.u32 $0xFFFFF80, s6  }
0x189: {  	s7 =	sadd.s32 s1, s8;
	s8 =	simm.s32 $0xE400  }
0x18a: {  	[tilespmem:s8], [sflag:$0x2] =	stream.linear.gather [hbm4b:s7+s4], $0x400, $0x38;
	[tilespmem:$0x10780] =	vst v63  }
0x18b: {  	s9 =	simm.s32 $0xEC00;
	s7 =	sadd.s32 $0xF4280, s7  }
0x18c: {  	[tilespmem:s9], [sflag:$0x2] =	stream.linear.gather [hbm4b:s7+s4], $0x400, $0x38;
	[tilespmem:$0x10780] =	vst v63  }
0x18d: {  	_ =	swait.ge [sflag:s17], $0x800  }
0x18e: {  	[sflag:s17] =	ssyncset.done $0x0  }
0x18f: {  	[sflag:s17] =	ssyncadd.s32 $0xFFFFF800  }
0x190: {  	_ =	swait.ge [sflag:s18], $0x800  }
0x191: {  	(v2sf) =	vpush v25, $0x7  }
0x192: {  	(v2sf) =	vpush v24, $0x7;
	_ =	sdelay $0xb  }
0x193: {  	(v2sf) =	vpush v25, $0xF;
	_ =	sdelay $0x1  }
0x194: {  	s8 =	spop (v2sf)  }
0x195: {  	s7 =	sand.u32 $0x7F, s8;
	s9 =	spop (v2sf)  }
0x196: {  	s8 =	sand.u32 $0x7F, s9;
	v44 =	vor.u32 s7, v8  }
0x197: {  	v45 =	vor.u32 s8, v8  }
0x198: {  	(v2sf) =	vpush v24, $0xF  }
0x199: {  	[sflag:s18] =	ssyncset.done $0x0  }
0x19a: {  	[sflag:s18] =	ssyncadd.s32 $0xFFFFF800  }
0x19b: {  	v46 =	vld.idx.msk [tilespmem:v44+s11+$0x0], $0xffff  }
0x19c: {  	v47 =	vld.idx.msk [tilespmem:v45+s13+$0x0], $0xffff;
	_ =	sdelay $0x4  }
0x19d: {  	s7 =	spop (v2sf);
	v24 =	vmul.f32 v47, v46  }
0x19e: {  	s9 =	sand.u32 $0xFFFFF80, s7  }
0x19f: {  	s8 =	sadd.s32 s0, s9;
	[tilespmem:$0x10477] =	vst v24  }
0x1a0: {  	[tilespmem:s12], [sflag:$0x1] =	stream.linear.gather [hbm4b:s8+s4], $0x400, $0x38;
	[tilespmem:$0x10780] =	vst v63  }
0x1a1: {  	s8 =	sadd.s32 $0xF4280, s8  }
0x1a2: {  	[tilespmem:s14], [sflag:$0x1] =	stream.linear.gather [hbm4b:s8+s4], $0x400, $0x38;
	[tilespmem:$0x10780] =	vst v63  }
0x1a3: {  	s8 =	spop (v2sf)  }
0x1a4: {  	s9 =	sand.u32 $0xFFFFF80, s8  }
0x1a5: {  	s9 =	sadd.s32 s1, s9  }
0x1a6: {  	[tilespmem:s15], [sflag:$0x2] =	stream.linear.gather [hbm4b:s9+s4], $0x400, $0x38;
	[tilespmem:$0x10780] =	vst v63  }
0x1a7: {  	s9 =	sadd.s32 $0xF4280, s9  }
0x1a8: {  	[tilespmem:s16], [sflag:$0x2] =	stream.linear.gather [hbm4b:s9+s4], $0x400, $0x38;
	[tilespmem:$0x10780] =	vst v63  }
0x1a9: {  	s22 =	sand.u32 $0x7F, s22;
	_ =	swait.ge [sflag:s17], $0x800  }
0x1aa: {  	v48 =	vor.u32 s22, v0;
	s23 =	sand.u32 $0x7F, s23;
	[sflag:s17] =	ssyncset.done $0x0  }
0x1ab: {  	v49 =	vor.u32 s23, v0;
	[sflag:s17] =	ssyncadd.s32 $0xFFFFF800  }
0x1ac: {  	_ =	swait.ge [sflag:s18], $0x800  }
0x1ad: {  	[sflag:s18] =	ssyncset.done $0x0  }
0x1ae: {  	[sflag:s18] =	ssyncadd.s32 $0xFFFFF800  }
0x1af: {  	v24 =	vld.idx.msk [tilespmem:v48+s11+$0x0], $0xffff  }
0x1b0: {  	v25 =	vld.idx.msk [tilespmem:v49+s13+$0x0], $0xffff;
	_ =	sdelay $0x4  }
0x1b1: {  	v24 =	vmul.f32 v25, v24;
	_ =	sdelay $0x1  }
0x1b2: {  	[tilespmem:$0x10488] =	vst v24  }
0x1b3: {  	s24 =	sand.u32 $0x7F, s24;
	_ =	swait.ge [sflag:s17], $0x800  }
0x1b4: {  	v50 =	vor.u32 s24, v1;
	s25 =	sand.u32 $0x7F, s25;
	[sflag:s17] =	ssyncset.done $0x0  }
0x1b5: {  	v51 =	vor.u32 s25, v1;
	[sflag:s17] =	ssyncadd.s32 $0xFFFFF800  }
0x1b6: {  	_ =	swait.ge [sflag:s18], $0x800  }
0x1b7: {  	[sflag:s18] =	ssyncset.done $0x0  }
0x1b8: {  	[sflag:s18] =	ssyncadd.s32 $0xFFFFF800  }
0x1b9: {  	v24 =	vld.idx.msk [tilespmem:v50+s11+$0x0], $0xffff  }
0x1ba: {  	v25 =	vld.idx.msk [tilespmem:v51+s13+$0x0], $0xffff;
	_ =	sdelay $0x4  }
0x1bb: {  	v24 =	vmul.f32 v25, v24;
	_ =	sdelay $0x1  }
0x1bc: {  	[tilespmem:$0x10499] =	vst v24  }
0x1bd: {  	s26 =	sand.u32 $0x7F, s26;
	_ =	swait.ge [sflag:s17], $0x800  }
0x1be: {  	v52 =	vor.u32 s26, v2;
	s28 =	sand.u32 $0x7F, s28;
	[sflag:s17] =	ssyncset.done $0x0  }
0x1bf: {  	v53 =	vor.u32 s28, v2;
	[sflag:s17] =	ssyncadd.s32 $0xFFFFF800  }
0x1c0: {  	_ =	swait.ge [sflag:s18], $0x800  }
0x1c1: {  	[sflag:s18] =	ssyncset.done $0x0  }
0x1c2: {  	[sflag:s18] =	ssyncadd.s32 $0xFFFFF800  }
0x1c3: {  	v24 =	vld.idx.msk [tilespmem:v52+s11+$0x0], $0xffff  }
0x1c4: {  	v25 =	vld.idx.msk [tilespmem:v53+s13+$0x0], $0xffff;
	_ =	sdelay $0x4  }
0x1c5: {  	v24 =	vmul.f32 v25, v24;
	_ =	sdelay $0x1  }
0x1c6: {  	[tilespmem:$0x104AA] =	vst v24  }
0x1c7: {  	s22 =	sand.u32 $0x7F, s29;
	_ =	swait.ge [sflag:s17], $0x800  }
0x1c8: {  	v54 =	vor.u32 s22, v3;
	s23 =	sand.u32 $0x7F, s30;
	[sflag:s17] =	ssyncset.done $0x0  }
0x1c9: {  	v55 =	vor.u32 s23, v3;
	[sflag:s17] =	ssyncadd.s32 $0xFFFFF800  }
0x1ca: {  	_ =	swait.ge [sflag:s18], $0x800  }
0x1cb: {  	[sflag:s18] =	ssyncset.done $0x0  }
0x1cc: {  	[sflag:s18] =	ssyncadd.s32 $0xFFFFF800  }
0x1cd: {  	v24 =	vld.idx.msk [tilespmem:v54+s11+$0x0], $0xffff  }
0x1ce: {  	v25 =	vld.idx.msk [tilespmem:v55+s13+$0x0], $0xffff;
	_ =	sdelay $0x4  }
0x1cf: {  	v24 =	vmul.f32 v25, v24;
	_ =	sdelay $0x1  }
0x1d0: {  	[tilespmem:$0x104BB] =	vst v24  }
0x1d1: {  	s24 =	sand.u32 $0x7F, s31;
	_ =	swait.ge [sflag:s17], $0x800  }
0x1d2: {  	v56 =	vor.u32 s24, v4;
	s2 =	sand.u32 $0x7F, s2;
	[sflag:s17] =	ssyncset.done $0x0  }
0x1d3: {  	v57 =	vor.u32 s2, v4;
	[sflag:s17] =	ssyncadd.s32 $0xFFFFF800  }
0x1d4: {  	_ =	swait.ge [sflag:s18], $0x800  }
0x1d5: {  	[sflag:s18] =	ssyncset.done $0x0  }
0x1d6: {  	[sflag:s18] =	ssyncadd.s32 $0xFFFFF800  }
0x1d7: {  	v24 =	vld.idx.msk [tilespmem:v56+s11+$0x0], $0xffff  }
0x1d8: {  	v25 =	vld.idx.msk [tilespmem:v57+s13+$0x0], $0xffff;
	_ =	sdelay $0x4  }
0x1d9: {  	v24 =	vmul.f32 v25, v24;
	_ =	sdelay $0x1  }
0x1da: {  	[tilespmem:$0x104CC] =	vst v24  }
0x1db: {  	s25 =	sand.u32 $0x7F, s3;
	_ =	swait.ge [sflag:s17], $0x800  }
0x1dc: {  	v58 =	vor.u32 s25, v6;
	s26 =	sand.u32 $0x7F, s10;
	[sflag:s17] =	ssyncset.done $0x0  }
0x1dd: {  	v59 =	vor.u32 s26, v6;
	[sflag:s17] =	ssyncadd.s32 $0xFFFFF800  }
0x1de: {  	_ =	swait.ge [sflag:s18], $0x800  }
0x1df: {  	[sflag:s18] =	ssyncset.done $0x0  }
0x1e0: {  	[sflag:s18] =	ssyncadd.s32 $0xFFFFF800  }
0x1e1: {  	v24 =	vld.idx.msk [tilespmem:v58+s11+$0x0], $0xffff  }
0x1e2: {  	v25 =	vld.idx.msk [tilespmem:v59+s13+$0x0], $0xffff;
	_ =	sdelay $0x4  }
0x1e3: {  	v24 =	vmul.f32 v25, v24;
	_ =	sdelay $0x1  }
0x1e4: {  	[tilespmem:$0x104DD] =	vst v24  }
0x1e5: {  	s28 =	sand.u32 $0x7F, s5;
	_ =	swait.ge [sflag:s17], $0x800  }
0x1e6: {  	v60 =	vor.u32 s28, v7;
	s29 =	sand.u32 $0x7F, s6;
	[sflag:s17] =	ssyncset.done $0x0  }
0x1e7: {  	v61 =	vor.u32 s29, v7;
	[sflag:s17] =	ssyncadd.s32 $0xFFFFF800  }
0x1e8: {  	_ =	swait.ge [sflag:s18], $0x800  }
0x1e9: {  	[sflag:s18] =	ssyncset.done $0x0  }
0x1ea: {  	[sflag:s18] =	ssyncadd.s32 $0xFFFFF800  }
0x1eb: {  	v24 =	vld.idx.msk [tilespmem:v60+s11+$0x0], $0xffff  }
0x1ec: {  	v25 =	vld.idx.msk [tilespmem:v61+s13+$0x0], $0xffff;
	_ =	sdelay $0x4  }
0x1ed: {  	v24 =	vmul.f32 v25, v24;
	_ =	sdelay $0x1  }
0x1ee: {  	[tilespmem:$0x104EE] =	vst v24  }
0x1ef: {  	s30 =	sand.u32 $0x7F, s7;
	_ =	swait.ge [sflag:s17], $0x800  }
0x1f0: {  	v62 =	vor.u32 s30, v8;
	s31 =	sand.u32 $0x7F, s8;
	[sflag:s17] =	ssyncset.done $0x0  }
0x1f1: {  	v63 =	vor.u32 s31, v8;
	[sflag:s17] =	ssyncadd.s32 $0xFFFFF800  }
0x1f2: {  	_ =	swait.ge [sflag:s18], $0x800  }
0x1f3: {  	[sflag:s18] =	ssyncset.done $0x0  }
0x1f4: {  	[sflag:s18] =	ssyncadd.s32 $0xFFFFF800  }
0x1f5: {  	v24 =	vld.idx.msk [tilespmem:v62+s11+$0x0], $0xffff  }
0x1f6: {  	v25 =	vld.idx.msk [tilespmem:v63+s13+$0x0], $0xffff;
	_ =	sdelay $0x1  }
0x1f7: {  	p0 =	seq.s32 s20, $0x7C0  }
.Ltmp4:
0x1f8: {  	_ = 	snop;
	(pc) =	sbr.rel @p0 .LBB2_4-.Ltmp4, $3  }
0x1f9: {  	_ = 	snop  }
0x1fa: {  	v24 =	vmul.f32 v25, v24;
	_ =	sdelay $0x1  }
0x1fb: {  	[tilespmem:$0x104FF] =	vst v24  }
0x1fc: {  	v24 =	vld [tilespmem:s21+$0x10];
	_ =	sdelay $0x3  }
0x1fd: {  	v25 =	vld [tilespmem:s21+$0x210]  }
0x1fe: {  	(v2sf) =	vpush v24, $0x0;
	_ =	sdelay $0x3  }
0x1ff: {  	(v2sf) =	vpush v25, $0x0;
	_ =	sdelay $0x4  }
0x200: {  	(v2sf) =	vpush v24, $0x1;
	_ =	sdelay $0x5  }
0x201: {  	s2 =	spop (v2sf)  }
0x202: {  	(v2sf) =	vpush v25, $0x1;
	s2 =	sand.u32 $0xFFFFF80, s2  }
0x203: {  	s2 =	sadd.s32 s0, s2  }
0x204: {  	[tilespmem:s11], [sflag:$0x1] =	stream.linear.gather [hbm4b:s2+s4], $0x400, $0x38;
	[tilespmem:$0x10780] =	vst v63  }
0x205: {  	s3 =	simm.s32 $0xC00;
	s10 =	spop (v2sf);
	s2 =	sadd.s32 $0xF4280, s2  }
0x206: {  	(v2sf) =	vpush v24, $0x2;
	[tilespmem:s3], [sflag:$0x1] =	stream.linear.gather [hbm4b:s2+s4], $0x400, $0x38;
	[tilespmem:$0x10780] =	vst v63  }
0x207: {  	s2 =	sand.u32 $0xFFFFF80, s10  }
0x208: {  	s2 =	sadd.s32 s1, s2  }
0x209: {  	[tilespmem:s13], [sflag:$0x2] =	stream.linear.gather [hbm4b:s2+s4], $0x400, $0x38;
	[tilespmem:$0x10780] =	vst v63  }
0x20a: {  	s22 =	simm.s32 $0x8C00;
	s23 =	spop (v2sf);
	s2 =	sadd.s32 $0xF4280, s2  }
0x20b: {  	(v2sf) =	vpush v25, $0x2;
	[tilespmem:s22], [sflag:$0x2] =	stream.linear.gather [hbm4b:s2+s4], $0x400, $0x38;
	[tilespmem:$0x10780] =	vst v63  }
0x20c: {  	s2 =	sand.u32 $0xFFFFF80, s23  }
0x20d: {  	s24 =	simm.s32 $0x1400;
	s2 =	sadd.s32 s0, s2  }
0x20e: {  	[tilespmem:s24], [sflag:$0x1] =	stream.linear.gather [hbm4b:s2+s4], $0x400, $0x38;
	[tilespmem:$0x10780] =	vst v63  }
0x20f: {  	s25 =	simm.s32 $0x1C00;
	s2 =	sadd.s32 $0xF4280, s2  }
0x210: {  	[tilespmem:s25], [sflag:$0x1] =	stream.linear.gather [hbm4b:s2+s4], $0x400, $0x38;
	[tilespmem:$0x10780] =	vst v63  }
0x211: {  	s26 =	spop (v2sf)  }
0x212: {  	(v2sf) =	vpush v24, $0x3;
	s2 =	sand.u32 $0xFFFFF80, s26  }
0x213: {  	s28 =	simm.s32 $0x9400;
	s2 =	sadd.s32 s1, s2  }
0x214: {  	[tilespmem:s28], [sflag:$0x2] =	stream.linear.gather [hbm4b:s2+s4], $0x400, $0x38;
	[tilespmem:$0x10780] =	vst v63  }
0x215: {  	s29 =	simm.s32 $0x9C00;
	s30 =	spop (v2sf);
	s2 =	sadd.s32 $0xF4280, s2  }
0x216: {  	(v2sf) =	vpush v25, $0x3;
	[tilespmem:s29], [sflag:$0x2] =	stream.linear.gather [hbm4b:s2+s4], $0x400, $0x38;
	[tilespmem:$0x10780] =	vst v63  }
0x217: {  	s2 =	sand.u32 $0xFFFFF80, s30  }
0x218: {  	s31 =	simm.s32 $0x2400;
	s2 =	sadd.s32 s0, s2  }
0x219: {  	[tilespmem:s31], [sflag:$0x1] =	stream.linear.gather [hbm4b:s2+s4], $0x400, $0x38;
	[tilespmem:$0x10780] =	vst v63  }
0x21a: {  	s5 =	simm.s32 $0x2C00;
	s6 =	spop (v2sf);
	s2 =	sadd.s32 $0xF4280, s2  }
0x21b: {  	(v2sf) =	vpush v24, $0x4;
	[tilespmem:s5], [sflag:$0x1] =	stream.linear.gather [hbm4b:s2+s4], $0x400, $0x38;
	[tilespmem:$0x10780] =	vst v63  }
0x21c: {  	s2 =	sand.u32 $0xFFFFF80, s6  }
0x21d: {  	s7 =	simm.s32 $0xA400;
	s2 =	sadd.s32 s1, s2  }
0x21e: {  	[tilespmem:s7], [sflag:$0x2] =	stream.linear.gather [hbm4b:s2+s4], $0x400, $0x38;
	[tilespmem:$0x10780] =	vst v63  }
0x21f: {  	s8 =	simm.s32 $0xAC00;
	s2 =	sadd.s32 $0xF4280, s2  }
0x220: {  	[tilespmem:s8], [sflag:$0x2] =	stream.linear.gather [hbm4b:s2+s4], $0x400, $0x38;
	[tilespmem:$0x10780] =	vst v63  }
0x221: {  	s9 =	spop (v2sf)  }
0x222: {  	(v2sf) =	vpush v25, $0x4;
	s2 =	sand.u32 $0xFFFFF80, s9  }
0x223: {  	s10 =	simm.s32 $0x3400;
	s2 =	sadd.s32 s0, s2  }
0x224: {  	[tilespmem:s10], [sflag:$0x1] =	stream.linear.gather [hbm4b:s2+s4], $0x400, $0x38;
	[tilespmem:$0x10780] =	vst v63  }
0x225: {  	s22 =	simm.s32 $0x3C00;
	s23 =	spop (v2sf);
	s2 =	sadd.s32 $0xF4280, s2  }
0x226: {  	(v2sf) =	vpush v24, $0x5;
	[tilespmem:s22], [sflag:$0x1] =	stream.linear.gather [hbm4b:s2+s4], $0x400, $0x38;
	[tilespmem:$0x10780] =	vst v63  }
0x227: {  	s2 =	sand.u32 $0xFFFFF80, s23  }
0x228: {  	s24 =	simm.s32 $0xB400;
	s2 =	sadd.s32 s1, s2  }
0x229: {  	[tilespmem:s24], [sflag:$0x2] =	stream.linear.gather [hbm4b:s2+s4], $0x400, $0x38;
	[tilespmem:$0x10780] =	vst v63  }
0x22a: {  	s25 =	simm.s32 $0xBC00;
	s26 =	spop (v2sf);
	s2 =	sadd.s32 $0xF4280, s2  }
0x22b: {  	(v2sf) =	vpush v25, $0x5;
	[tilespmem:s25], [sflag:$0x2] =	stream.linear.gather [hbm4b:s2+s4], $0x400, $0x38;
	[tilespmem:$0x10780] =	vst v63  }
0x22c: {  	s2 =	sand.u32 $0xFFFFF80, s26  }
0x22d: {  	s28 =	simm.s32 $0x4400;
	s2 =	sadd.s32 s0, s2  }
0x22e: {  	[tilespmem:s28], [sflag:$0x1] =	stream.linear.gather [hbm4b:s2+s4], $0x400, $0x38;
	[tilespmem:$0x10780] =	vst v63  }
0x22f: {  	s29 =	simm.s32 $0x4C00;
	s2 =	sadd.s32 $0xF4280, s2  }
0x230: {  	[tilespmem:s29], [sflag:$0x1] =	stream.linear.gather [hbm4b:s2+s4], $0x400, $0x38;
	[tilespmem:$0x10780] =	vst v63  }
0x231: {  	s30 =	spop (v2sf)  }
0x232: {  	(v2sf) =	vpush v24, $0x6;
	s2 =	sand.u32 $0xFFFFF80, s30  }
0x233: {  	s31 =	simm.s32 $0xC400;
	s2 =	sadd.s32 s1, s2  }
0x234: {  	[tilespmem:s31], [sflag:$0x2] =	stream.linear.gather [hbm4b:s2+s4], $0x400, $0x38;
	[tilespmem:$0x10780] =	vst v63  }
0x235: {  	s5 =	simm.s32 $0xCC00;
	s6 =	spop (v2sf);
	s2 =	sadd.s32 $0xF4280, s2  }
0x236: {  	(v2sf) =	vpush v25, $0x6;
	[tilespmem:s5], [sflag:$0x2] =	stream.linear.gather [hbm4b:s2+s4], $0x400, $0x38;
	[tilespmem:$0x10780] =	vst v63  }
0x237: {  	s2 =	sand.u32 $0xFFFFF80, s6  }
0x238: {  	s7 =	simm.s32 $0x5400;
	s2 =	sadd.s32 s0, s2  }
0x239: {  	[tilespmem:s7], [sflag:$0x1] =	stream.linear.gather [hbm4b:s2+s4], $0x400, $0x38;
	[tilespmem:$0x10780] =	vst v63  }
0x23a: {  	s8 =	simm.s32 $0x5C00;
	s9 =	spop (v2sf);
	s2 =	sadd.s32 $0xF4280, s2  }
0x23b: {  	(v2sf) =	vpush v24, $0x7;
	[tilespmem:s8], [sflag:$0x1] =	stream.linear.gather [hbm4b:s2+s4], $0x400, $0x38;
	[tilespmem:$0x10780] =	vst v63  }
0x23c: {  	s2 =	sand.u32 $0xFFFFF80, s9  }
0x23d: {  	s10 =	simm.s32 $0xD400;
	s2 =	sadd.s32 s1, s2  }
0x23e: {  	[tilespmem:s10], [sflag:$0x2] =	stream.linear.gather [hbm4b:s2+s4], $0x400, $0x38;
	[tilespmem:$0x10780] =	vst v63  }
0x23f: {  	s22 =	simm.s32 $0xDC00;
	s2 =	sadd.s32 $0xF4280, s2  }
0x240: {  	[tilespmem:s22], [sflag:$0x2] =	stream.linear.gather [hbm4b:s2+s4], $0x400, $0x38;
	[tilespmem:$0x10780] =	vst v63  }
0x241: {  	s23 =	spop (v2sf)  }
0x242: {  	(v2sf) =	vpush v25, $0x7;
	s2 =	sand.u32 $0xFFFFF80, s23  }
0x243: {  	s24 =	simm.s32 $0x6400;
	s2 =	sadd.s32 s0, s2  }
0x244: {  	[tilespmem:s24], [sflag:$0x1] =	stream.linear.gather [hbm4b:s2+s4], $0x400, $0x38;
	[tilespmem:$0x10780] =	vst v63  }
0x245: {  	s25 =	simm.s32 $0x6C00;
	s26 =	spop (v2sf);
	s2 =	sadd.s32 $0xF4280, s2  }
0x246: {  	[tilespmem:s25], [sflag:$0x1] =	stream.linear.gather [hbm4b:s2+s4], $0x400, $0x38;
	[tilespmem:$0x10780] =	vst v63  }
0x247: {  	s2 =	sand.u32 $0xFFFFF80, s26  }
0x248: {  	s28 =	simm.s32 $0xE400;
	s2 =	sadd.s32 s1, s2  }
0x249: {  	[tilespmem:s28], [sflag:$0x2] =	stream.linear.gather [hbm4b:s2+s4], $0x400, $0x38;
	[tilespmem:$0x10780] =	vst v63  }
0x24a: {  	s29 =	simm.s32 $0xEC00;
	s30 =	spop (v2sf);
	s2 =	sadd.s32 $0xF4280, s2  }
0x24b: {  	[tilespmem:s29], [sflag:$0x2] =	stream.linear.gather [hbm4b:s2+s4], $0x400, $0x38;
	[tilespmem:$0x10780] =	vst v63  }
0x24c: {  	s2 =	sand.u32 $0xFFFFF80, s30  }
0x24d: {  	s2 =	sadd.s32 s0, s2  }
0x24e: {  	[tilespmem:s12], [sflag:$0x1] =	stream.linear.gather [hbm4b:s2+s4], $0x400, $0x38;
	[tilespmem:$0x10780] =	vst v63  }
0x24f: {  	s2 =	sadd.s32 $0xF4280, s2  }
0x250: {  	[tilespmem:s14], [sflag:$0x1] =	stream.linear.gather [hbm4b:s2+s4], $0x400, $0x38;
	[tilespmem:$0x10780] =	vst v63  }
0x251: {  	s31 =	spop (v2sf)  }
.Ltmp5:
0x252: {  	s2 =	sand.u32 $0xFFFFF80, s31;
	(pc) =	sbr.rel .LBB2_4-.Ltmp5, $4  }
0x253: {  	s2 =	sadd.s32 s1, s2  }
0x254: {  	[tilespmem:s15], [sflag:$0x2] =	stream.linear.gather [hbm4b:s2+s4], $0x400, $0x38;
	[tilespmem:$0x10780] =	vst v63  }
0x255: {  	s2 =	sadd.s32 $0xF4280, s2  }
0x256: {  	[tilespmem:s16], [sflag:$0x2] =	stream.linear.gather [hbm4b:s2+s4], $0x400, $0x38;
	[tilespmem:$0x10780] =	vst v63  }
.LBB2_6:
0x257: {  	_ =	sfence.sel $0x180000  }
0x258: {  	[bflag:$0x0] =	sbarrier.arrive $0xFFFF  }
0x259: {  	_ =	strace $0x90000047  }
0x25a: {  	s0 =	stileid.u32;
	[bflag:$0x2] =	sbarrier.arrive $0xFFFF  }
0x25b: {  	p0 =	sne.s32 s0, $0x0;
	s0 =	rddreg [dreg:$0x5]  }
0x25c: {  	s0 =	sadd.s32 @!p0 $0x100000, s0  }
0x25d: {  	[sflag:s0] =	ssyncadd.tile.s32 @!p0 $0x1;
	_ =	shalt  }
.Lfunc_end2:
_tile_overlayer_lowered:
.L_overlay_start_2:
0x25e: {  	(tag) =	ssettag $0x2  }
0x25f: {  	s0 =	rddreg [dreg:$0x0];
	s2 =	stileid.u32  }
0x260: {  	s1 =	rddreg [dreg:$0x1];
	p0 =	sne.s32 s2, $0x0  }
0x261: {  	s3 =	rddreg [dreg:$0x2];
	[bflag:$0x3] =	sbarrier.arrive $0xFFFF;
	s2 =	simm.s32 @!p0 $0x1C03  }
0x262: {  	[timem:s3], [sflag:s2] =	dma.local @!p0 [hbm:s0], s1  }
0x263: {  	s0 =	simm.s32 @!p0 $0x3  }
0x264: {  	_ =	swait.ge @!p0 [sflag:s0], s1  }
0x265: {  	s1 =	ssub.s32 @!p0 $0x0, s1;
	[sflag:s0] =	ssyncset.done @!p0 $0x0  }
0x266: {  	[sflag:s0] =	ssyncadd.s32 @!p0 s1  }
0x267: {  	[bflag:$0x3] =	sbarrier.arrive $0xFFFF  }
0x268: {  	_ =	shalt  }

</sc_bundles>
